<compile_context>
chip_gen: v7x
topology: tpu7x:2x2x1
jax: 0.10.2.dev20260603
libtpu: 0.0.44.dev20260713+nightly
codegen_flags: <defaults>
</compile_context>

<pallas_src>
import functools

import jax
import jax.numpy as jnp
from jax import lax
from jax.experimental import pallas as pl
from jax.experimental.pallas import tpu as pltpu
from jax.experimental.pallas import tpu_sc as plsc

N_NODES = 10000
N_PAD = 10112
E_EDGES = 320000
D = 128
NUM_CORES = 2
NUM_SUBCORES = 16
NW = NUM_CORES * NUM_SUBCORES
CHUNK = 128
NCHUNKS = 80
EPW = NCHUNKS * CHUNK
E_PAD = EPW * NW
ROWS_PER_TILE = N_PAD // NUM_SUBCORES
NSLABS = 128
SLAB_CHUNKS = 20
SLABS_SC0 = 7

@functools.cache
def _get_degree_kernel():
    mesh = plsc.VectorSubcoreMesh(
        core_axis_name="c", subcore_axis_name="s",
        num_cores=NUM_CORES, num_subcores=NUM_SUBCORES)
    return functools.partial(
        pl.kernel,
        out_type=jax.ShapeDtypeStruct((NUM_CORES, N_PAD, D), jnp.float32),
        mesh=mesh,
        scratch_types=[
            pltpu.VMEM((NCHUNKS // 2, CHUNK), jnp.int32),
            pltpu.VMEM((NCHUNKS // 2, CHUNK), jnp.int32),
            pltpu.VMEM((CHUNK, D), jnp.float32),
            pltpu.VMEM((CHUNK, D), jnp.float32),
            pltpu.VMEM_SHARED((N_PAD, D), jnp.float32),
        ],
    )(_degree_kernel_body)


def _degree_kernel_body(src_hbm, dst_hbm, ones_s_hbm, ones_d_hbm, zeros_hbm,
                        degp_hbm, sidx2d, didx2d, ones_s, ones_d, acc):
    cid = lax.axis_index("c")
    sid = lax.axis_index("s")
    wid = sid * NUM_CORES + cid
    rows_lo = sid * ROWS_PER_TILE

    pltpu.sync_copy(zeros_hbm.at[pl.ds(rows_lo, ROWS_PER_TILE)],
                    acc.at[pl.ds(rows_lo, ROWS_PER_TILE)])
    pltpu.sync_copy(ones_s_hbm, ones_s)
    pltpu.sync_copy(ones_d_hbm, ones_d)
    plsc.subcore_barrier()

    for h in range(2):
        pltpu.sync_copy(src_hbm.at[wid, pl.ds(h * _HALF, _HALF)], sidx2d)
        pltpu.sync_copy(dst_hbm.at[wid, pl.ds(h * _HALF, _HALF)], didx2d)

        def body(c, carry):
            pltpu.sync_copy(ones_s, acc.at[sidx2d.at[c]], add=True)
            pltpu.sync_copy(ones_d, acc.at[didx2d.at[c]], add=True)
            return carry

        lax.fori_loop(0, _HALF, body, 0)

    plsc.subcore_barrier()

    pltpu.sync_copy(acc.at[pl.ds(rows_lo, ROWS_PER_TILE)],
                    degp_hbm.at[cid, pl.ds(rows_lo, ROWS_PER_TILE)])


@functools.cache
def _get_agg_kernel():
    mesh = plsc.VectorSubcoreMesh(
        core_axis_name="c", subcore_axis_name="s",
        num_cores=NUM_CORES, num_subcores=NUM_SUBCORES)
    return functools.partial(
        pl.kernel,
        out_type=jax.ShapeDtypeStruct((NUM_CORES, N_PAD, D), jnp.float32),
        mesh=mesh,
        scratch_types=[
            pltpu.VMEM((SLAB_CHUNKS, CHUNK), jnp.int32),
            pltpu.VMEM((SLAB_CHUNKS, CHUNK), jnp.int32),
            pltpu.VMEM((CHUNK, D), jnp.float32),
            pltpu.VMEM((CHUNK, D), jnp.float32),
            pltpu.VMEM_SHARED((N_PAD, D), jnp.float32),
            pltpu.SemaphoreType.DMA,
            pltpu.SemaphoreType.DMA,
        ],
    )(_agg_kernel_body)


_HALF = NCHUNKS // 2


def _agg_kernel_body(xw_hbm, src_hbm, dst_hbm, zero_hbm, out_hbm,
                     sidx2d, didx2d, rows0, rows1, acc_sh, sem0, sem1):
    cid = lax.axis_index("c")
    sid = lax.axis_index("s")
    rows_lo = sid * ROWS_PER_TILE
    rows_bufs = (rows0, rows1)
    sems = (sem0, sem1)

    pltpu.sync_copy(zero_hbm.at[pl.ds(rows_lo, ROWS_PER_TILE)],
                    acc_sh.at[pl.ds(rows_lo, ROWS_PER_TILE)])
    plsc.subcore_barrier()

    def process_slab(slab):
        pltpu.sync_copy(src_hbm.at[slab], sidx2d)
        pltpu.sync_copy(dst_hbm.at[slab], didx2d)
        pltpu.async_copy(xw_hbm.at[sidx2d.at[0]], rows0, sem0)

        def body(g, carry):
            for b in range(2):
                c = g * 2 + b

                @pl.when(c + 1 < SLAB_CHUNKS)
                def _():
                    pltpu.async_copy(xw_hbm.at[sidx2d.at[c + 1]],
                                     rows_bufs[1 - b], sems[1 - b])

                pltpu.make_async_copy(xw_hbm.at[sidx2d.at[c]],
                                      rows_bufs[b], sems[b]).wait()
                pltpu.sync_copy(rows_bufs[b], acc_sh.at[didx2d.at[c]],
                                add=True)
            return carry

        lax.fori_loop(0, SLAB_CHUNKS // 2, body, 0)

    @pl.when(cid == 0)
    def _():
        def sbody(k, carry):
            process_slab(sid * SLABS_SC0 + k)
            return carry

        lax.fori_loop(0, SLABS_SC0, sbody, 0)

    @pl.when(cid == 1)
    def _():
        process_slab(NUM_SUBCORES * SLABS_SC0 + sid)

    plsc.subcore_barrier()
    pltpu.sync_copy(acc_sh.at[pl.ds(rows_lo, ROWS_PER_TILE)],
                    out_hbm.at[cid, pl.ds(rows_lo, ROWS_PER_TILE)])


def _matmul1_body(feats_ref, w1_ref, out_ref):
    out_ref[...] = jnp.dot(feats_ref[...], w1_ref[...],
                           precision=lax.Precision.HIGHEST,
                           preferred_element_type=jnp.float32)


def _norm_scale_body(degp_ref, xwr_ref, xw_ref, norm_ref):
    deg_d = degp_ref[0, :, 0:1] + degp_ref[1, :, 0:1]
    deg_s = degp_ref[0, :, 64:65] + degp_ref[1, :, 64:65]
    ns = lax.rsqrt(jnp.maximum(deg_s, 1.0))
    nd = lax.rsqrt(jnp.maximum(deg_d, 1.0))
    norm_ref[...] = jnp.concatenate([ns, nd], axis=1)
    xw_ref[...] = xwr_ref[...] * ns


def _mid_layer_body(aggp_ref, norm_ref, b1_ref, w2_ref, h1_ref, xw2_ref):
    agg = aggp_ref[0] + aggp_ref[1]
    norm = norm_ref[...]
    ns = norm[:, 0:1]
    nd = norm[:, 1:2]
    h1 = jnp.maximum(agg * nd + b1_ref[...], 0.0)
    h1_ref[...] = h1
    xw2_ref[...] = jnp.dot(h1 * ns, w2_ref[...],
                           precision=lax.Precision.HIGHEST,
                           preferred_element_type=jnp.float32)


def _final_body(aggp_ref, norm_ref, b2_ref, h2_ref):
    agg = aggp_ref[0] + aggp_ref[1]
    nd = norm_ref[...][:, 1:2]
    h2_ref[...] = agg * nd + b2_ref[...]


_matmul1 = pl.pallas_call(
    _matmul1_body,
    out_shape=jax.ShapeDtypeStruct((N_PAD, D), jnp.float32),
)

_norm_scale = pl.pallas_call(
    _norm_scale_body,
    out_shape=(jax.ShapeDtypeStruct((N_PAD, D), jnp.float32),
               jax.ShapeDtypeStruct((N_PAD, 2), jnp.float32)),
)

_mid_layer = pl.pallas_call(
    _mid_layer_body,
    out_shape=(jax.ShapeDtypeStruct((N_PAD, D), jnp.float32),
               jax.ShapeDtypeStruct((N_PAD, D), jnp.float32)),
)

_final_layer = pl.pallas_call(
    _final_body,
    out_shape=jax.ShapeDtypeStruct((N_PAD, D), jnp.float32),
)


def kernel(feats, edge_index, W1, b1, W2, b2):
    src = edge_index[0].astype(jnp.int32)
    dst = edge_index[1].astype(jnp.int32)
    pad = E_PAD - E_EDGES
    dummy = jnp.full((pad,), N_NODES, jnp.int32)
    srcp = jnp.concatenate([src, dummy]).reshape(NW, NCHUNKS, CHUNK)
    dstp = jnp.concatenate([dst, dummy]).reshape(NW, NCHUNKS, CHUNK)
    srcs = srcp.reshape(NSLABS, SLAB_CHUNKS, CHUNK)
    dsts = dstp.reshape(NSLABS, SLAB_CHUNKS, CHUNK)
    featsp = jnp.concatenate(
        [feats, jnp.zeros((N_PAD - N_NODES, D), jnp.float32)], axis=0)
    zero_rows = jnp.zeros((N_PAD, D), jnp.float32)
    lane = jnp.arange(D, dtype=jnp.int32)[None, :]
    ones_s = jnp.broadcast_to((lane >= 64).astype(jnp.float32), (CHUNK, D))
    ones_d = jnp.broadcast_to((lane < 64).astype(jnp.float32), (CHUNK, D))

    degree_kernel = _get_degree_kernel()
    agg_kernel = _get_agg_kernel()
    xw1_raw = _matmul1(featsp, W1)
    degp = degree_kernel(srcp, dstp, ones_s, ones_d, zero_rows)
    xw1, norm = _norm_scale(degp, xw1_raw)
    agg1p = agg_kernel(xw1, srcs, dsts, zero_rows)
    h1, xw2 = _mid_layer(agg1p, norm, b1.reshape(1, D), W2)
    agg2p = agg_kernel(xw2, srcs, dsts, zero_rows)
    h2 = _final_layer(agg2p, norm, b2.reshape(1, D))

    h1o = h1[:N_NODES]
    h2o = h2[:N_NODES]
    return ((h1o, h2o), h2o)

# --- scband reference (transcript-rebuilt; emitter-appended) ---
"""Pipeline reference for scband-gcn-2963527434974 (READ-ONLY COPY).

The authoritative reference and input builder live on the scoring server;
editing this copy changes nothing except your own understanding.
"""

import jax, jax.numpy as jnp
import numpy as np

N = 10000
E = 320000
D_IN = 128
D_HID = 128
D_OUT = 128


def setup_inputs(seed: int = 0) -> dict:
    key = jax.random.key(seed)
    k1, k2, k3, k4 = jax.random.split(key, 4)
    feats = jax.random.normal(k1, (N, D_IN), dtype=jnp.float32)
    edge_index = jax.random.randint(k2, (2, E), 0, N, dtype=jnp.int32)
    W1 = jax.random.normal(k3, (D_IN, D_HID), dtype=jnp.float32) * (1.0 / np.sqrt(D_IN))
    b1 = jnp.zeros((D_HID,), dtype=jnp.float32)
    W2 = jax.random.normal(k4, (D_HID, D_OUT), dtype=jnp.float32) * (1.0 / np.sqrt(D_HID))
    b2 = jnp.zeros((D_OUT,), dtype=jnp.float32)
    return {"feats": feats, "edge_index": edge_index, "W1": W1, "b1": b1, "W2": W2, "b2": b2}


def _graph_conv(x, W, b, src, dst, n_nodes, activation):
    # DGL GraphConv, norm='both': h = D_dst^{-1/2} * A @ (D_src^{-1/2} * x) W + b
    ones = jnp.ones(src.shape, dtype=jnp.float32)
    deg_out = jnp.clip(jnp.zeros((n_nodes,), jnp.float32).at[src].add(ones), 1.0, None)
    deg_in = jnp.clip(jnp.zeros((n_nodes,), jnp.float32).at[dst].add(ones), 1.0, None)
    norm_src = jax.lax.rsqrt(deg_out)
    norm_dst = jax.lax.rsqrt(deg_in)
    h = x * norm_src[:, None]
    h = h @ W  # mult W first (in_feats >= out_feats path)
    msg = jnp.take(h, src, axis=0)  # gather over edges
    agg = jax.ops.segment_sum(msg, dst, num_segments=n_nodes)  # scatter-add
    h = agg * norm_dst[:, None] + b
    if activation == "relu":
        h = jax.nn.relu(h)
    return h


def reference(feats, edge_index, W1, b1, W2, b2):
    src = edge_index[0]
    dst = edge_index[1]
    # layer 1 (activation=relu), dropout_ratio=0.0 -> identity
    h1 = _graph_conv(feats, W1, b1, src, dst, N, "relu")
    # layer 2 (no activation on final layer)
    h2 = _graph_conv(h1, W2, b2, src, dst, N, None)
    h_list = (h1, h2)
    return (h_list, h2)

if __name__ == "__main__":
    import jax
    _d = setup_inputs()
    print(jax.jit(kernel)(*tuple(_d.values())))

</pallas_src>

<mosaic_0001>
#map = affine_map<(d0, d1) -> (0, 0)>
#map1 = affine_map<(d0, d1) -> (0, 0, 0)>
module attributes {stable_mosaic.version = 14 : i64} {
  func.func @_agg_kernel_body(%arg0: i32, %arg1: i32, %arg2: memref<10112x128xf32, #tpu.memory_space<hbm>>, %arg3: memref<128x20x128xi32, #tpu.memory_space<hbm>>, %arg4: memref<128x20x128xi32, #tpu.memory_space<hbm>>, %arg5: memref<10112x128xf32, #tpu.memory_space<hbm>>, %arg6: memref<2x10112x128xf32, #tpu.memory_space<hbm>>, %arg7: memref<20x128xi32, #tpu.memory_space<vmem>>, %arg8: memref<20x128xi32, #tpu.memory_space<vmem>>, %arg9: memref<128x128xf32, #tpu.memory_space<vmem>>, %arg10: memref<128x128xf32, #tpu.memory_space<vmem>>, %arg11: memref<10112x128xf32, #tpu.memory_space<vmem_shared>>, %arg12: memref<!tpu.dma_semaphore, #tpu.memory_space<semaphore_mem>>, %arg13: memref<!tpu.dma_semaphore, #tpu.memory_space<semaphore_mem>>) attributes {dimension_semantics = [#tpu.dimension_semantics<core_parallel>, #tpu.dimension_semantics<subcore_parallel>], iteration_bounds = array<i64: 2, 16>, scalar_prefetch = 0 : i64, scratch_operands = 7 : i64, tpu.core_type = #tpu.core_type<sc_vector_subcore>, window_params = [{transform_indices = #map}, {transform_indices = #map1}, {transform_indices = #map1}, {transform_indices = #map}, {transform_indices = #map1}]} {
    %mul3A = arith.constant 632 : i32
    %mul3A_0 = arith.muli %arg1, %mul3A : i32
    "tpu.region"() ({
      %run_scoped3A = tpu.sem_alloc : memref<!tpu.dma_semaphore, #tpu.memory_space<semaphore_mem>>
      %dma_start3A = arith.constant 0 : i32
      %dma_start3A_9 = tpu.memref_slice %arg11[%mul3A_0, %dma_start3A] : memref<10112x128xf32, #tpu.memory_space<vmem_shared>> -> memref<632x128xf32, #tpu.memory_space<vmem_shared>>
      %dma_start3A_10 = arith.constant 0 : i32
      %dma_start3A_11 = tpu.memref_slice %arg5[%mul3A_0, %dma_start3A_10] : memref<10112x128xf32, #tpu.memory_space<hbm>> -> memref<632x128xf32, #tpu.memory_space<hbm>>
      tpu.enqueue_dma source(%dma_start3A_11 : memref<632x128xf32, #tpu.memory_space<hbm>>) target(%dma_start3A_9 : memref<632x128xf32, #tpu.memory_space<vmem_shared>>) target_semaphore(%run_scoped3A : memref<!tpu.dma_semaphore, #tpu.memory_space<semaphore_mem>>)
      %dma_wait3A = arith.constant 0 : i32
      %dma_wait3A_12 = tpu.memref_slice %arg11[%mul3A_0, %dma_wait3A] : memref<10112x128xf32, #tpu.memory_space<vmem_shared>> -> memref<632x128xf32, #tpu.memory_space<vmem_shared>>
      %dma_wait3A_13 = arith.constant 0 : i32
      %dma_wait3A_14 = tpu.memref_slice %arg5[%mul3A_0, %dma_wait3A_13] : memref<10112x128xf32, #tpu.memory_space<hbm>> -> memref<632x128xf32, #tpu.memory_space<hbm>>
      tpu.wait_dma2 semaphore(%run_scoped3A : memref<!tpu.dma_semaphore, #tpu.memory_space<semaphore_mem>>) src(%dma_wait3A_14 : memref<632x128xf32, #tpu.memory_space<hbm>>) dst(%dma_wait3A_12 : memref<632x128xf32, #tpu.memory_space<vmem_shared>>)
      tpu.yield
    }) : () -> ()
    %barrier3A = arith.constant 0 : index
    tpu.barrier barrier_id(%barrier3A)
    %eq3A = arith.constant 0 : i32
    %eq3A_1 = arith.cmpi eq, %arg0, %eq3A : i32
    %convert_element_type3A = arith.extui %eq3A_1 : i1 to i32
    %cond3A = arith.constant 0 : i32
    %cond3A_2 = arith.cmpi ne, %convert_element_type3A, %cond3A : i32
    scf.if %cond3A_2 {
      %scan3A = arith.constant 0 : i32
      %scan3A_9 = arith.constant 0 : i32
      %scan3A_10 = arith.constant 7 : i32
      %scan3A_11 = arith.addi %scan3A_9, %scan3A_10 : i32
      %scan3A_12 = arith.constant 1 : i32
      scf.for %scan3A_14 = %scan3A_9 to %scan3A_11 step %scan3A_12  : i32 {
        %mul3A_15 = arith.constant 7 : i32
        %mul3A_16 = arith.muli %arg1, %mul3A_15 : i32
        %add3A = arith.addi %mul3A_16, %scan3A_14 : i32
        "tpu.region"() ({
          %run_scoped3A = tpu.sem_alloc : memref<!tpu.dma_semaphore, #tpu.memory_space<semaphore_mem>>
          %dma_start3A_29 = arith.constant 0 : i32
          %dma_start3A_30 = arith.constant 0 : i32
          %dma_start3A_31 = tpu.memref_slice %arg3[%add3A, %dma_start3A_29, %dma_start3A_30] : memref<128x20x128xi32, #tpu.memory_space<hbm>> -> memref<1x20x128xi32, #tpu.memory_space<hbm>>
          %dma_start3A_32 = tpu.memref_squeeze %dma_start3A_31 : memref<1x20x128xi32, #tpu.memory_space<hbm>> -> memref<20x128xi32, #tpu.memory_space<hbm>>
          %dma_start3A_33 = arith.constant 0 : i32
          %dma_start3A_34 = arith.constant 0 : i32
          %dma_start3A_35 = tpu.memref_slice %arg3[%add3A, %dma_start3A_33, %dma_start3A_34] : memref<128x20x128xi32, #tpu.memory_space<hbm>> -> memref<1x20x128xi32, #tpu.memory_space<hbm>>
          %dma_start3A_36 = tpu.memref_squeeze %dma_start3A_35 : memref<1x20x128xi32, #tpu.memory_space<hbm>> -> memref<20x128xi32, #tpu.memory_space<hbm>>
          tpu.enqueue_dma source(%dma_start3A_36 : memref<20x128xi32, #tpu.memory_space<hbm>>) target(%arg7 : memref<20x128xi32, #tpu.memory_space<vmem>>) target_semaphore(%run_scoped3A : memref<!tpu.dma_semaphore, #tpu.memory_space<semaphore_mem>>)
          %dma_wait3A = arith.constant 0 : i32
          %dma_wait3A_37 = arith.constant 0 : i32
          %dma_wait3A_38 = tpu.memref_slice %arg3[%add3A, %dma_wait3A, %dma_wait3A_37] : memref<128x20x128xi32, #tpu.memory_space<hbm>> -> memref<1x20x128xi32, #tpu.memory_space<hbm>>
          %dma_wait3A_39 = tpu.memref_squeeze %dma_wait3A_38 : memref<1x20x128xi32, #tpu.memory_space<hbm>> -> memref<20x128xi32, #tpu.memory_space<hbm>>
          %dma_wait3A_40 = arith.constant 0 : i32
          %dma_wait3A_41 = arith.constant 0 : i32
          %dma_wait3A_42 = tpu.memref_slice %arg3[%add3A, %dma_wait3A_40, %dma_wait3A_41] : memref<128x20x128xi32, #tpu.memory_space<hbm>> -> memref<1x20x128xi32, #tpu.memory_space<hbm>>
          %dma_wait3A_43 = tpu.memref_squeeze %dma_wait3A_42 : memref<1x20x128xi32, #tpu.memory_space<hbm>> -> memref<20x128xi32, #tpu.memory_space<hbm>>
          tpu.wait_dma2 semaphore(%run_scoped3A : memref<!tpu.dma_semaphore, #tpu.memory_space<semaphore_mem>>) src(%dma_wait3A_43 : memref<20x128xi32, #tpu.memory_space<hbm>>) dst(%arg7 : memref<20x128xi32, #tpu.memory_space<vmem>>)
          tpu.yield
        }) : () -> ()
        "tpu.region"() ({
          %run_scoped3A = tpu.sem_alloc : memref<!tpu.dma_semaphore, #tpu.memory_space<semaphore_mem>>
          %dma_start3A_29 = arith.constant 0 : i32
          %dma_start3A_30 = arith.constant 0 : i32
          %dma_start3A_31 = tpu.memref_slice %arg4[%add3A, %dma_start3A_29, %dma_start3A_30] : memref<128x20x128xi32, #tpu.memory_space<hbm>> -> memref<1x20x128xi32, #tpu.memory_space<hbm>>
          %dma_start3A_32 = tpu.memref_squeeze %dma_start3A_31 : memref<1x20x128xi32, #tpu.memory_space<hbm>> -> memref<20x128xi32, #tpu.memory_space<hbm>>
          %dma_start3A_33 = arith.constant 0 : i32
          %dma_start3A_34 = arith.constant 0 : i32
          %dma_start3A_35 = tpu.memref_slice %arg4[%add3A, %dma_start3A_33, %dma_start3A_34] : memref<128x20x128xi32, #tpu.memory_space<hbm>> -> memref<1x20x128xi32, #tpu.memory_space<hbm>>
          %dma_start3A_36 = tpu.memref_squeeze %dma_start3A_35 : memref<1x20x128xi32, #tpu.memory_space<hbm>> -> memref<20x128xi32, #tpu.memory_space<hbm>>
          tpu.enqueue_dma source(%dma_start3A_36 : memref<20x128xi32, #tpu.memory_space<hbm>>) target(%arg8 : memref<20x128xi32, #tpu.memory_space<vmem>>) target_semaphore(%run_scoped3A : memref<!tpu.dma_semaphore, #tpu.memory_space<semaphore_mem>>)
          %dma_wait3A = arith.constant 0 : i32
          %dma_wait3A_37 = arith.constant 0 : i32
          %dma_wait3A_38 = tpu.memref_slice %arg4[%add3A, %dma_wait3A, %dma_wait3A_37] : memref<128x20x128xi32, #tpu.memory_space<hbm>> -> memref<1x20x128xi32, #tpu.memory_space<hbm>>
          %dma_wait3A_39 = tpu.memref_squeeze %dma_wait3A_38 : memref<1x20x128xi32, #tpu.memory_space<hbm>> -> memref<20x128xi32, #tpu.memory_space<hbm>>
          %dma_wait3A_40 = arith.constant 0 : i32
          %dma_wait3A_41 = arith.constant 0 : i32
          %dma_wait3A_42 = tpu.memref_slice %arg4[%add3A, %dma_wait3A_40, %dma_wait3A_41] : memref<128x20x128xi32, #tpu.memory_space<hbm>> -> memref<1x20x128xi32, #tpu.memory_space<hbm>>
          %dma_wait3A_43 = tpu.memref_squeeze %dma_wait3A_42 : memref<1x20x128xi32, #tpu.memory_space<hbm>> -> memref<20x128xi32, #tpu.memory_space<hbm>>
          tpu.wait_dma2 semaphore(%run_scoped3A : memref<!tpu.dma_semaphore, #tpu.memory_space<semaphore_mem>>) src(%dma_wait3A_43 : memref<20x128xi32, #tpu.memory_space<hbm>>) dst(%arg8 : memref<20x128xi32, #tpu.memory_space<vmem>>)
          tpu.yield
        }) : () -> ()
        %dma_start3A = arith.constant 0 : i32
        %dma_start3A_17 = arith.constant 0 : i32
        %dma_start3A_18 = tpu.memref_slice %arg7[%dma_start3A, %dma_start3A_17] : memref<20x128xi32, #tpu.memory_space<vmem>> -> memref<1x128xi32, #tpu.memory_space<vmem>>
        %dma_start3A_19 = tpu.memref_squeeze %dma_start3A_18 : memref<1x128xi32, #tpu.memory_space<vmem>> -> memref<128xi32, #tpu.memory_space<vmem>>
        %dma_start3A_20 = arith.constant 0 : i32
        %dma_start3A_21 = arith.constant 0 : i32
        %dma_start3A_22 = tpu.memref_slice %arg2[%dma_start3A_20, %dma_start3A_21] : memref<10112x128xf32, #tpu.memory_space<hbm>> -> memref<10112x128xf32, #tpu.memory_space<hbm>>
        tpu.enqueue_indirect_dma source(%dma_start3A_22 : memref<10112x128xf32, #tpu.memory_space<hbm>>) target(%arg9 : memref<128x128xf32, #tpu.memory_space<vmem>>) offsets(%dma_start3A_19 : memref<128xi32, #tpu.memory_space<vmem>>) semaphore(%arg12 : memref<!tpu.dma_semaphore, #tpu.memory_space<semaphore_mem>>)
        %scan3A_23 = arith.constant 0 : i32
        %scan3A_24 = arith.constant 0 : i32
        %scan3A_25 = arith.constant 10 : i32
        %scan3A_26 = arith.addi %scan3A_24, %scan3A_25 : i32
        %scan3A_27 = arith.constant 1 : i32
        scf.for %scan3A_29 = %scan3A_24 to %scan3A_26 step %scan3A_27  : i32 {
          %mul3A_30 = arith.constant 2 : i32
          %mul3A_31 = arith.muli %scan3A_29, %mul3A_30 : i32
          %add3A_32 = arith.constant 0 : i32
          %add3A_33 = arith.addi %mul3A_31, %add3A_32 : i32
          %add3A_34 = arith.constant 1 : i32
          %add3A_35 = arith.addi %add3A_33, %add3A_34 : i32
          %lt3A = arith.constant 20 : i32
          %lt3A_36 = arith.cmpi slt, %add3A_35, %lt3A : i32
          %convert_element_type3A_37 = arith.extui %lt3A_36 : i1 to i32
          %cond3A_38 = arith.constant 0 : i32
          %cond3A_39 = arith.cmpi ne, %convert_element_type3A_37, %cond3A_38 : i32
          scf.if %cond3A_39 {
            %add3A_62 = arith.constant 1 : i32
            %add3A_63 = arith.addi %add3A_33, %add3A_62 : i32
            %dma_start3A_64 = arith.constant 0 : i32
            %dma_start3A_65 = tpu.memref_slice %arg7[%add3A_63, %dma_start3A_64] : memref<20x128xi32, #tpu.memory_space<vmem>> -> memref<1x128xi32, #tpu.memory_space<vmem>>
            %dma_start3A_66 = tpu.memref_squeeze %dma_start3A_65 : memref<1x128xi32, #tpu.memory_space<vmem>> -> memref<128xi32, #tpu.memory_space<vmem>>
            %dma_start3A_67 = arith.constant 0 : i32
            %dma_start3A_68 = arith.constant 0 : i32
            %dma_start3A_69 = tpu.memref_slice %arg2[%dma_start3A_67, %dma_start3A_68] : memref<10112x128xf32, #tpu.memory_space<hbm>> -> memref<10112x128xf32, #tpu.memory_space<hbm>>
            tpu.enqueue_indirect_dma source(%dma_start3A_69 : memref<10112x128xf32, #tpu.memory_space<hbm>>) target(%arg10 : memref<128x128xf32, #tpu.memory_space<vmem>>) offsets(%dma_start3A_66 : memref<128xi32, #tpu.memory_space<vmem>>) semaphore(%arg13 : memref<!tpu.dma_semaphore, #tpu.memory_space<semaphore_mem>>)
          } else {
          }
          %dma_wait3A = arith.constant 0 : i32
          %dma_wait3A_40 = tpu.memref_slice %arg7[%add3A_33, %dma_wait3A] : memref<20x128xi32, #tpu.memory_space<vmem>> -> memref<1x128xi32, #tpu.memory_space<vmem>>
          %dma_wait3A_41 = tpu.memref_squeeze %dma_wait3A_40 : memref<1x128xi32, #tpu.memory_space<vmem>> -> memref<128xi32, #tpu.memory_space<vmem>>
          %dma_wait3A_42 = arith.constant 0 : i32
          %dma_wait3A_43 = arith.constant 0 : i32
          %dma_wait3A_44 = tpu.memref_slice %arg2[%dma_wait3A_42, %dma_wait3A_43] : memref<10112x128xf32, #tpu.memory_space<hbm>> -> memref<10112x128xf32, #tpu.memory_space<hbm>>
          tpu.wait_indirect_dma semaphore(%arg12 : memref<!tpu.dma_semaphore, #tpu.memory_space<semaphore_mem>>) src(%dma_wait3A_44 : memref<10112x128xf32, #tpu.memory_space<hbm>>) dst(%arg9 : memref<128x128xf32, #tpu.memory_space<vmem>>)
          "tpu.region"() ({
            %run_scoped3A = tpu.sem_alloc : memref<!tpu.dma_semaphore, #tpu.memory_space<semaphore_mem>>
            %dma_start3A_62 = arith.constant 0 : i32
            %dma_start3A_63 = tpu.memref_slice %arg8[%add3A_33, %dma_start3A_62] : memref<20x128xi32, #tpu.memory_space<vmem>> -> memref<1x128xi32, #tpu.memory_space<vmem>>
            %dma_start3A_64 = tpu.memref_squeeze %dma_start3A_63 : memref<1x128xi32, #tpu.memory_space<vmem>> -> memref<128xi32, #tpu.memory_space<vmem>>
            %dma_start3A_65 = arith.constant 0 : i32
            %dma_start3A_66 = arith.constant 0 : i32
            %dma_start3A_67 = tpu.memref_slice %arg11[%dma_start3A_65, %dma_start3A_66] : memref<10112x128xf32, #tpu.memory_space<vmem_shared>> -> memref<10112x128xf32, #tpu.memory_space<vmem_shared>>
            tpu.enqueue_indirect_dma source(%arg9 : memref<128x128xf32, #tpu.memory_space<vmem>>) target(%dma_start3A_67 : memref<10112x128xf32, #tpu.memory_space<vmem_shared>>) offsets(%dma_start3A_64 : memref<128xi32, #tpu.memory_space<vmem>>) semaphore(%run_scoped3A : memref<!tpu.dma_semaphore, #tpu.memory_space<semaphore_mem>>) {add = true}
            %dma_wait3A_68 = arith.constant 0 : i32
            %dma_wait3A_69 = tpu.memref_slice %arg8[%add3A_33, %dma_wait3A_68] : memref<20x128xi32, #tpu.memory_space<vmem>> -> memref<1x128xi32, #tpu.memory_space<vmem>>
            %dma_wait3A_70 = tpu.memref_squeeze %dma_wait3A_69 : memref<1x128xi32, #tpu.memory_space<vmem>> -> memref<128xi32, #tpu.memory_space<vmem>>
            %dma_wait3A_71 = arith.constant 0 : i32
            %dma_wait3A_72 = arith.constant 0 : i32
            %dma_wait3A_73 = tpu.memref_slice %arg11[%dma_wait3A_71, %dma_wait3A_72] : memref<10112x128xf32, #tpu.memory_space<vmem_shared>> -> memref<10112x128xf32, #tpu.memory_space<vmem_shared>>
            tpu.wait_indirect_dma semaphore(%run_scoped3A : memref<!tpu.dma_semaphore, #tpu.memory_space<semaphore_mem>>) src(%arg9 : memref<128x128xf32, #tpu.memory_space<vmem>>) dst(%dma_wait3A_73 : memref<10112x128xf32, #tpu.memory_space<vmem_shared>>)
            tpu.yield
          }) : () -> ()
          %mul3A_45 = arith.constant 2 : i32
          %mul3A_46 = arith.muli %scan3A_29, %mul3A_45 : i32
          %add3A_47 = arith.constant 1 : i32
          %add3A_48 = arith.addi %mul3A_46, %add3A_47 : i32
          %add3A_49 = arith.constant 1 : i32
          %add3A_50 = arith.addi %add3A_48, %add3A_49 : i32
          %lt3A_51 = arith.constant 20 : i32
          %lt3A_52 = arith.cmpi slt, %add3A_50, %lt3A_51 : i32
          %convert_element_type3A_53 = arith.extui %lt3A_52 : i1 to i32
          %cond3A_54 = arith.constant 0 : i32
          %cond3A_55 = arith.cmpi ne, %convert_element_type3A_53, %cond3A_54 : i32
          scf.if %cond3A_55 {
            %add3A_62 = arith.constant 1 : i32
            %add3A_63 = arith.addi %add3A_48, %add3A_62 : i32
            %dma_start3A_64 = arith.constant 0 : i32
            %dma_start3A_65 = tpu.memref_slice %arg7[%add3A_63, %dma_start3A_64] : memref<20x128xi32, #tpu.memory_space<vmem>> -> memref<1x128xi32, #tpu.memory_space<vmem>>
            %dma_start3A_66 = tpu.memref_squeeze %dma_start3A_65 : memref<1x128xi32, #tpu.memory_space<vmem>> -> memref<128xi32, #tpu.memory_space<vmem>>
            %dma_start3A_67 = arith.constant 0 : i32
            %dma_start3A_68 = arith.constant 0 : i32
            %dma_start3A_69 = tpu.memref_slice %arg2[%dma_start3A_67, %dma_start3A_68] : memref<10112x128xf32, #tpu.memory_space<hbm>> -> memref<10112x128xf32, #tpu.memory_space<hbm>>
            tpu.enqueue_indirect_dma source(%dma_start3A_69 : memref<10112x128xf32, #tpu.memory_space<hbm>>) target(%arg9 : memref<128x128xf32, #tpu.memory_space<vmem>>) offsets(%dma_start3A_66 : memref<128xi32, #tpu.memory_space<vmem>>) semaphore(%arg12 : memref<!tpu.dma_semaphore, #tpu.memory_space<semaphore_mem>>)
          } else {
          }
          %dma_wait3A_56 = arith.constant 0 : i32
          %dma_wait3A_57 = tpu.memref_slice %arg7[%add3A_48, %dma_wait3A_56] : memref<20x128xi32, #tpu.memory_space<vmem>> -> memref<1x128xi32, #tpu.memory_space<vmem>>
          %dma_wait3A_58 = tpu.memref_squeeze %dma_wait3A_57 : memref<1x128xi32, #tpu.memory_space<vmem>> -> memref<128xi32, #tpu.memory_space<vmem>>
          %dma_wait3A_59 = arith.constant 0 : i32
          %dma_wait3A_60 = arith.constant 0 : i32
          %dma_wait3A_61 = tpu.memref_slice %arg2[%dma_wait3A_59, %dma_wait3A_60] : memref<10112x128xf32, #tpu.memory_space<hbm>> -> memref<10112x128xf32, #tpu.memory_space<hbm>>
          tpu.wait_indirect_dma semaphore(%arg13 : memref<!tpu.dma_semaphore, #tpu.memory_space<semaphore_mem>>) src(%dma_wait3A_61 : memref<10112x128xf32, #tpu.memory_space<hbm>>) dst(%arg10 : memref<128x128xf32, #tpu.memory_space<vmem>>)
          "tpu.region"() ({
            %run_scoped3A = tpu.sem_alloc : memref<!tpu.dma_semaphore, #tpu.memory_space<semaphore_mem>>
            %dma_start3A_62 = arith.constant 0 : i32
            %dma_start3A_63 = tpu.memref_slice %arg8[%add3A_48, %dma_start3A_62] : memref<20x128xi32, #tpu.memory_space<vmem>> -> memref<1x128xi32, #tpu.memory_space<vmem>>
            %dma_start3A_64 = tpu.memref_squeeze %dma_start3A_63 : memref<1x128xi32, #tpu.memory_space<vmem>> -> memref<128xi32, #tpu.memory_space<vmem>>
            %dma_start3A_65 = arith.constant 0 : i32
            %dma_start3A_66 = arith.constant 0 : i32
            %dma_start3A_67 = tpu.memref_slice %arg11[%dma_start3A_65, %dma_start3A_66] : memref<10112x128xf32, #tpu.memory_space<vmem_shared>> -> memref<10112x128xf32, #tpu.memory_space<vmem_shared>>
            tpu.enqueue_indirect_dma source(%arg10 : memref<128x128xf32, #tpu.memory_space<vmem>>) target(%dma_start3A_67 : memref<10112x128xf32, #tpu.memory_space<vmem_shared>>) offsets(%dma_start3A_64 : memref<128xi32, #tpu.memory_space<vmem>>) semaphore(%run_scoped3A : memref<!tpu.dma_semaphore, #tpu.memory_space<semaphore_mem>>) {add = true}
            %dma_wait3A_68 = arith.constant 0 : i32
            %dma_wait3A_69 = tpu.memref_slice %arg8[%add3A_48, %dma_wait3A_68] : memref<20x128xi32, #tpu.memory_space<vmem>> -> memref<1x128xi32, #tpu.memory_space<vmem>>
            %dma_wait3A_70 = tpu.memref_squeeze %dma_wait3A_69 : memref<1x128xi32, #tpu.memory_space<vmem>> -> memref<128xi32, #tpu.memory_space<vmem>>
            %dma_wait3A_71 = arith.constant 0 : i32
            %dma_wait3A_72 = arith.constant 0 : i32
            %dma_wait3A_73 = tpu.memref_slice %arg11[%dma_wait3A_71, %dma_wait3A_72] : memref<10112x128xf32, #tpu.memory_space<vmem_shared>> -> memref<10112x128xf32, #tpu.memory_space<vmem_shared>>
            tpu.wait_indirect_dma semaphore(%run_scoped3A : memref<!tpu.dma_semaphore, #tpu.memory_space<semaphore_mem>>) src(%arg10 : memref<128x128xf32, #tpu.memory_space<vmem>>) dst(%dma_wait3A_73 : memref<10112x128xf32, #tpu.memory_space<vmem_shared>>)
            tpu.yield
          }) : () -> ()
        }
        %scan3A_28 = arith.constant 10 : i32
      }
      %scan3A_13 = arith.constant 7 : i32
    } else {
    }
    %eq3A_3 = arith.constant 1 : i32
    %eq3A_4 = arith.cmpi eq, %arg0, %eq3A_3 : i32
    %convert_element_type3A_5 = arith.extui %eq3A_4 : i1 to i32
    %cond3A_6 = arith.constant 0 : i32
    %cond3A_7 = arith.cmpi ne, %convert_element_type3A_5, %cond3A_6 : i32
    scf.if %cond3A_7 {
      %add3A = arith.constant 112 : i32
      %add3A_9 = arith.addi %add3A, %arg1 : i32
      "tpu.region"() ({
        %run_scoped3A = tpu.sem_alloc : memref<!tpu.dma_semaphore, #tpu.memory_space<semaphore_mem>>
        %dma_start3A_21 = arith.constant 0 : i32
        %dma_start3A_22 = arith.constant 0 : i32
        %dma_start3A_23 = tpu.memref_slice %arg3[%add3A_9, %dma_start3A_21, %dma_start3A_22] : memref<128x20x128xi32, #tpu.memory_space<hbm>> -> memref<1x20x128xi32, #tpu.memory_space<hbm>>
        %dma_start3A_24 = tpu.memref_squeeze %dma_start3A_23 : memref<1x20x128xi32, #tpu.memory_space<hbm>> -> memref<20x128xi32, #tpu.memory_space<hbm>>
        %dma_start3A_25 = arith.constant 0 : i32
        %dma_start3A_26 = arith.constant 0 : i32
        %dma_start3A_27 = tpu.memref_slice %arg3[%add3A_9, %dma_start3A_25, %dma_start3A_26] : memref<128x20x128xi32, #tpu.memory_space<hbm>> -> memref<1x20x128xi32, #tpu.memory_space<hbm>>
        %dma_start3A_28 = tpu.memref_squeeze %dma_start3A_27 : memref<1x20x128xi32, #tpu.memory_space<hbm>> -> memref<20x128xi32, #tpu.memory_space<hbm>>
        tpu.enqueue_dma source(%dma_start3A_28 : memref<20x128xi32, #tpu.memory_space<hbm>>) target(%arg7 : memref<20x128xi32, #tpu.memory_space<vmem>>) target_semaphore(%run_scoped3A : memref<!tpu.dma_semaphore, #tpu.memory_space<semaphore_mem>>)
        %dma_wait3A = arith.constant 0 : i32
        %dma_wait3A_29 = arith.constant 0 : i32
        %dma_wait3A_30 = tpu.memref_slice %arg3[%add3A_9, %dma_wait3A, %dma_wait3A_29] : memref<128x20x128xi32, #tpu.memory_space<hbm>> -> memref<1x20x128xi32, #tpu.memory_space<hbm>>
        %dma_wait3A_31 = tpu.memref_squeeze %dma_wait3A_30 : memref<1x20x128xi32, #tpu.memory_space<hbm>> -> memref<20x128xi32, #tpu.memory_space<hbm>>
        %dma_wait3A_32 = arith.constant 0 : i32
        %dma_wait3A_33 = arith.constant 0 : i32
        %dma_wait3A_34 = tpu.memref_slice %arg3[%add3A_9, %dma_wait3A_32, %dma_wait3A_33] : memref<128x20x128xi32, #tpu.memory_space<hbm>> -> memref<1x20x128xi32, #tpu.memory_space<hbm>>
        %dma_wait3A_35 = tpu.memref_squeeze %dma_wait3A_34 : memref<1x20x128xi32, #tpu.memory_space<hbm>> -> memref<20x128xi32, #tpu.memory_space<hbm>>
        tpu.wait_dma2 semaphore(%run_scoped3A : memref<!tpu.dma_semaphore, #tpu.memory_space<semaphore_mem>>) src(%dma_wait3A_35 : memref<20x128xi32, #tpu.memory_space<hbm>>) dst(%arg7 : memref<20x128xi32, #tpu.memory_space<vmem>>)
        tpu.yield
      }) : () -> ()
      "tpu.region"() ({
        %run_scoped3A = tpu.sem_alloc : memref<!tpu.dma_semaphore, #tpu.memory_space<semaphore_mem>>
        %dma_start3A_21 = arith.constant 0 : i32
        %dma_start3A_22 = arith.constant 0 : i32
        %dma_start3A_23 = tpu.memref_slice %arg4[%add3A_9, %dma_start3A_21, %dma_start3A_22] : memref<128x20x128xi32, #tpu.memory_space<hbm>> -> memref<1x20x128xi32, #tpu.memory_space<hbm>>
        %dma_start3A_24 = tpu.memref_squeeze %dma_start3A_23 : memref<1x20x128xi32, #tpu.memory_space<hbm>> -> memref<20x128xi32, #tpu.memory_space<hbm>>
        %dma_start3A_25 = arith.constant 0 : i32
        %dma_start3A_26 = arith.constant 0 : i32
        %dma_start3A_27 = tpu.memref_slice %arg4[%add3A_9, %dma_start3A_25, %dma_start3A_26] : memref<128x20x128xi32, #tpu.memory_space<hbm>> -> memref<1x20x128xi32, #tpu.memory_space<hbm>>
        %dma_start3A_28 = tpu.memref_squeeze %dma_start3A_27 : memref<1x20x128xi32, #tpu.memory_space<hbm>> -> memref<20x128xi32, #tpu.memory_space<hbm>>
        tpu.enqueue_dma source(%dma_start3A_28 : memref<20x128xi32, #tpu.memory_space<hbm>>) target(%arg8 : memref<20x128xi32, #tpu.memory_space<vmem>>) target_semaphore(%run_scoped3A : memref<!tpu.dma_semaphore, #tpu.memory_space<semaphore_mem>>)
        %dma_wait3A = arith.constant 0 : i32
        %dma_wait3A_29 = arith.constant 0 : i32
        %dma_wait3A_30 = tpu.memref_slice %arg4[%add3A_9, %dma_wait3A, %dma_wait3A_29] : memref<128x20x128xi32, #tpu.memory_space<hbm>> -> memref<1x20x128xi32, #tpu.memory_space<hbm>>
        %dma_wait3A_31 = tpu.memref_squeeze %dma_wait3A_30 : memref<1x20x128xi32, #tpu.memory_space<hbm>> -> memref<20x128xi32, #tpu.memory_space<hbm>>
        %dma_wait3A_32 = arith.constant 0 : i32
        %dma_wait3A_33 = arith.constant 0 : i32
        %dma_wait3A_34 = tpu.memref_slice %arg4[%add3A_9, %dma_wait3A_32, %dma_wait3A_33] : memref<128x20x128xi32, #tpu.memory_space<hbm>> -> memref<1x20x128xi32, #tpu.memory_space<hbm>>
        %dma_wait3A_35 = tpu.memref_squeeze %dma_wait3A_34 : memref<1x20x128xi32, #tpu.memory_space<hbm>> -> memref<20x128xi32, #tpu.memory_space<hbm>>
        tpu.wait_dma2 semaphore(%run_scoped3A : memref<!tpu.dma_semaphore, #tpu.memory_space<semaphore_mem>>) src(%dma_wait3A_35 : memref<20x128xi32, #tpu.memory_space<hbm>>) dst(%arg8 : memref<20x128xi32, #tpu.memory_space<vmem>>)
        tpu.yield
      }) : () -> ()
      %dma_start3A = arith.constant 0 : i32
      %dma_start3A_10 = arith.constant 0 : i32
      %dma_start3A_11 = tpu.memref_slice %arg7[%dma_start3A, %dma_start3A_10] : memref<20x128xi32, #tpu.memory_space<vmem>> -> memref<1x128xi32, #tpu.memory_space<vmem>>
      %dma_start3A_12 = tpu.memref_squeeze %dma_start3A_11 : memref<1x128xi32, #tpu.memory_space<vmem>> -> memref<128xi32, #tpu.memory_space<vmem>>
      %dma_start3A_13 = arith.constant 0 : i32
      %dma_start3A_14 = arith.constant 0 : i32
      %dma_start3A_15 = tpu.memref_slice %arg2[%dma_start3A_13, %dma_start3A_14] : memref<10112x128xf32, #tpu.memory_space<hbm>> -> memref<10112x128xf32, #tpu.memory_space<hbm>>
      tpu.enqueue_indirect_dma source(%dma_start3A_15 : memref<10112x128xf32, #tpu.memory_space<hbm>>) target(%arg9 : memref<128x128xf32, #tpu.memory_space<vmem>>) offsets(%dma_start3A_12 : memref<128xi32, #tpu.memory_space<vmem>>) semaphore(%arg12 : memref<!tpu.dma_semaphore, #tpu.memory_space<semaphore_mem>>)
      %scan3A = arith.constant 0 : i32
      %scan3A_16 = arith.constant 0 : i32
      %scan3A_17 = arith.constant 10 : i32
      %scan3A_18 = arith.addi %scan3A_16, %scan3A_17 : i32
      %scan3A_19 = arith.constant 1 : i32
      scf.for %scan3A_21 = %scan3A_16 to %scan3A_18 step %scan3A_19  : i32 {
        %mul3A_22 = arith.constant 2 : i32
        %mul3A_23 = arith.muli %scan3A_21, %mul3A_22 : i32
        %add3A_24 = arith.constant 0 : i32
        %add3A_25 = arith.addi %mul3A_23, %add3A_24 : i32
        %add3A_26 = arith.constant 1 : i32
        %add3A_27 = arith.addi %add3A_25, %add3A_26 : i32
        %lt3A = arith.constant 20 : i32
        %lt3A_28 = arith.cmpi slt, %add3A_27, %lt3A : i32
        %convert_element_type3A_29 = arith.extui %lt3A_28 : i1 to i32
        %cond3A_30 = arith.constant 0 : i32
        %cond3A_31 = arith.cmpi ne, %convert_element_type3A_29, %cond3A_30 : i32
        scf.if %cond3A_31 {
          %add3A_54 = arith.constant 1 : i32
          %add3A_55 = arith.addi %add3A_25, %add3A_54 : i32
          %dma_start3A_56 = arith.constant 0 : i32
          %dma_start3A_57 = tpu.memref_slice %arg7[%add3A_55, %dma_start3A_56] : memref<20x128xi32, #tpu.memory_space<vmem>> -> memref<1x128xi32, #tpu.memory_space<vmem>>
          %dma_start3A_58 = tpu.memref_squeeze %dma_start3A_57 : memref<1x128xi32, #tpu.memory_space<vmem>> -> memref<128xi32, #tpu.memory_space<vmem>>
          %dma_start3A_59 = arith.constant 0 : i32
          %dma_start3A_60 = arith.constant 0 : i32
          %dma_start3A_61 = tpu.memref_slice %arg2[%dma_start3A_59, %dma_start3A_60] : memref<10112x128xf32, #tpu.memory_space<hbm>> -> memref<10112x128xf32, #tpu.memory_space<hbm>>
          tpu.enqueue_indirect_dma source(%dma_start3A_61 : memref<10112x128xf32, #tpu.memory_space<hbm>>) target(%arg10 : memref<128x128xf32, #tpu.memory_space<vmem>>) offsets(%dma_start3A_58 : memref<128xi32, #tpu.memory_space<vmem>>) semaphore(%arg13 : memref<!tpu.dma_semaphore, #tpu.memory_space<semaphore_mem>>)
        } else {
        }
        %dma_wait3A = arith.constant 0 : i32
        %dma_wait3A_32 = tpu.memref_slice %arg7[%add3A_25, %dma_wait3A] : memref<20x128xi32, #tpu.memory_space<vmem>> -> memref<1x128xi32, #tpu.memory_space<vmem>>
        %dma_wait3A_33 = tpu.memref_squeeze %dma_wait3A_32 : memref<1x128xi32, #tpu.memory_space<vmem>> -> memref<128xi32, #tpu.memory_space<vmem>>
        %dma_wait3A_34 = arith.constant 0 : i32
        %dma_wait3A_35 = arith.constant 0 : i32
        %dma_wait3A_36 = tpu.memref_slice %arg2[%dma_wait3A_34, %dma_wait3A_35] : memref<10112x128xf32, #tpu.memory_space<hbm>> -> memref<10112x128xf32, #tpu.memory_space<hbm>>
        tpu.wait_indirect_dma semaphore(%arg12 : memref<!tpu.dma_semaphore, #tpu.memory_space<semaphore_mem>>) src(%dma_wait3A_36 : memref<10112x128xf32, #tpu.memory_space<hbm>>) dst(%arg9 : memref<128x128xf32, #tpu.memory_space<vmem>>)
        "tpu.region"() ({
          %run_scoped3A = tpu.sem_alloc : memref<!tpu.dma_semaphore, #tpu.memory_space<semaphore_mem>>
          %dma_start3A_54 = arith.constant 0 : i32
          %dma_start3A_55 = tpu.memref_slice %arg8[%add3A_25, %dma_start3A_54] : memref<20x128xi32, #tpu.memory_space<vmem>> -> memref<1x128xi32, #tpu.memory_space<vmem>>
          %dma_start3A_56 = tpu.memref_squeeze %dma_start3A_55 : memref<1x128xi32, #tpu.memory_space<vmem>> -> memref<128xi32, #tpu.memory_space<vmem>>
          %dma_start3A_57 = arith.constant 0 : i32
          %dma_start3A_58 = arith.constant 0 : i32
          %dma_start3A_59 = tpu.memref_slice %arg11[%dma_start3A_57, %dma_start3A_58] : memref<10112x128xf32, #tpu.memory_space<vmem_shared>> -> memref<10112x128xf32, #tpu.memory_space<vmem_shared>>
          tpu.enqueue_indirect_dma source(%arg9 : memref<128x128xf32, #tpu.memory_space<vmem>>) target(%dma_start3A_59 : memref<10112x128xf32, #tpu.memory_space<vmem_shared>>) offsets(%dma_start3A_56 : memref<128xi32, #tpu.memory_space<vmem>>) semaphore(%run_scoped3A : memref<!tpu.dma_semaphore, #tpu.memory_space<semaphore_mem>>) {add = true}
          %dma_wait3A_60 = arith.constant 0 : i32
          %dma_wait3A_61 = tpu.memref_slice %arg8[%add3A_25, %dma_wait3A_60] : memref<20x128xi32, #tpu.memory_space<vmem>> -> memref<1x128xi32, #tpu.memory_space<vmem>>
          %dma_wait3A_62 = tpu.memref_squeeze %dma_wait3A_61 : memref<1x128xi32, #tpu.memory_space<vmem>> -> memref<128xi32, #tpu.memory_space<vmem>>
          %dma_wait3A_63 = arith.constant 0 : i32
          %dma_wait3A_64 = arith.constant 0 : i32
          %dma_wait3A_65 = tpu.memref_slice %arg11[%dma_wait3A_63, %dma_wait3A_64] : memref<10112x128xf32, #tpu.memory_space<vmem_shared>> -> memref<10112x128xf32, #tpu.memory_space<vmem_shared>>
          tpu.wait_indirect_dma semaphore(%run_scoped3A : memref<!tpu.dma_semaphore, #tpu.memory_space<semaphore_mem>>) src(%arg9 : memref<128x128xf32, #tpu.memory_space<vmem>>) dst(%dma_wait3A_65 : memref<10112x128xf32, #tpu.memory_space<vmem_shared>>)
          tpu.yield
        }) : () -> ()
        %mul3A_37 = arith.constant 2 : i32
        %mul3A_38 = arith.muli %scan3A_21, %mul3A_37 : i32
        %add3A_39 = arith.constant 1 : i32
        %add3A_40 = arith.addi %mul3A_38, %add3A_39 : i32
        %add3A_41 = arith.constant 1 : i32
        %add3A_42 = arith.addi %add3A_40, %add3A_41 : i32
        %lt3A_43 = arith.constant 20 : i32
        %lt3A_44 = arith.cmpi slt, %add3A_42, %lt3A_43 : i32
        %convert_element_type3A_45 = arith.extui %lt3A_44 : i1 to i32
        %cond3A_46 = arith.constant 0 : i32
        %cond3A_47 = arith.cmpi ne, %convert_element_type3A_45, %cond3A_46 : i32
        scf.if %cond3A_47 {
          %add3A_54 = arith.constant 1 : i32
          %add3A_55 = arith.addi %add3A_40, %add3A_54 : i32
          %dma_start3A_56 = arith.constant 0 : i32
          %dma_start3A_57 = tpu.memref_slice %arg7[%add3A_55, %dma_start3A_56] : memref<20x128xi32, #tpu.memory_space<vmem>> -> memref<1x128xi32, #tpu.memory_space<vmem>>
          %dma_start3A_58 = tpu.memref_squeeze %dma_start3A_57 : memref<1x128xi32, #tpu.memory_space<vmem>> -> memref<128xi32, #tpu.memory_space<vmem>>
          %dma_start3A_59 = arith.constant 0 : i32
          %dma_start3A_60 = arith.constant 0 : i32
          %dma_start3A_61 = tpu.memref_slice %arg2[%dma_start3A_59, %dma_start3A_60] : memref<10112x128xf32, #tpu.memory_space<hbm>> -> memref<10112x128xf32, #tpu.memory_space<hbm>>
          tpu.enqueue_indirect_dma source(%dma_start3A_61 : memref<10112x128xf32, #tpu.memory_space<hbm>>) target(%arg9 : memref<128x128xf32, #tpu.memory_space<vmem>>) offsets(%dma_start3A_58 : memref<128xi32, #tpu.memory_space<vmem>>) semaphore(%arg12 : memref<!tpu.dma_semaphore, #tpu.memory_space<semaphore_mem>>)
        } else {
        }
        %dma_wait3A_48 = arith.constant 0 : i32
        %dma_wait3A_49 = tpu.memref_slice %arg7[%add3A_40, %dma_wait3A_48] : memref<20x128xi32, #tpu.memory_space<vmem>> -> memref<1x128xi32, #tpu.memory_space<vmem>>
        %dma_wait3A_50 = tpu.memref_squeeze %dma_wait3A_49 : memref<1x128xi32, #tpu.memory_space<vmem>> -> memref<128xi32, #tpu.memory_space<vmem>>
        %dma_wait3A_51 = arith.constant 0 : i32
        %dma_wait3A_52 = arith.constant 0 : i32
        %dma_wait3A_53 = tpu.memref_slice %arg2[%dma_wait3A_51, %dma_wait3A_52] : memref<10112x128xf32, #tpu.memory_space<hbm>> -> memref<10112x128xf32, #tpu.memory_space<hbm>>
        tpu.wait_indirect_dma semaphore(%arg13 : memref<!tpu.dma_semaphore, #tpu.memory_space<semaphore_mem>>) src(%dma_wait3A_53 : memref<10112x128xf32, #tpu.memory_space<hbm>>) dst(%arg10 : memref<128x128xf32, #tpu.memory_space<vmem>>)
        "tpu.region"() ({
          %run_scoped3A = tpu.sem_alloc : memref<!tpu.dma_semaphore, #tpu.memory_space<semaphore_mem>>
          %dma_start3A_54 = arith.constant 0 : i32
          %dma_start3A_55 = tpu.memref_slice %arg8[%add3A_40, %dma_start3A_54] : memref<20x128xi32, #tpu.memory_space<vmem>> -> memref<1x128xi32, #tpu.memory_space<vmem>>
          %dma_start3A_56 = tpu.memref_squeeze %dma_start3A_55 : memref<1x128xi32, #tpu.memory_space<vmem>> -> memref<128xi32, #tpu.memory_space<vmem>>
          %dma_start3A_57 = arith.constant 0 : i32
          %dma_start3A_58 = arith.constant 0 : i32
          %dma_start3A_59 = tpu.memref_slice %arg11[%dma_start3A_57, %dma_start3A_58] : memref<10112x128xf32, #tpu.memory_space<vmem_shared>> -> memref<10112x128xf32, #tpu.memory_space<vmem_shared>>
          tpu.enqueue_indirect_dma source(%arg10 : memref<128x128xf32, #tpu.memory_space<vmem>>) target(%dma_start3A_59 : memref<10112x128xf32, #tpu.memory_space<vmem_shared>>) offsets(%dma_start3A_56 : memref<128xi32, #tpu.memory_space<vmem>>) semaphore(%run_scoped3A : memref<!tpu.dma_semaphore, #tpu.memory_space<semaphore_mem>>) {add = true}
          %dma_wait3A_60 = arith.constant 0 : i32
          %dma_wait3A_61 = tpu.memref_slice %arg8[%add3A_40, %dma_wait3A_60] : memref<20x128xi32, #tpu.memory_space<vmem>> -> memref<1x128xi32, #tpu.memory_space<vmem>>
          %dma_wait3A_62 = tpu.memref_squeeze %dma_wait3A_61 : memref<1x128xi32, #tpu.memory_space<vmem>> -> memref<128xi32, #tpu.memory_space<vmem>>
          %dma_wait3A_63 = arith.constant 0 : i32
          %dma_wait3A_64 = arith.constant 0 : i32
          %dma_wait3A_65 = tpu.memref_slice %arg11[%dma_wait3A_63, %dma_wait3A_64] : memref<10112x128xf32, #tpu.memory_space<vmem_shared>> -> memref<10112x128xf32, #tpu.memory_space<vmem_shared>>
          tpu.wait_indirect_dma semaphore(%run_scoped3A : memref<!tpu.dma_semaphore, #tpu.memory_space<semaphore_mem>>) src(%arg10 : memref<128x128xf32, #tpu.memory_space<vmem>>) dst(%dma_wait3A_65 : memref<10112x128xf32, #tpu.memory_space<vmem_shared>>)
          tpu.yield
        }) : () -> ()
      }
      %scan3A_20 = arith.constant 10 : i32
    } else {
    }
    %barrier3A_8 = arith.constant 0 : index
    tpu.barrier barrier_id(%barrier3A_8)
    "tpu.region"() ({
      %run_scoped3A = tpu.sem_alloc : memref<!tpu.dma_semaphore, #tpu.memory_space<semaphore_mem>>
      %dma_start3A = arith.constant 0 : i32
      %dma_start3A_9 = tpu.memref_slice %arg6[%arg0, %mul3A_0, %dma_start3A] : memref<2x10112x128xf32, #tpu.memory_space<hbm>> -> memref<1x632x128xf32, #tpu.memory_space<hbm>>
      %dma_start3A_10 = tpu.memref_squeeze %dma_start3A_9 : memref<1x632x128xf32, #tpu.memory_space<hbm>> -> memref<632x128xf32, #tpu.memory_space<hbm>>
      %dma_start3A_11 = arith.constant 0 : i32
      %dma_start3A_12 = tpu.memref_slice %arg11[%mul3A_0, %dma_start3A_11] : memref<10112x128xf32, #tpu.memory_space<vmem_shared>> -> memref<632x128xf32, #tpu.memory_space<vmem_shared>>
      tpu.enqueue_dma source(%dma_start3A_12 : memref<632x128xf32, #tpu.memory_space<vmem_shared>>) target(%dma_start3A_10 : memref<632x128xf32, #tpu.memory_space<hbm>>) target_semaphore(%run_scoped3A : memref<!tpu.dma_semaphore, #tpu.memory_space<semaphore_mem>>)
      %dma_wait3A = arith.constant 0 : i32
      %dma_wait3A_13 = tpu.memref_slice %arg6[%arg0, %mul3A_0, %dma_wait3A] : memref<2x10112x128xf32, #tpu.memory_space<hbm>> -> memref<1x632x128xf32, #tpu.memory_space<hbm>>
      %dma_wait3A_14 = tpu.memref_squeeze %dma_wait3A_13 : memref<1x632x128xf32, #tpu.memory_space<hbm>> -> memref<632x128xf32, #tpu.memory_space<hbm>>
      %dma_wait3A_15 = arith.constant 0 : i32
      %dma_wait3A_16 = tpu.memref_slice %arg11[%mul3A_0, %dma_wait3A_15] : memref<10112x128xf32, #tpu.memory_space<vmem_shared>> -> memref<632x128xf32, #tpu.memory_space<vmem_shared>>
      tpu.wait_dma2 semaphore(%run_scoped3A : memref<!tpu.dma_semaphore, #tpu.memory_space<semaphore_mem>>) src(%dma_wait3A_16 : memref<632x128xf32, #tpu.memory_space<vmem_shared>>) dst(%dma_wait3A_14 : memref<632x128xf32, #tpu.memory_space<hbm>>)
      tpu.yield
    }) : () -> ()
    return
  }
}

#map = affine_map<(d0, d1) -> (0, 0, 0)>
#map1 = affine_map<(d0, d1) -> (0, 0)>
module attributes {stable_mosaic.version = 14 : i64} {
  func.func @_degree_kernel_body(%arg0: i32, %arg1: i32, %arg2: memref<32x80x128xi32, #tpu.memory_space<hbm>>, %arg3: memref<32x80x128xi32, #tpu.memory_space<hbm>>, %arg4: memref<128x128xf32, #tpu.memory_space<hbm>>, %arg5: memref<128x128xf32, #tpu.memory_space<hbm>>, %arg6: memref<10112x128xf32, #tpu.memory_space<hbm>>, %arg7: memref<2x10112x128xf32, #tpu.memory_space<hbm>>, %arg8: memref<40x128xi32, #tpu.memory_space<vmem>>, %arg9: memref<40x128xi32, #tpu.memory_space<vmem>>, %arg10: memref<128x128xf32, #tpu.memory_space<vmem>>, %arg11: memref<128x128xf32, #tpu.memory_space<vmem>>, %arg12: memref<10112x128xf32, #tpu.memory_space<vmem_shared>>) attributes {dimension_semantics = [#tpu.dimension_semantics<core_parallel>, #tpu.dimension_semantics<subcore_parallel>], iteration_bounds = array<i64: 2, 16>, scalar_prefetch = 0 : i64, scratch_operands = 5 : i64, tpu.core_type = #tpu.core_type<sc_vector_subcore>, window_params = [{transform_indices = #map}, {transform_indices = #map}, {transform_indices = #map1}, {transform_indices = #map1}, {transform_indices = #map1}, {transform_indices = #map}]} {
    %mul3A = arith.constant 2 : i32
    %mul3A_0 = arith.muli %arg1, %mul3A : i32
    %add3A = arith.addi %mul3A_0, %arg0 : i32
    %mul3A_1 = arith.constant 632 : i32
    %mul3A_2 = arith.muli %arg1, %mul3A_1 : i32
    "tpu.region"() ({
      %run_scoped3A = tpu.sem_alloc : memref<!tpu.dma_semaphore, #tpu.memory_space<semaphore_mem>>
      %dma_start3A = arith.constant 0 : i32
      %dma_start3A_15 = tpu.memref_slice %arg12[%mul3A_2, %dma_start3A] : memref<10112x128xf32, #tpu.memory_space<vmem_shared>> -> memref<632x128xf32, #tpu.memory_space<vmem_shared>>
      %dma_start3A_16 = arith.constant 0 : i32
      %dma_start3A_17 = tpu.memref_slice %arg6[%mul3A_2, %dma_start3A_16] : memref<10112x128xf32, #tpu.memory_space<hbm>> -> memref<632x128xf32, #tpu.memory_space<hbm>>
      tpu.enqueue_dma source(%dma_start3A_17 : memref<632x128xf32, #tpu.memory_space<hbm>>) target(%dma_start3A_15 : memref<632x128xf32, #tpu.memory_space<vmem_shared>>) target_semaphore(%run_scoped3A : memref<!tpu.dma_semaphore, #tpu.memory_space<semaphore_mem>>)
      %dma_wait3A = arith.constant 0 : i32
      %dma_wait3A_18 = tpu.memref_slice %arg12[%mul3A_2, %dma_wait3A] : memref<10112x128xf32, #tpu.memory_space<vmem_shared>> -> memref<632x128xf32, #tpu.memory_space<vmem_shared>>
      %dma_wait3A_19 = arith.constant 0 : i32
      %dma_wait3A_20 = tpu.memref_slice %arg6[%mul3A_2, %dma_wait3A_19] : memref<10112x128xf32, #tpu.memory_space<hbm>> -> memref<632x128xf32, #tpu.memory_space<hbm>>
      tpu.wait_dma2 semaphore(%run_scoped3A : memref<!tpu.dma_semaphore, #tpu.memory_space<semaphore_mem>>) src(%dma_wait3A_20 : memref<632x128xf32, #tpu.memory_space<hbm>>) dst(%dma_wait3A_18 : memref<632x128xf32, #tpu.memory_space<vmem_shared>>)
      tpu.yield
    }) : () -> ()
    "tpu.region"() ({
      %run_scoped3A = tpu.sem_alloc : memref<!tpu.dma_semaphore, #tpu.memory_space<semaphore_mem>>
      tpu.enqueue_dma source(%arg4 : memref<128x128xf32, #tpu.memory_space<hbm>>) target(%arg10 : memref<128x128xf32, #tpu.memory_space<vmem>>) target_semaphore(%run_scoped3A : memref<!tpu.dma_semaphore, #tpu.memory_space<semaphore_mem>>)
      tpu.wait_dma2 semaphore(%run_scoped3A : memref<!tpu.dma_semaphore, #tpu.memory_space<semaphore_mem>>) src(%arg4 : memref<128x128xf32, #tpu.memory_space<hbm>>) dst(%arg10 : memref<128x128xf32, #tpu.memory_space<vmem>>)
      tpu.yield
    }) : () -> ()
    "tpu.region"() ({
      %run_scoped3A = tpu.sem_alloc : memref<!tpu.dma_semaphore, #tpu.memory_space<semaphore_mem>>
      tpu.enqueue_dma source(%arg5 : memref<128x128xf32, #tpu.memory_space<hbm>>) target(%arg11 : memref<128x128xf32, #tpu.memory_space<vmem>>) target_semaphore(%run_scoped3A : memref<!tpu.dma_semaphore, #tpu.memory_space<semaphore_mem>>)
      tpu.wait_dma2 semaphore(%run_scoped3A : memref<!tpu.dma_semaphore, #tpu.memory_space<semaphore_mem>>) src(%arg5 : memref<128x128xf32, #tpu.memory_space<hbm>>) dst(%arg11 : memref<128x128xf32, #tpu.memory_space<vmem>>)
      tpu.yield
    }) : () -> ()
    %barrier3A = arith.constant 0 : index
    tpu.barrier barrier_id(%barrier3A)
    "tpu.region"() ({
      %run_scoped3A = tpu.sem_alloc : memref<!tpu.dma_semaphore, #tpu.memory_space<semaphore_mem>>
      %dma_start3A = arith.constant 0 : i32
      %dma_start3A_15 = arith.constant 0 : i32
      %dma_start3A_16 = tpu.memref_slice %arg2[%add3A, %dma_start3A, %dma_start3A_15] : memref<32x80x128xi32, #tpu.memory_space<hbm>> -> memref<1x40x128xi32, #tpu.memory_space<hbm>>
      %dma_start3A_17 = tpu.memref_squeeze %dma_start3A_16 : memref<1x40x128xi32, #tpu.memory_space<hbm>> -> memref<40x128xi32, #tpu.memory_space<hbm>>
      %dma_start3A_18 = arith.constant 0 : i32
      %dma_start3A_19 = arith.constant 0 : i32
      %dma_start3A_20 = tpu.memref_slice %arg2[%add3A, %dma_start3A_18, %dma_start3A_19] : memref<32x80x128xi32, #tpu.memory_space<hbm>> -> memref<1x40x128xi32, #tpu.memory_space<hbm>>
      %dma_start3A_21 = tpu.memref_squeeze %dma_start3A_20 : memref<1x40x128xi32, #tpu.memory_space<hbm>> -> memref<40x128xi32, #tpu.memory_space<hbm>>
      tpu.enqueue_dma source(%dma_start3A_21 : memref<40x128xi32, #tpu.memory_space<hbm>>) target(%arg8 : memref<40x128xi32, #tpu.memory_space<vmem>>) target_semaphore(%run_scoped3A : memref<!tpu.dma_semaphore, #tpu.memory_space<semaphore_mem>>)
      %dma_wait3A = arith.constant 0 : i32
      %dma_wait3A_22 = arith.constant 0 : i32
      %dma_wait3A_23 = tpu.memref_slice %arg2[%add3A, %dma_wait3A, %dma_wait3A_22] : memref<32x80x128xi32, #tpu.memory_space<hbm>> -> memref<1x40x128xi32, #tpu.memory_space<hbm>>
      %dma_wait3A_24 = tpu.memref_squeeze %dma_wait3A_23 : memref<1x40x128xi32, #tpu.memory_space<hbm>> -> memref<40x128xi32, #tpu.memory_space<hbm>>
      %dma_wait3A_25 = arith.constant 0 : i32
      %dma_wait3A_26 = arith.constant 0 : i32
      %dma_wait3A_27 = tpu.memref_slice %arg2[%add3A, %dma_wait3A_25, %dma_wait3A_26] : memref<32x80x128xi32, #tpu.memory_space<hbm>> -> memref<1x40x128xi32, #tpu.memory_space<hbm>>
      %dma_wait3A_28 = tpu.memref_squeeze %dma_wait3A_27 : memref<1x40x128xi32, #tpu.memory_space<hbm>> -> memref<40x128xi32, #tpu.memory_space<hbm>>
      tpu.wait_dma2 semaphore(%run_scoped3A : memref<!tpu.dma_semaphore, #tpu.memory_space<semaphore_mem>>) src(%dma_wait3A_28 : memref<40x128xi32, #tpu.memory_space<hbm>>) dst(%arg8 : memref<40x128xi32, #tpu.memory_space<vmem>>)
      tpu.yield
    }) : () -> ()
    "tpu.region"() ({
      %run_scoped3A = tpu.sem_alloc : memref<!tpu.dma_semaphore, #tpu.memory_space<semaphore_mem>>
      %dma_start3A = arith.constant 0 : i32
      %dma_start3A_15 = arith.constant 0 : i32
      %dma_start3A_16 = tpu.memref_slice %arg3[%add3A, %dma_start3A, %dma_start3A_15] : memref<32x80x128xi32, #tpu.memory_space<hbm>> -> memref<1x40x128xi32, #tpu.memory_space<hbm>>
      %dma_start3A_17 = tpu.memref_squeeze %dma_start3A_16 : memref<1x40x128xi32, #tpu.memory_space<hbm>> -> memref<40x128xi32, #tpu.memory_space<hbm>>
      %dma_start3A_18 = arith.constant 0 : i32
      %dma_start3A_19 = arith.constant 0 : i32
      %dma_start3A_20 = tpu.memref_slice %arg3[%add3A, %dma_start3A_18, %dma_start3A_19] : memref<32x80x128xi32, #tpu.memory_space<hbm>> -> memref<1x40x128xi32, #tpu.memory_space<hbm>>
      %dma_start3A_21 = tpu.memref_squeeze %dma_start3A_20 : memref<1x40x128xi32, #tpu.memory_space<hbm>> -> memref<40x128xi32, #tpu.memory_space<hbm>>
      tpu.enqueue_dma source(%dma_start3A_21 : memref<40x128xi32, #tpu.memory_space<hbm>>) target(%arg9 : memref<40x128xi32, #tpu.memory_space<vmem>>) target_semaphore(%run_scoped3A : memref<!tpu.dma_semaphore, #tpu.memory_space<semaphore_mem>>)
      %dma_wait3A = arith.constant 0 : i32
      %dma_wait3A_22 = arith.constant 0 : i32
      %dma_wait3A_23 = tpu.memref_slice %arg3[%add3A, %dma_wait3A, %dma_wait3A_22] : memref<32x80x128xi32, #tpu.memory_space<hbm>> -> memref<1x40x128xi32, #tpu.memory_space<hbm>>
      %dma_wait3A_24 = tpu.memref_squeeze %dma_wait3A_23 : memref<1x40x128xi32, #tpu.memory_space<hbm>> -> memref<40x128xi32, #tpu.memory_space<hbm>>
      %dma_wait3A_25 = arith.constant 0 : i32
      %dma_wait3A_26 = arith.constant 0 : i32
      %dma_wait3A_27 = tpu.memref_slice %arg3[%add3A, %dma_wait3A_25, %dma_wait3A_26] : memref<32x80x128xi32, #tpu.memory_space<hbm>> -> memref<1x40x128xi32, #tpu.memory_space<hbm>>
      %dma_wait3A_28 = tpu.memref_squeeze %dma_wait3A_27 : memref<1x40x128xi32, #tpu.memory_space<hbm>> -> memref<40x128xi32, #tpu.memory_space<hbm>>
      tpu.wait_dma2 semaphore(%run_scoped3A : memref<!tpu.dma_semaphore, #tpu.memory_space<semaphore_mem>>) src(%dma_wait3A_28 : memref<40x128xi32, #tpu.memory_space<hbm>>) dst(%arg9 : memref<40x128xi32, #tpu.memory_space<vmem>>)
      tpu.yield
    }) : () -> ()
    %scan3A = arith.constant 0 : i32
    %scan3A_3 = arith.constant 0 : i32
    %scan3A_4 = arith.constant 40 : i32
    %scan3A_5 = arith.addi %scan3A_3, %scan3A_4 : i32
    %scan3A_6 = arith.constant 1 : i32
    scf.for %scan3A_15 = %scan3A_3 to %scan3A_5 step %scan3A_6  : i32 {
      "tpu.region"() ({
        %run_scoped3A = tpu.sem_alloc : memref<!tpu.dma_semaphore, #tpu.memory_space<semaphore_mem>>
        %dma_start3A = arith.constant 0 : i32
        %dma_start3A_16 = tpu.memref_slice %arg8[%scan3A_15, %dma_start3A] : memref<40x128xi32, #tpu.memory_space<vmem>> -> memref<1x128xi32, #tpu.memory_space<vmem>>
        %dma_start3A_17 = tpu.memref_squeeze %dma_start3A_16 : memref<1x128xi32, #tpu.memory_space<vmem>> -> memref<128xi32, #tpu.memory_space<vmem>>
        %dma_start3A_18 = arith.constant 0 : i32
        %dma_start3A_19 = arith.constant 0 : i32
        %dma_start3A_20 = tpu.memref_slice %arg12[%dma_start3A_18, %dma_start3A_19] : memref<10112x128xf32, #tpu.memory_space<vmem_shared>> -> memref<10112x128xf32, #tpu.memory_space<vmem_shared>>
        tpu.enqueue_indirect_dma source(%arg10 : memref<128x128xf32, #tpu.memory_space<vmem>>) target(%dma_start3A_20 : memref<10112x128xf32, #tpu.memory_space<vmem_shared>>) offsets(%dma_start3A_17 : memref<128xi32, #tpu.memory_space<vmem>>) semaphore(%run_scoped3A : memref<!tpu.dma_semaphore, #tpu.memory_space<semaphore_mem>>) {add = true}
        %dma_wait3A = arith.constant 0 : i32
        %dma_wait3A_21 = tpu.memref_slice %arg8[%scan3A_15, %dma_wait3A] : memref<40x128xi32, #tpu.memory_space<vmem>> -> memref<1x128xi32, #tpu.memory_space<vmem>>
        %dma_wait3A_22 = tpu.memref_squeeze %dma_wait3A_21 : memref<1x128xi32, #tpu.memory_space<vmem>> -> memref<128xi32, #tpu.memory_space<vmem>>
        %dma_wait3A_23 = arith.constant 0 : i32
        %dma_wait3A_24 = arith.constant 0 : i32
        %dma_wait3A_25 = tpu.memref_slice %arg12[%dma_wait3A_23, %dma_wait3A_24] : memref<10112x128xf32, #tpu.memory_space<vmem_shared>> -> memref<10112x128xf32, #tpu.memory_space<vmem_shared>>
        tpu.wait_indirect_dma semaphore(%run_scoped3A : memref<!tpu.dma_semaphore, #tpu.memory_space<semaphore_mem>>) src(%arg10 : memref<128x128xf32, #tpu.memory_space<vmem>>) dst(%dma_wait3A_25 : memref<10112x128xf32, #tpu.memory_space<vmem_shared>>)
        tpu.yield
      }) : () -> ()
      "tpu.region"() ({
        %run_scoped3A = tpu.sem_alloc : memref<!tpu.dma_semaphore, #tpu.memory_space<semaphore_mem>>
        %dma_start3A = arith.constant 0 : i32
        %dma_start3A_16 = tpu.memref_slice %arg9[%scan3A_15, %dma_start3A] : memref<40x128xi32, #tpu.memory_space<vmem>> -> memref<1x128xi32, #tpu.memory_space<vmem>>
        %dma_start3A_17 = tpu.memref_squeeze %dma_start3A_16 : memref<1x128xi32, #tpu.memory_space<vmem>> -> memref<128xi32, #tpu.memory_space<vmem>>
        %dma_start3A_18 = arith.constant 0 : i32
        %dma_start3A_19 = arith.constant 0 : i32
        %dma_start3A_20 = tpu.memref_slice %arg12[%dma_start3A_18, %dma_start3A_19] : memref<10112x128xf32, #tpu.memory_space<vmem_shared>> -> memref<10112x128xf32, #tpu.memory_space<vmem_shared>>
        tpu.enqueue_indirect_dma source(%arg11 : memref<128x128xf32, #tpu.memory_space<vmem>>) target(%dma_start3A_20 : memref<10112x128xf32, #tpu.memory_space<vmem_shared>>) offsets(%dma_start3A_17 : memref<128xi32, #tpu.memory_space<vmem>>) semaphore(%run_scoped3A : memref<!tpu.dma_semaphore, #tpu.memory_space<semaphore_mem>>) {add = true}
        %dma_wait3A = arith.constant 0 : i32
        %dma_wait3A_21 = tpu.memref_slice %arg9[%scan3A_15, %dma_wait3A] : memref<40x128xi32, #tpu.memory_space<vmem>> -> memref<1x128xi32, #tpu.memory_space<vmem>>
        %dma_wait3A_22 = tpu.memref_squeeze %dma_wait3A_21 : memref<1x128xi32, #tpu.memory_space<vmem>> -> memref<128xi32, #tpu.memory_space<vmem>>
        %dma_wait3A_23 = arith.constant 0 : i32
        %dma_wait3A_24 = arith.constant 0 : i32
        %dma_wait3A_25 = tpu.memref_slice %arg12[%dma_wait3A_23, %dma_wait3A_24] : memref<10112x128xf32, #tpu.memory_space<vmem_shared>> -> memref<10112x128xf32, #tpu.memory_space<vmem_shared>>
        tpu.wait_indirect_dma semaphore(%run_scoped3A : memref<!tpu.dma_semaphore, #tpu.memory_space<semaphore_mem>>) src(%arg11 : memref<128x128xf32, #tpu.memory_space<vmem>>) dst(%dma_wait3A_25 : memref<10112x128xf32, #tpu.memory_space<vmem_shared>>)
        tpu.yield
      }) : () -> ()
    }
    %scan3A_7 = arith.constant 40 : i32
    "tpu.region"() ({
      %run_scoped3A = tpu.sem_alloc : memref<!tpu.dma_semaphore, #tpu.memory_space<semaphore_mem>>
      %dma_start3A = arith.constant 40 : i32
      %dma_start3A_15 = arith.constant 0 : i32
      %dma_start3A_16 = tpu.memref_slice %arg2[%add3A, %dma_start3A, %dma_start3A_15] : memref<32x80x128xi32, #tpu.memory_space<hbm>> -> memref<1x40x128xi32, #tpu.memory_space<hbm>>
      %dma_start3A_17 = tpu.memref_squeeze %dma_start3A_16 : memref<1x40x128xi32, #tpu.memory_space<hbm>> -> memref<40x128xi32, #tpu.memory_space<hbm>>
      %dma_start3A_18 = arith.constant 40 : i32
      %dma_start3A_19 = arith.constant 0 : i32
      %dma_start3A_20 = tpu.memref_slice %arg2[%add3A, %dma_start3A_18, %dma_start3A_19] : memref<32x80x128xi32, #tpu.memory_space<hbm>> -> memref<1x40x128xi32, #tpu.memory_space<hbm>>
      %dma_start3A_21 = tpu.memref_squeeze %dma_start3A_20 : memref<1x40x128xi32, #tpu.memory_space<hbm>> -> memref<40x128xi32, #tpu.memory_space<hbm>>
      tpu.enqueue_dma source(%dma_start3A_21 : memref<40x128xi32, #tpu.memory_space<hbm>>) target(%arg8 : memref<40x128xi32, #tpu.memory_space<vmem>>) target_semaphore(%run_scoped3A : memref<!tpu.dma_semaphore, #tpu.memory_space<semaphore_mem>>)
      %dma_wait3A = arith.constant 40 : i32
      %dma_wait3A_22 = arith.constant 0 : i32
      %dma_wait3A_23 = tpu.memref_slice %arg2[%add3A, %dma_wait3A, %dma_wait3A_22] : memref<32x80x128xi32, #tpu.memory_space<hbm>> -> memref<1x40x128xi32, #tpu.memory_space<hbm>>
      %dma_wait3A_24 = tpu.memref_squeeze %dma_wait3A_23 : memref<1x40x128xi32, #tpu.memory_space<hbm>> -> memref<40x128xi32, #tpu.memory_space<hbm>>
      %dma_wait3A_25 = arith.constant 40 : i32
      %dma_wait3A_26 = arith.constant 0 : i32
      %dma_wait3A_27 = tpu.memref_slice %arg2[%add3A, %dma_wait3A_25, %dma_wait3A_26] : memref<32x80x128xi32, #tpu.memory_space<hbm>> -> memref<1x40x128xi32, #tpu.memory_space<hbm>>
      %dma_wait3A_28 = tpu.memref_squeeze %dma_wait3A_27 : memref<1x40x128xi32, #tpu.memory_space<hbm>> -> memref<40x128xi32, #tpu.memory_space<hbm>>
      tpu.wait_dma2 semaphore(%run_scoped3A : memref<!tpu.dma_semaphore, #tpu.memory_space<semaphore_mem>>) src(%dma_wait3A_28 : memref<40x128xi32, #tpu.memory_space<hbm>>) dst(%arg8 : memref<40x128xi32, #tpu.memory_space<vmem>>)
      tpu.yield
    }) : () -> ()
    "tpu.region"() ({
      %run_scoped3A = tpu.sem_alloc : memref<!tpu.dma_semaphore, #tpu.memory_space<semaphore_mem>>
      %dma_start3A = arith.constant 40 : i32
      %dma_start3A_15 = arith.constant 0 : i32
      %dma_start3A_16 = tpu.memref_slice %arg3[%add3A, %dma_start3A, %dma_start3A_15] : memref<32x80x128xi32, #tpu.memory_space<hbm>> -> memref<1x40x128xi32, #tpu.memory_space<hbm>>
      %dma_start3A_17 = tpu.memref_squeeze %dma_start3A_16 : memref<1x40x128xi32, #tpu.memory_space<hbm>> -> memref<40x128xi32, #tpu.memory_space<hbm>>
      %dma_start3A_18 = arith.constant 40 : i32
      %dma_start3A_19 = arith.constant 0 : i32
      %dma_start3A_20 = tpu.memref_slice %arg3[%add3A, %dma_start3A_18, %dma_start3A_19] : memref<32x80x128xi32, #tpu.memory_space<hbm>> -> memref<1x40x128xi32, #tpu.memory_space<hbm>>
      %dma_start3A_21 = tpu.memref_squeeze %dma_start3A_20 : memref<1x40x128xi32, #tpu.memory_space<hbm>> -> memref<40x128xi32, #tpu.memory_space<hbm>>
      tpu.enqueue_dma source(%dma_start3A_21 : memref<40x128xi32, #tpu.memory_space<hbm>>) target(%arg9 : memref<40x128xi32, #tpu.memory_space<vmem>>) target_semaphore(%run_scoped3A : memref<!tpu.dma_semaphore, #tpu.memory_space<semaphore_mem>>)
      %dma_wait3A = arith.constant 40 : i32
      %dma_wait3A_22 = arith.constant 0 : i32
      %dma_wait3A_23 = tpu.memref_slice %arg3[%add3A, %dma_wait3A, %dma_wait3A_22] : memref<32x80x128xi32, #tpu.memory_space<hbm>> -> memref<1x40x128xi32, #tpu.memory_space<hbm>>
      %dma_wait3A_24 = tpu.memref_squeeze %dma_wait3A_23 : memref<1x40x128xi32, #tpu.memory_space<hbm>> -> memref<40x128xi32, #tpu.memory_space<hbm>>
      %dma_wait3A_25 = arith.constant 40 : i32
      %dma_wait3A_26 = arith.constant 0 : i32
      %dma_wait3A_27 = tpu.memref_slice %arg3[%add3A, %dma_wait3A_25, %dma_wait3A_26] : memref<32x80x128xi32, #tpu.memory_space<hbm>> -> memref<1x40x128xi32, #tpu.memory_space<hbm>>
      %dma_wait3A_28 = tpu.memref_squeeze %dma_wait3A_27 : memref<1x40x128xi32, #tpu.memory_space<hbm>> -> memref<40x128xi32, #tpu.memory_space<hbm>>
      tpu.wait_dma2 semaphore(%run_scoped3A : memref<!tpu.dma_semaphore, #tpu.memory_space<semaphore_mem>>) src(%dma_wait3A_28 : memref<40x128xi32, #tpu.memory_space<hbm>>) dst(%arg9 : memref<40x128xi32, #tpu.memory_space<vmem>>)
      tpu.yield
    }) : () -> ()
    %scan3A_8 = arith.constant 0 : i32
    %scan3A_9 = arith.constant 0 : i32
    %scan3A_10 = arith.constant 40 : i32
    %scan3A_11 = arith.addi %scan3A_9, %scan3A_10 : i32
    %scan3A_12 = arith.constant 1 : i32
    scf.for %scan3A_15 = %scan3A_9 to %scan3A_11 step %scan3A_12  : i32 {
      "tpu.region"() ({
        %run_scoped3A = tpu.sem_alloc : memref<!tpu.dma_semaphore, #tpu.memory_space<semaphore_mem>>
        %dma_start3A = arith.constant 0 : i32
        %dma_start3A_16 = tpu.memref_slice %arg8[%scan3A_15, %dma_start3A] : memref<40x128xi32, #tpu.memory_space<vmem>> -> memref<1x128xi32, #tpu.memory_space<vmem>>
        %dma_start3A_17 = tpu.memref_squeeze %dma_start3A_16 : memref<1x128xi32, #tpu.memory_space<vmem>> -> memref<128xi32, #tpu.memory_space<vmem>>
        %dma_start3A_18 = arith.constant 0 : i32
        %dma_start3A_19 = arith.constant 0 : i32
        %dma_start3A_20 = tpu.memref_slice %arg12[%dma_start3A_18, %dma_start3A_19] : memref<10112x128xf32, #tpu.memory_space<vmem_shared>> -> memref<10112x128xf32, #tpu.memory_space<vmem_shared>>
        tpu.enqueue_indirect_dma source(%arg10 : memref<128x128xf32, #tpu.memory_space<vmem>>) target(%dma_start3A_20 : memref<10112x128xf32, #tpu.memory_space<vmem_shared>>) offsets(%dma_start3A_17 : memref<128xi32, #tpu.memory_space<vmem>>) semaphore(%run_scoped3A : memref<!tpu.dma_semaphore, #tpu.memory_space<semaphore_mem>>) {add = true}
        %dma_wait3A = arith.constant 0 : i32
        %dma_wait3A_21 = tpu.memref_slice %arg8[%scan3A_15, %dma_wait3A] : memref<40x128xi32, #tpu.memory_space<vmem>> -> memref<1x128xi32, #tpu.memory_space<vmem>>
        %dma_wait3A_22 = tpu.memref_squeeze %dma_wait3A_21 : memref<1x128xi32, #tpu.memory_space<vmem>> -> memref<128xi32, #tpu.memory_space<vmem>>
        %dma_wait3A_23 = arith.constant 0 : i32
        %dma_wait3A_24 = arith.constant 0 : i32
        %dma_wait3A_25 = tpu.memref_slice %arg12[%dma_wait3A_23, %dma_wait3A_24] : memref<10112x128xf32, #tpu.memory_space<vmem_shared>> -> memref<10112x128xf32, #tpu.memory_space<vmem_shared>>
        tpu.wait_indirect_dma semaphore(%run_scoped3A : memref<!tpu.dma_semaphore, #tpu.memory_space<semaphore_mem>>) src(%arg10 : memref<128x128xf32, #tpu.memory_space<vmem>>) dst(%dma_wait3A_25 : memref<10112x128xf32, #tpu.memory_space<vmem_shared>>)
        tpu.yield
      }) : () -> ()
      "tpu.region"() ({
        %run_scoped3A = tpu.sem_alloc : memref<!tpu.dma_semaphore, #tpu.memory_space<semaphore_mem>>
        %dma_start3A = arith.constant 0 : i32
        %dma_start3A_16 = tpu.memref_slice %arg9[%scan3A_15, %dma_start3A] : memref<40x128xi32, #tpu.memory_space<vmem>> -> memref<1x128xi32, #tpu.memory_space<vmem>>
        %dma_start3A_17 = tpu.memref_squeeze %dma_start3A_16 : memref<1x128xi32, #tpu.memory_space<vmem>> -> memref<128xi32, #tpu.memory_space<vmem>>
        %dma_start3A_18 = arith.constant 0 : i32
        %dma_start3A_19 = arith.constant 0 : i32
        %dma_start3A_20 = tpu.memref_slice %arg12[%dma_start3A_18, %dma_start3A_19] : memref<10112x128xf32, #tpu.memory_space<vmem_shared>> -> memref<10112x128xf32, #tpu.memory_space<vmem_shared>>
        tpu.enqueue_indirect_dma source(%arg11 : memref<128x128xf32, #tpu.memory_space<vmem>>) target(%dma_start3A_20 : memref<10112x128xf32, #tpu.memory_space<vmem_shared>>) offsets(%dma_start3A_17 : memref<128xi32, #tpu.memory_space<vmem>>) semaphore(%run_scoped3A : memref<!tpu.dma_semaphore, #tpu.memory_space<semaphore_mem>>) {add = true}
        %dma_wait3A = arith.constant 0 : i32
        %dma_wait3A_21 = tpu.memref_slice %arg9[%scan3A_15, %dma_wait3A] : memref<40x128xi32, #tpu.memory_space<vmem>> -> memref<1x128xi32, #tpu.memory_space<vmem>>
        %dma_wait3A_22 = tpu.memref_squeeze %dma_wait3A_21 : memref<1x128xi32, #tpu.memory_space<vmem>> -> memref<128xi32, #tpu.memory_space<vmem>>
        %dma_wait3A_23 = arith.constant 0 : i32
        %dma_wait3A_24 = arith.constant 0 : i32
        %dma_wait3A_25 = tpu.memref_slice %arg12[%dma_wait3A_23, %dma_wait3A_24] : memref<10112x128xf32, #tpu.memory_space<vmem_shared>> -> memref<10112x128xf32, #tpu.memory_space<vmem_shared>>
        tpu.wait_indirect_dma semaphore(%run_scoped3A : memref<!tpu.dma_semaphore, #tpu.memory_space<semaphore_mem>>) src(%arg11 : memref<128x128xf32, #tpu.memory_space<vmem>>) dst(%dma_wait3A_25 : memref<10112x128xf32, #tpu.memory_space<vmem_shared>>)
        tpu.yield
      }) : () -> ()
    }
    %scan3A_13 = arith.constant 40 : i32
    %barrier3A_14 = arith.constant 0 : index
    tpu.barrier barrier_id(%barrier3A_14)
    "tpu.region"() ({
      %run_scoped3A = tpu.sem_alloc : memref<!tpu.dma_semaphore, #tpu.memory_space<semaphore_mem>>
      %dma_start3A = arith.constant 0 : i32
      %dma_start3A_15 = tpu.memref_slice %arg7[%arg0, %mul3A_2, %dma_start3A] : memref<2x10112x128xf32, #tpu.memory_space<hbm>> -> memref<1x632x128xf32, #tpu.memory_space<hbm>>
      %dma_start3A_16 = tpu.memref_squeeze %dma_start3A_15 : memref<1x632x128xf32, #tpu.memory_space<hbm>> -> memref<632x128xf32, #tpu.memory_space<hbm>>
      %dma_start3A_17 = arith.constant 0 : i32
      %dma_start3A_18 = tpu.memref_slice %arg12[%mul3A_2, %dma_start3A_17] : memref<10112x128xf32, #tpu.memory_space<vmem_shared>> -> memref<632x128xf32, #tpu.memory_space<vmem_shared>>
      tpu.enqueue_dma source(%dma_start3A_18 : memref<632x128xf32, #tpu.memory_space<vmem_shared>>) target(%dma_start3A_16 : memref<632x128xf32, #tpu.memory_space<hbm>>) target_semaphore(%run_scoped3A : memref<!tpu.dma_semaphore, #tpu.memory_space<semaphore_mem>>)
      %dma_wait3A = arith.constant 0 : i32
      %dma_wait3A_19 = tpu.memref_slice %arg7[%arg0, %mul3A_2, %dma_wait3A] : memref<2x10112x128xf32, #tpu.memory_space<hbm>> -> memref<1x632x128xf32, #tpu.memory_space<hbm>>
      %dma_wait3A_20 = tpu.memref_squeeze %dma_wait3A_19 : memref<1x632x128xf32, #tpu.memory_space<hbm>> -> memref<632x128xf32, #tpu.memory_space<hbm>>
      %dma_wait3A_21 = arith.constant 0 : i32
      %dma_wait3A_22 = tpu.memref_slice %arg12[%mul3A_2, %dma_wait3A_21] : memref<10112x128xf32, #tpu.memory_space<vmem_shared>> -> memref<632x128xf32, #tpu.memory_space<vmem_shared>>
      tpu.wait_dma2 semaphore(%run_scoped3A : memref<!tpu.dma_semaphore, #tpu.memory_space<semaphore_mem>>) src(%dma_wait3A_22 : memref<632x128xf32, #tpu.memory_space<vmem_shared>>) dst(%dma_wait3A_20 : memref<632x128xf32, #tpu.memory_space<hbm>>)
      tpu.yield
    }) : () -> ()
    return
  }
}

#map = affine_map<(d0, d1) -> (0, 0)>
#map1 = affine_map<(d0, d1) -> (0, 0, 0)>
module attributes {stable_mosaic.version = 14 : i64} {
  func.func @_agg_kernel_body(%arg0: i32, %arg1: i32, %arg2: memref<10112x128xf32, #tpu.memory_space<hbm>>, %arg3: memref<128x20x128xi32, #tpu.memory_space<hbm>>, %arg4: memref<128x20x128xi32, #tpu.memory_space<hbm>>, %arg5: memref<10112x128xf32, #tpu.memory_space<hbm>>, %arg6: memref<2x10112x128xf32, #tpu.memory_space<hbm>>, %arg7: memref<20x128xi32, #tpu.memory_space<vmem>>, %arg8: memref<20x128xi32, #tpu.memory_space<vmem>>, %arg9: memref<128x128xf32, #tpu.memory_space<vmem>>, %arg10: memref<128x128xf32, #tpu.memory_space<vmem>>, %arg11: memref<10112x128xf32, #tpu.memory_space<vmem_shared>>, %arg12: memref<!tpu.dma_semaphore, #tpu.memory_space<semaphore_mem>>, %arg13: memref<!tpu.dma_semaphore, #tpu.memory_space<semaphore_mem>>) attributes {dimension_semantics = [#tpu.dimension_semantics<core_parallel>, #tpu.dimension_semantics<subcore_parallel>], iteration_bounds = array<i64: 2, 16>, scalar_prefetch = 0 : i64, scratch_operands = 7 : i64, tpu.core_type = #tpu.core_type<sc_vector_subcore>, window_params = [{transform_indices = #map}, {transform_indices = #map1}, {transform_indices = #map1}, {transform_indices = #map}, {transform_indices = #map1}]} {
    %mul3A = arith.constant 632 : i32
    %mul3A_0 = arith.muli %arg1, %mul3A : i32
    "tpu.region"() ({
      %run_scoped3A = tpu.sem_alloc : memref<!tpu.dma_semaphore, #tpu.memory_space<semaphore_mem>>
      %dma_start3A = arith.constant 0 : i32
      %dma_start3A_9 = tpu.memref_slice %arg11[%mul3A_0, %dma_start3A] : memref<10112x128xf32, #tpu.memory_space<vmem_shared>> -> memref<632x128xf32, #tpu.memory_space<vmem_shared>>
      %dma_start3A_10 = arith.constant 0 : i32
      %dma_start3A_11 = tpu.memref_slice %arg5[%mul3A_0, %dma_start3A_10] : memref<10112x128xf32, #tpu.memory_space<hbm>> -> memref<632x128xf32, #tpu.memory_space<hbm>>
      tpu.enqueue_dma source(%dma_start3A_11 : memref<632x128xf32, #tpu.memory_space<hbm>>) target(%dma_start3A_9 : memref<632x128xf32, #tpu.memory_space<vmem_shared>>) target_semaphore(%run_scoped3A : memref<!tpu.dma_semaphore, #tpu.memory_space<semaphore_mem>>)
      %dma_wait3A = arith.constant 0 : i32
      %dma_wait3A_12 = tpu.memref_slice %arg11[%mul3A_0, %dma_wait3A] : memref<10112x128xf32, #tpu.memory_space<vmem_shared>> -> memref<632x128xf32, #tpu.memory_space<vmem_shared>>
      %dma_wait3A_13 = arith.constant 0 : i32
      %dma_wait3A_14 = tpu.memref_slice %arg5[%mul3A_0, %dma_wait3A_13] : memref<10112x128xf32, #tpu.memory_space<hbm>> -> memref<632x128xf32, #tpu.memory_space<hbm>>
      tpu.wait_dma2 semaphore(%run_scoped3A : memref<!tpu.dma_semaphore, #tpu.memory_space<semaphore_mem>>) src(%dma_wait3A_14 : memref<632x128xf32, #tpu.memory_space<hbm>>) dst(%dma_wait3A_12 : memref<632x128xf32, #tpu.memory_space<vmem_shared>>)
      tpu.yield
    }) : () -> ()
    %barrier3A = arith.constant 0 : index
    tpu.barrier barrier_id(%barrier3A)
    %eq3A = arith.constant 0 : i32
    %eq3A_1 = arith.cmpi eq, %arg0, %eq3A : i32
    %convert_element_type3A = arith.extui %eq3A_1 : i1 to i32
    %cond3A = arith.constant 0 : i32
    %cond3A_2 = arith.cmpi ne, %convert_element_type3A, %cond3A : i32
    scf.if %cond3A_2 {
      %scan3A = arith.constant 0 : i32
      %scan3A_9 = arith.constant 0 : i32
      %scan3A_10 = arith.constant 7 : i32
      %scan3A_11 = arith.addi %scan3A_9, %scan3A_10 : i32
      %scan3A_12 = arith.constant 1 : i32
      scf.for %scan3A_14 = %scan3A_9 to %scan3A_11 step %scan3A_12  : i32 {
        %mul3A_15 = arith.constant 7 : i32
        %mul3A_16 = arith.muli %arg1, %mul3A_15 : i32
        %add3A = arith.addi %mul3A_16, %scan3A_14 : i32
        "tpu.region"() ({
          %run_scoped3A = tpu.sem_alloc : memref<!tpu.dma_semaphore, #tpu.memory_space<semaphore_mem>>
          %dma_start3A_29 = arith.constant 0 : i32
          %dma_start3A_30 = arith.constant 0 : i32
          %dma_start3A_31 = tpu.memref_slice %arg3[%add3A, %dma_start3A_29, %dma_start3A_30] : memref<128x20x128xi32, #tpu.memory_space<hbm>> -> memref<1x20x128xi32, #tpu.memory_space<hbm>>
          %dma_start3A_32 = tpu.memref_squeeze %dma_start3A_31 : memref<1x20x128xi32, #tpu.memory_space<hbm>> -> memref<20x128xi32, #tpu.memory_space<hbm>>
          %dma_start3A_33 = arith.constant 0 : i32
          %dma_start3A_34 = arith.constant 0 : i32
          %dma_start3A_35 = tpu.memref_slice %arg3[%add3A, %dma_start3A_33, %dma_start3A_34] : memref<128x20x128xi32, #tpu.memory_space<hbm>> -> memref<1x20x128xi32, #tpu.memory_space<hbm>>
          %dma_start3A_36 = tpu.memref_squeeze %dma_start3A_35 : memref<1x20x128xi32, #tpu.memory_space<hbm>> -> memref<20x128xi32, #tpu.memory_space<hbm>>
          tpu.enqueue_dma source(%dma_start3A_36 : memref<20x128xi32, #tpu.memory_space<hbm>>) target(%arg7 : memref<20x128xi32, #tpu.memory_space<vmem>>) target_semaphore(%run_scoped3A : memref<!tpu.dma_semaphore, #tpu.memory_space<semaphore_mem>>)
          %dma_wait3A = arith.constant 0 : i32
          %dma_wait3A_37 = arith.constant 0 : i32
          %dma_wait3A_38 = tpu.memref_slice %arg3[%add3A, %dma_wait3A, %dma_wait3A_37] : memref<128x20x128xi32, #tpu.memory_space<hbm>> -> memref<1x20x128xi32, #tpu.memory_space<hbm>>
          %dma_wait3A_39 = tpu.memref_squeeze %dma_wait3A_38 : memref<1x20x128xi32, #tpu.memory_space<hbm>> -> memref<20x128xi32, #tpu.memory_space<hbm>>
          %dma_wait3A_40 = arith.constant 0 : i32
          %dma_wait3A_41 = arith.constant 0 : i32
          %dma_wait3A_42 = tpu.memref_slice %arg3[%add3A, %dma_wait3A_40, %dma_wait3A_41] : memref<128x20x128xi32, #tpu.memory_space<hbm>> -> memref<1x20x128xi32, #tpu.memory_space<hbm>>
          %dma_wait3A_43 = tpu.memref_squeeze %dma_wait3A_42 : memref<1x20x128xi32, #tpu.memory_space<hbm>> -> memref<20x128xi32, #tpu.memory_space<hbm>>
          tpu.wait_dma2 semaphore(%run_scoped3A : memref<!tpu.dma_semaphore, #tpu.memory_space<semaphore_mem>>) src(%dma_wait3A_43 : memref<20x128xi32, #tpu.memory_space<hbm>>) dst(%arg7 : memref<20x128xi32, #tpu.memory_space<vmem>>)
          tpu.yield
        }) : () -> ()
        "tpu.region"() ({
          %run_scoped3A = tpu.sem_alloc : memref<!tpu.dma_semaphore, #tpu.memory_space<semaphore_mem>>
          %dma_start3A_29 = arith.constant 0 : i32
          %dma_start3A_30 = arith.constant 0 : i32
          %dma_start3A_31 = tpu.memref_slice %arg4[%add3A, %dma_start3A_29, %dma_start3A_30] : memref<128x20x128xi32, #tpu.memory_space<hbm>> -> memref<1x20x128xi32, #tpu.memory_space<hbm>>
          %dma_start3A_32 = tpu.memref_squeeze %dma_start3A_31 : memref<1x20x128xi32, #tpu.memory_space<hbm>> -> memref<20x128xi32, #tpu.memory_space<hbm>>
          %dma_start3A_33 = arith.constant 0 : i32
          %dma_start3A_34 = arith.constant 0 : i32
          %dma_start3A_35 = tpu.memref_slice %arg4[%add3A, %dma_start3A_33, %dma_start3A_34] : memref<128x20x128xi32, #tpu.memory_space<hbm>> -> memref<1x20x128xi32, #tpu.memory_space<hbm>>
          %dma_start3A_36 = tpu.memref_squeeze %dma_start3A_35 : memref<1x20x128xi32, #tpu.memory_space<hbm>> -> memref<20x128xi32, #tpu.memory_space<hbm>>
          tpu.enqueue_dma source(%dma_start3A_36 : memref<20x128xi32, #tpu.memory_space<hbm>>) target(%arg8 : memref<20x128xi32, #tpu.memory_space<vmem>>) target_semaphore(%run_scoped3A : memref<!tpu.dma_semaphore, #tpu.memory_space<semaphore_mem>>)
          %dma_wait3A = arith.constant 0 : i32
          %dma_wait3A_37 = arith.constant 0 : i32
          %dma_wait3A_38 = tpu.memref_slice %arg4[%add3A, %dma_wait3A, %dma_wait3A_37] : memref<128x20x128xi32, #tpu.memory_space<hbm>> -> memref<1x20x128xi32, #tpu.memory_space<hbm>>
          %dma_wait3A_39 = tpu.memref_squeeze %dma_wait3A_38 : memref<1x20x128xi32, #tpu.memory_space<hbm>> -> memref<20x128xi32, #tpu.memory_space<hbm>>
          %dma_wait3A_40 = arith.constant 0 : i32
          %dma_wait3A_41 = arith.constant 0 : i32
          %dma_wait3A_42 = tpu.memref_slice %arg4[%add3A, %dma_wait3A_40, %dma_wait3A_41] : memref<128x20x128xi32, #tpu.memory_space<hbm>> -> memref<1x20x128xi32, #tpu.memory_space<hbm>>
          %dma_wait3A_43 = tpu.memref_squeeze %dma_wait3A_42 : memref<1x20x128xi32, #tpu.memory_space<hbm>> -> memref<20x128xi32, #tpu.memory_space<hbm>>
          tpu.wait_dma2 semaphore(%run_scoped3A : memref<!tpu.dma_semaphore, #tpu.memory_space<semaphore_mem>>) src(%dma_wait3A_43 : memref<20x128xi32, #tpu.memory_space<hbm>>) dst(%arg8 : memref<20x128xi32, #tpu.memory_space<vmem>>)
          tpu.yield
        }) : () -> ()
        %dma_start3A = arith.constant 0 : i32
        %dma_start3A_17 = arith.constant 0 : i32
        %dma_start3A_18 = tpu.memref_slice %arg7[%dma_start3A, %dma_start3A_17] : memref<20x128xi32, #tpu.memory_space<vmem>> -> memref<1x128xi32, #tpu.memory_space<vmem>>
        %dma_start3A_19 = tpu.memref_squeeze %dma_start3A_18 : memref<1x128xi32, #tpu.memory_space<vmem>> -> memref<128xi32, #tpu.memory_space<vmem>>
        %dma_start3A_20 = arith.constant 0 : i32
        %dma_start3A_21 = arith.constant 0 : i32
        %dma_start3A_22 = tpu.memref_slice %arg2[%dma_start3A_20, %dma_start3A_21] : memref<10112x128xf32, #tpu.memory_space<hbm>> -> memref<10112x128xf32, #tpu.memory_space<hbm>>
        tpu.enqueue_indirect_dma source(%dma_start3A_22 : memref<10112x128xf32, #tpu.memory_space<hbm>>) target(%arg9 : memref<128x128xf32, #tpu.memory_space<vmem>>) offsets(%dma_start3A_19 : memref<128xi32, #tpu.memory_space<vmem>>) semaphore(%arg12 : memref<!tpu.dma_semaphore, #tpu.memory_space<semaphore_mem>>)
        %scan3A_23 = arith.constant 0 : i32
        %scan3A_24 = arith.constant 0 : i32
        %scan3A_25 = arith.constant 10 : i32
        %scan3A_26 = arith.addi %scan3A_24, %scan3A_25 : i32
        %scan3A_27 = arith.constant 1 : i32
        scf.for %scan3A_29 = %scan3A_24 to %scan3A_26 step %scan3A_27  : i32 {
          %mul3A_30 = arith.constant 2 : i32
          %mul3A_31 = arith.muli %scan3A_29, %mul3A_30 : i32
          %add3A_32 = arith.constant 0 : i32
          %add3A_33 = arith.addi %mul3A_31, %add3A_32 : i32
          %add3A_34 = arith.constant 1 : i32
          %add3A_35 = arith.addi %add3A_33, %add3A_34 : i32
          %lt3A = arith.constant 20 : i32
          %lt3A_36 = arith.cmpi slt, %add3A_35, %lt3A : i32
          %convert_element_type3A_37 = arith.extui %lt3A_36 : i1 to i32
          %cond3A_38 = arith.constant 0 : i32
          %cond3A_39 = arith.cmpi ne, %convert_element_type3A_37, %cond3A_38 : i32
          scf.if %cond3A_39 {
            %add3A_62 = arith.constant 1 : i32
            %add3A_63 = arith.addi %add3A_33, %add3A_62 : i32
            %dma_start3A_64 = arith.constant 0 : i32
            %dma_start3A_65 = tpu.memref_slice %arg7[%add3A_63, %dma_start3A_64] : memref<20x128xi32, #tpu.memory_space<vmem>> -> memref<1x128xi32, #tpu.memory_space<vmem>>
            %dma_start3A_66 = tpu.memref_squeeze %dma_start3A_65 : memref<1x128xi32, #tpu.memory_space<vmem>> -> memref<128xi32, #tpu.memory_space<vmem>>
            %dma_start3A_67 = arith.constant 0 : i32
            %dma_start3A_68 = arith.constant 0 : i32
            %dma_start3A_69 = tpu.memref_slice %arg2[%dma_start3A_67, %dma_start3A_68] : memref<10112x128xf32, #tpu.memory_space<hbm>> -> memref<10112x128xf32, #tpu.memory_space<hbm>>
            tpu.enqueue_indirect_dma source(%dma_start3A_69 : memref<10112x128xf32, #tpu.memory_space<hbm>>) target(%arg10 : memref<128x128xf32, #tpu.memory_space<vmem>>) offsets(%dma_start3A_66 : memref<128xi32, #tpu.memory_space<vmem>>) semaphore(%arg13 : memref<!tpu.dma_semaphore, #tpu.memory_space<semaphore_mem>>)
          } else {
          }
          %dma_wait3A = arith.constant 0 : i32
          %dma_wait3A_40 = tpu.memref_slice %arg7[%add3A_33, %dma_wait3A] : memref<20x128xi32, #tpu.memory_space<vmem>> -> memref<1x128xi32, #tpu.memory_space<vmem>>
          %dma_wait3A_41 = tpu.memref_squeeze %dma_wait3A_40 : memref<1x128xi32, #tpu.memory_space<vmem>> -> memref<128xi32, #tpu.memory_space<vmem>>
          %dma_wait3A_42 = arith.constant 0 : i32
          %dma_wait3A_43 = arith.constant 0 : i32
          %dma_wait3A_44 = tpu.memref_slice %arg2[%dma_wait3A_42, %dma_wait3A_43] : memref<10112x128xf32, #tpu.memory_space<hbm>> -> memref<10112x128xf32, #tpu.memory_space<hbm>>
          tpu.wait_indirect_dma semaphore(%arg12 : memref<!tpu.dma_semaphore, #tpu.memory_space<semaphore_mem>>) src(%dma_wait3A_44 : memref<10112x128xf32, #tpu.memory_space<hbm>>) dst(%arg9 : memref<128x128xf32, #tpu.memory_space<vmem>>)
          "tpu.region"() ({
            %run_scoped3A = tpu.sem_alloc : memref<!tpu.dma_semaphore, #tpu.memory_space<semaphore_mem>>
            %dma_start3A_62 = arith.constant 0 : i32
            %dma_start3A_63 = tpu.memref_slice %arg8[%add3A_33, %dma_start3A_62] : memref<20x128xi32, #tpu.memory_space<vmem>> -> memref<1x128xi32, #tpu.memory_space<vmem>>
            %dma_start3A_64 = tpu.memref_squeeze %dma_start3A_63 : memref<1x128xi32, #tpu.memory_space<vmem>> -> memref<128xi32, #tpu.memory_space<vmem>>
            %dma_start3A_65 = arith.constant 0 : i32
            %dma_start3A_66 = arith.constant 0 : i32
            %dma_start3A_67 = tpu.memref_slice %arg11[%dma_start3A_65, %dma_start3A_66] : memref<10112x128xf32, #tpu.memory_space<vmem_shared>> -> memref<10112x128xf32, #tpu.memory_space<vmem_shared>>
            tpu.enqueue_indirect_dma source(%arg9 : memref<128x128xf32, #tpu.memory_space<vmem>>) target(%dma_start3A_67 : memref<10112x128xf32, #tpu.memory_space<vmem_shared>>) offsets(%dma_start3A_64 : memref<128xi32, #tpu.memory_space<vmem>>) semaphore(%run_scoped3A : memref<!tpu.dma_semaphore, #tpu.memory_space<semaphore_mem>>) {add = true}
            %dma_wait3A_68 = arith.constant 0 : i32
            %dma_wait3A_69 = tpu.memref_slice %arg8[%add3A_33, %dma_wait3A_68] : memref<20x128xi32, #tpu.memory_space<vmem>> -> memref<1x128xi32, #tpu.memory_space<vmem>>
            %dma_wait3A_70 = tpu.memref_squeeze %dma_wait3A_69 : memref<1x128xi32, #tpu.memory_space<vmem>> -> memref<128xi32, #tpu.memory_space<vmem>>
            %dma_wait3A_71 = arith.constant 0 : i32
            %dma_wait3A_72 = arith.constant 0 : i32
            %dma_wait3A_73 = tpu.memref_slice %arg11[%dma_wait3A_71, %dma_wait3A_72] : memref<10112x128xf32, #tpu.memory_space<vmem_shared>> -> memref<10112x128xf32, #tpu.memory_space<vmem_shared>>
            tpu.wait_indirect_dma semaphore(%run_scoped3A : memref<!tpu.dma_semaphore, #tpu.memory_space<semaphore_mem>>) src(%arg9 : memref<128x128xf32, #tpu.memory_space<vmem>>) dst(%dma_wait3A_73 : memref<10112x128xf32, #tpu.memory_space<vmem_shared>>)
            tpu.yield
          }) : () -> ()
          %mul3A_45 = arith.constant 2 : i32
          %mul3A_46 = arith.muli %scan3A_29, %mul3A_45 : i32
          %add3A_47 = arith.constant 1 : i32
          %add3A_48 = arith.addi %mul3A_46, %add3A_47 : i32
          %add3A_49 = arith.constant 1 : i32
          %add3A_50 = arith.addi %add3A_48, %add3A_49 : i32
          %lt3A_51 = arith.constant 20 : i32
          %lt3A_52 = arith.cmpi slt, %add3A_50, %lt3A_51 : i32
          %convert_element_type3A_53 = arith.extui %lt3A_52 : i1 to i32
          %cond3A_54 = arith.constant 0 : i32
          %cond3A_55 = arith.cmpi ne, %convert_element_type3A_53, %cond3A_54 : i32
          scf.if %cond3A_55 {
            %add3A_62 = arith.constant 1 : i32
            %add3A_63 = arith.addi %add3A_48, %add3A_62 : i32
            %dma_start3A_64 = arith.constant 0 : i32
            %dma_start3A_65 = tpu.memref_slice %arg7[%add3A_63, %dma_start3A_64] : memref<20x128xi32, #tpu.memory_space<vmem>> -> memref<1x128xi32, #tpu.memory_space<vmem>>
            %dma_start3A_66 = tpu.memref_squeeze %dma_start3A_65 : memref<1x128xi32, #tpu.memory_space<vmem>> -> memref<128xi32, #tpu.memory_space<vmem>>
            %dma_start3A_67 = arith.constant 0 : i32
            %dma_start3A_68 = arith.constant 0 : i32
            %dma_start3A_69 = tpu.memref_slice %arg2[%dma_start3A_67, %dma_start3A_68] : memref<10112x128xf32, #tpu.memory_space<hbm>> -> memref<10112x128xf32, #tpu.memory_space<hbm>>
            tpu.enqueue_indirect_dma source(%dma_start3A_69 : memref<10112x128xf32, #tpu.memory_space<hbm>>) target(%arg9 : memref<128x128xf32, #tpu.memory_space<vmem>>) offsets(%dma_start3A_66 : memref<128xi32, #tpu.memory_space<vmem>>) semaphore(%arg12 : memref<!tpu.dma_semaphore, #tpu.memory_space<semaphore_mem>>)
          } else {
          }
          %dma_wait3A_56 = arith.constant 0 : i32
          %dma_wait3A_57 = tpu.memref_slice %arg7[%add3A_48, %dma_wait3A_56] : memref<20x128xi32, #tpu.memory_space<vmem>> -> memref<1x128xi32, #tpu.memory_space<vmem>>
          %dma_wait3A_58 = tpu.memref_squeeze %dma_wait3A_57 : memref<1x128xi32, #tpu.memory_space<vmem>> -> memref<128xi32, #tpu.memory_space<vmem>>
          %dma_wait3A_59 = arith.constant 0 : i32
          %dma_wait3A_60 = arith.constant 0 : i32
          %dma_wait3A_61 = tpu.memref_slice %arg2[%dma_wait3A_59, %dma_wait3A_60] : memref<10112x128xf32, #tpu.memory_space<hbm>> -> memref<10112x128xf32, #tpu.memory_space<hbm>>
          tpu.wait_indirect_dma semaphore(%arg13 : memref<!tpu.dma_semaphore, #tpu.memory_space<semaphore_mem>>) src(%dma_wait3A_61 : memref<10112x128xf32, #tpu.memory_space<hbm>>) dst(%arg10 : memref<128x128xf32, #tpu.memory_space<vmem>>)
          "tpu.region"() ({
            %run_scoped3A = tpu.sem_alloc : memref<!tpu.dma_semaphore, #tpu.memory_space<semaphore_mem>>
            %dma_start3A_62 = arith.constant 0 : i32
            %dma_start3A_63 = tpu.memref_slice %arg8[%add3A_48, %dma_start3A_62] : memref<20x128xi32, #tpu.memory_space<vmem>> -> memref<1x128xi32, #tpu.memory_space<vmem>>
            %dma_start3A_64 = tpu.memref_squeeze %dma_start3A_63 : memref<1x128xi32, #tpu.memory_space<vmem>> -> memref<128xi32, #tpu.memory_space<vmem>>
            %dma_start3A_65 = arith.constant 0 : i32
            %dma_start3A_66 = arith.constant 0 : i32
            %dma_start3A_67 = tpu.memref_slice %arg11[%dma_start3A_65, %dma_start3A_66] : memref<10112x128xf32, #tpu.memory_space<vmem_shared>> -> memref<10112x128xf32, #tpu.memory_space<vmem_shared>>
            tpu.enqueue_indirect_dma source(%arg10 : memref<128x128xf32, #tpu.memory_space<vmem>>) target(%dma_start3A_67 : memref<10112x128xf32, #tpu.memory_space<vmem_shared>>) offsets(%dma_start3A_64 : memref<128xi32, #tpu.memory_space<vmem>>) semaphore(%run_scoped3A : memref<!tpu.dma_semaphore, #tpu.memory_space<semaphore_mem>>) {add = true}
            %dma_wait3A_68 = arith.constant 0 : i32
            %dma_wait3A_69 = tpu.memref_slice %arg8[%add3A_48, %dma_wait3A_68] : memref<20x128xi32, #tpu.memory_space<vmem>> -> memref<1x128xi32, #tpu.memory_space<vmem>>
            %dma_wait3A_70 = tpu.memref_squeeze %dma_wait3A_69 : memref<1x128xi32, #tpu.memory_space<vmem>> -> memref<128xi32, #tpu.memory_space<vmem>>
            %dma_wait3A_71 = arith.constant 0 : i32
            %dma_wait3A_72 = arith.constant 0 : i32
            %dma_wait3A_73 = tpu.memref_slice %arg11[%dma_wait3A_71, %dma_wait3A_72] : memref<10112x128xf32, #tpu.memory_space<vmem_shared>> -> memref<10112x128xf32, #tpu.memory_space<vmem_shared>>
            tpu.wait_indirect_dma semaphore(%run_scoped3A : memref<!tpu.dma_semaphore, #tpu.memory_space<semaphore_mem>>) src(%arg10 : memref<128x128xf32, #tpu.memory_space<vmem>>) dst(%dma_wait3A_73 : memref<10112x128xf32, #tpu.memory_space<vmem_shared>>)
            tpu.yield
          }) : () -> ()
        }
        %scan3A_28 = arith.constant 10 : i32
      }
      %scan3A_13 = arith.constant 7 : i32
    } else {
    }
    %eq3A_3 = arith.constant 1 : i32
    %eq3A_4 = arith.cmpi eq, %arg0, %eq3A_3 : i32
    %convert_element_type3A_5 = arith.extui %eq3A_4 : i1 to i32
    %cond3A_6 = arith.constant 0 : i32
    %cond3A_7 = arith.cmpi ne, %convert_element_type3A_5, %cond3A_6 : i32
    scf.if %cond3A_7 {
      %add3A = arith.constant 112 : i32
      %add3A_9 = arith.addi %add3A, %arg1 : i32
      "tpu.region"() ({
        %run_scoped3A = tpu.sem_alloc : memref<!tpu.dma_semaphore, #tpu.memory_space<semaphore_mem>>
        %dma_start3A_21 = arith.constant 0 : i32
        %dma_start3A_22 = arith.constant 0 : i32
        %dma_start3A_23 = tpu.memref_slice %arg3[%add3A_9, %dma_start3A_21, %dma_start3A_22] : memref<128x20x128xi32, #tpu.memory_space<hbm>> -> memref<1x20x128xi32, #tpu.memory_space<hbm>>
        %dma_start3A_24 = tpu.memref_squeeze %dma_start3A_23 : memref<1x20x128xi32, #tpu.memory_space<hbm>> -> memref<20x128xi32, #tpu.memory_space<hbm>>
        %dma_start3A_25 = arith.constant 0 : i32
        %dma_start3A_26 = arith.constant 0 : i32
        %dma_start3A_27 = tpu.memref_slice %arg3[%add3A_9, %dma_start3A_25, %dma_start3A_26] : memref<128x20x128xi32, #tpu.memory_space<hbm>> -> memref<1x20x128xi32, #tpu.memory_space<hbm>>
        %dma_start3A_28 = tpu.memref_squeeze %dma_start3A_27 : memref<1x20x128xi32, #tpu.memory_space<hbm>> -> memref<20x128xi32, #tpu.memory_space<hbm>>
        tpu.enqueue_dma source(%dma_start3A_28 : memref<20x128xi32, #tpu.memory_space<hbm>>) target(%arg7 : memref<20x128xi32, #tpu.memory_space<vmem>>) target_semaphore(%run_scoped3A : memref<!tpu.dma_semaphore, #tpu.memory_space<semaphore_mem>>)
        %dma_wait3A = arith.constant 0 : i32
        %dma_wait3A_29 = arith.constant 0 : i32
        %dma_wait3A_30 = tpu.memref_slice %arg3[%add3A_9, %dma_wait3A, %dma_wait3A_29] : memref<128x20x128xi32, #tpu.memory_space<hbm>> -> memref<1x20x128xi32, #tpu.memory_space<hbm>>
        %dma_wait3A_31 = tpu.memref_squeeze %dma_wait3A_30 : memref<1x20x128xi32, #tpu.memory_space<hbm>> -> memref<20x128xi32, #tpu.memory_space<hbm>>
        %dma_wait3A_32 = arith.constant 0 : i32
        %dma_wait3A_33 = arith.constant 0 : i32
        %dma_wait3A_34 = tpu.memref_slice %arg3[%add3A_9, %dma_wait3A_32, %dma_wait3A_33] : memref<128x20x128xi32, #tpu.memory_space<hbm>> -> memref<1x20x128xi32, #tpu.memory_space<hbm>>
        %dma_wait3A_35 = tpu.memref_squeeze %dma_wait3A_34 : memref<1x20x128xi32, #tpu.memory_space<hbm>> -> memref<20x128xi32, #tpu.memory_space<hbm>>
        tpu.wait_dma2 semaphore(%run_scoped3A : memref<!tpu.dma_semaphore, #tpu.memory_space<semaphore_mem>>) src(%dma_wait3A_35 : memref<20x128xi32, #tpu.memory_space<hbm>>) dst(%arg7 : memref<20x128xi32, #tpu.memory_space<vmem>>)
        tpu.yield
      }) : () -> ()
      "tpu.region"() ({
        %run_scoped3A = tpu.sem_alloc : memref<!tpu.dma_semaphore, #tpu.memory_space<semaphore_mem>>
        %dma_start3A_21 = arith.constant 0 : i32
        %dma_start3A_22 = arith.constant 0 : i32
        %dma_start3A_23 = tpu.memref_slice %arg4[%add3A_9, %dma_start3A_21, %dma_start3A_22] : memref<128x20x128xi32, #tpu.memory_space<hbm>> -> memref<1x20x128xi32, #tpu.memory_space<hbm>>
        %dma_start3A_24 = tpu.memref_squeeze %dma_start3A_23 : memref<1x20x128xi32, #tpu.memory_space<hbm>> -> memref<20x128xi32, #tpu.memory_space<hbm>>
        %dma_start3A_25 = arith.constant 0 : i32
        %dma_start3A_26 = arith.constant 0 : i32
        %dma_start3A_27 = tpu.memref_slice %arg4[%add3A_9, %dma_start3A_25, %dma_start3A_26] : memref<128x20x128xi32, #tpu.memory_space<hbm>> -> memref<1x20x128xi32, #tpu.memory_space<hbm>>
        %dma_start3A_28 = tpu.memref_squeeze %dma_start3A_27 : memref<1x20x128xi32, #tpu.memory_space<hbm>> -> memref<20x128xi32, #tpu.memory_space<hbm>>
        tpu.enqueue_dma source(%dma_start3A_28 : memref<20x128xi32, #tpu.memory_space<hbm>>) target(%arg8 : memref<20x128xi32, #tpu.memory_space<vmem>>) target_semaphore(%run_scoped3A : memref<!tpu.dma_semaphore, #tpu.memory_space<semaphore_mem>>)
        %dma_wait3A = arith.constant 0 : i32
        %dma_wait3A_29 = arith.constant 0 : i32
        %dma_wait3A_30 = tpu.memref_slice %arg4[%add3A_9, %dma_wait3A, %dma_wait3A_29] : memref<128x20x128xi32, #tpu.memory_space<hbm>> -> memref<1x20x128xi32, #tpu.memory_space<hbm>>
        %dma_wait3A_31 = tpu.memref_squeeze %dma_wait3A_30 : memref<1x20x128xi32, #tpu.memory_space<hbm>> -> memref<20x128xi32, #tpu.memory_space<hbm>>
        %dma_wait3A_32 = arith.constant 0 : i32
        %dma_wait3A_33 = arith.constant 0 : i32
        %dma_wait3A_34 = tpu.memref_slice %arg4[%add3A_9, %dma_wait3A_32, %dma_wait3A_33] : memref<128x20x128xi32, #tpu.memory_space<hbm>> -> memref<1x20x128xi32, #tpu.memory_space<hbm>>
        %dma_wait3A_35 = tpu.memref_squeeze %dma_wait3A_34 : memref<1x20x128xi32, #tpu.memory_space<hbm>> -> memref<20x128xi32, #tpu.memory_space<hbm>>
        tpu.wait_dma2 semaphore(%run_scoped3A : memref<!tpu.dma_semaphore, #tpu.memory_space<semaphore_mem>>) src(%dma_wait3A_35 : memref<20x128xi32, #tpu.memory_space<hbm>>) dst(%arg8 : memref<20x128xi32, #tpu.memory_space<vmem>>)
        tpu.yield
      }) : () -> ()
      %dma_start3A = arith.constant 0 : i32
      %dma_start3A_10 = arith.constant 0 : i32
      %dma_start3A_11 = tpu.memref_slice %arg7[%dma_start3A, %dma_start3A_10] : memref<20x128xi32, #tpu.memory_space<vmem>> -> memref<1x128xi32, #tpu.memory_space<vmem>>
      %dma_start3A_12 = tpu.memref_squeeze %dma_start3A_11 : memref<1x128xi32, #tpu.memory_space<vmem>> -> memref<128xi32, #tpu.memory_space<vmem>>
      %dma_start3A_13 = arith.constant 0 : i32
      %dma_start3A_14 = arith.constant 0 : i32
      %dma_start3A_15 = tpu.memref_slice %arg2[%dma_start3A_13, %dma_start3A_14] : memref<10112x128xf32, #tpu.memory_space<hbm>> -> memref<10112x128xf32, #tpu.memory_space<hbm>>
      tpu.enqueue_indirect_dma source(%dma_start3A_15 : memref<10112x128xf32, #tpu.memory_space<hbm>>) target(%arg9 : memref<128x128xf32, #tpu.memory_space<vmem>>) offsets(%dma_start3A_12 : memref<128xi32, #tpu.memory_space<vmem>>) semaphore(%arg12 : memref<!tpu.dma_semaphore, #tpu.memory_space<semaphore_mem>>)
      %scan3A = arith.constant 0 : i32
      %scan3A_16 = arith.constant 0 : i32
      %scan3A_17 = arith.constant 10 : i32
      %scan3A_18 = arith.addi %scan3A_16, %scan3A_17 : i32
      %scan3A_19 = arith.constant 1 : i32
      scf.for %scan3A_21 = %scan3A_16 to %scan3A_18 step %scan3A_19  : i32 {
        %mul3A_22 = arith.constant 2 : i32
        %mul3A_23 = arith.muli %scan3A_21, %mul3A_22 : i32
        %add3A_24 = arith.constant 0 : i32
        %add3A_25 = arith.addi %mul3A_23, %add3A_24 : i32
        %add3A_26 = arith.constant 1 : i32
        %add3A_27 = arith.addi %add3A_25, %add3A_26 : i32
        %lt3A = arith.constant 20 : i32
        %lt3A_28 = arith.cmpi slt, %add3A_27, %lt3A : i32
        %convert_element_type3A_29 = arith.extui %lt3A_28 : i1 to i32
        %cond3A_30 = arith.constant 0 : i32
        %cond3A_31 = arith.cmpi ne, %convert_element_type3A_29, %cond3A_30 : i32
        scf.if %cond3A_31 {
          %add3A_54 = arith.constant 1 : i32
          %add3A_55 = arith.addi %add3A_25, %add3A_54 : i32
          %dma_start3A_56 = arith.constant 0 : i32
          %dma_start3A_57 = tpu.memref_slice %arg7[%add3A_55, %dma_start3A_56] : memref<20x128xi32, #tpu.memory_space<vmem>> -> memref<1x128xi32, #tpu.memory_space<vmem>>
          %dma_start3A_58 = tpu.memref_squeeze %dma_start3A_57 : memref<1x128xi32, #tpu.memory_space<vmem>> -> memref<128xi32, #tpu.memory_space<vmem>>
          %dma_start3A_59 = arith.constant 0 : i32
          %dma_start3A_60 = arith.constant 0 : i32
          %dma_start3A_61 = tpu.memref_slice %arg2[%dma_start3A_59, %dma_start3A_60] : memref<10112x128xf32, #tpu.memory_space<hbm>> -> memref<10112x128xf32, #tpu.memory_space<hbm>>
          tpu.enqueue_indirect_dma source(%dma_start3A_61 : memref<10112x128xf32, #tpu.memory_space<hbm>>) target(%arg10 : memref<128x128xf32, #tpu.memory_space<vmem>>) offsets(%dma_start3A_58 : memref<128xi32, #tpu.memory_space<vmem>>) semaphore(%arg13 : memref<!tpu.dma_semaphore, #tpu.memory_space<semaphore_mem>>)
        } else {
        }
        %dma_wait3A = arith.constant 0 : i32
        %dma_wait3A_32 = tpu.memref_slice %arg7[%add3A_25, %dma_wait3A] : memref<20x128xi32, #tpu.memory_space<vmem>> -> memref<1x128xi32, #tpu.memory_space<vmem>>
        %dma_wait3A_33 = tpu.memref_squeeze %dma_wait3A_32 : memref<1x128xi32, #tpu.memory_space<vmem>> -> memref<128xi32, #tpu.memory_space<vmem>>
        %dma_wait3A_34 = arith.constant 0 : i32
        %dma_wait3A_35 = arith.constant 0 : i32
        %dma_wait3A_36 = tpu.memref_slice %arg2[%dma_wait3A_34, %dma_wait3A_35] : memref<10112x128xf32, #tpu.memory_space<hbm>> -> memref<10112x128xf32, #tpu.memory_space<hbm>>
        tpu.wait_indirect_dma semaphore(%arg12 : memref<!tpu.dma_semaphore, #tpu.memory_space<semaphore_mem>>) src(%dma_wait3A_36 : memref<10112x128xf32, #tpu.memory_space<hbm>>) dst(%arg9 : memref<128x128xf32, #tpu.memory_space<vmem>>)
        "tpu.region"() ({
          %run_scoped3A = tpu.sem_alloc : memref<!tpu.dma_semaphore, #tpu.memory_space<semaphore_mem>>
          %dma_start3A_54 = arith.constant 0 : i32
          %dma_start3A_55 = tpu.memref_slice %arg8[%add3A_25, %dma_start3A_54] : memref<20x128xi32, #tpu.memory_space<vmem>> -> memref<1x128xi32, #tpu.memory_space<vmem>>
          %dma_start3A_56 = tpu.memref_squeeze %dma_start3A_55 : memref<1x128xi32, #tpu.memory_space<vmem>> -> memref<128xi32, #tpu.memory_space<vmem>>
          %dma_start3A_57 = arith.constant 0 : i32
          %dma_start3A_58 = arith.constant 0 : i32
          %dma_start3A_59 = tpu.memref_slice %arg11[%dma_start3A_57, %dma_start3A_58] : memref<10112x128xf32, #tpu.memory_space<vmem_shared>> -> memref<10112x128xf32, #tpu.memory_space<vmem_shared>>
          tpu.enqueue_indirect_dma source(%arg9 : memref<128x128xf32, #tpu.memory_space<vmem>>) target(%dma_start3A_59 : memref<10112x128xf32, #tpu.memory_space<vmem_shared>>) offsets(%dma_start3A_56 : memref<128xi32, #tpu.memory_space<vmem>>) semaphore(%run_scoped3A : memref<!tpu.dma_semaphore, #tpu.memory_space<semaphore_mem>>) {add = true}
          %dma_wait3A_60 = arith.constant 0 : i32
          %dma_wait3A_61 = tpu.memref_slice %arg8[%add3A_25, %dma_wait3A_60] : memref<20x128xi32, #tpu.memory_space<vmem>> -> memref<1x128xi32, #tpu.memory_space<vmem>>
          %dma_wait3A_62 = tpu.memref_squeeze %dma_wait3A_61 : memref<1x128xi32, #tpu.memory_space<vmem>> -> memref<128xi32, #tpu.memory_space<vmem>>
          %dma_wait3A_63 = arith.constant 0 : i32
          %dma_wait3A_64 = arith.constant 0 : i32
          %dma_wait3A_65 = tpu.memref_slice %arg11[%dma_wait3A_63, %dma_wait3A_64] : memref<10112x128xf32, #tpu.memory_space<vmem_shared>> -> memref<10112x128xf32, #tpu.memory_space<vmem_shared>>
          tpu.wait_indirect_dma semaphore(%run_scoped3A : memref<!tpu.dma_semaphore, #tpu.memory_space<semaphore_mem>>) src(%arg9 : memref<128x128xf32, #tpu.memory_space<vmem>>) dst(%dma_wait3A_65 : memref<10112x128xf32, #tpu.memory_space<vmem_shared>>)
          tpu.yield
        }) : () -> ()
        %mul3A_37 = arith.constant 2 : i32
        %mul3A_38 = arith.muli %scan3A_21, %mul3A_37 : i32
        %add3A_39 = arith.constant 1 : i32
        %add3A_40 = arith.addi %mul3A_38, %add3A_39 : i32
        %add3A_41 = arith.constant 1 : i32
        %add3A_42 = arith.addi %add3A_40, %add3A_41 : i32
        %lt3A_43 = arith.constant 20 : i32
        %lt3A_44 = arith.cmpi slt, %add3A_42, %lt3A_43 : i32
        %convert_element_type3A_45 = arith.extui %lt3A_44 : i1 to i32
        %cond3A_46 = arith.constant 0 : i32
        %cond3A_47 = arith.cmpi ne, %convert_element_type3A_45, %cond3A_46 : i32
        scf.if %cond3A_47 {
          %add3A_54 = arith.constant 1 : i32
          %add3A_55 = arith.addi %add3A_40, %add3A_54 : i32
          %dma_start3A_56 = arith.constant 0 : i32
          %dma_start3A_57 = tpu.memref_slice %arg7[%add3A_55, %dma_start3A_56] : memref<20x128xi32, #tpu.memory_space<vmem>> -> memref<1x128xi32, #tpu.memory_space<vmem>>
          %dma_start3A_58 = tpu.memref_squeeze %dma_start3A_57 : memref<1x128xi32, #tpu.memory_space<vmem>> -> memref<128xi32, #tpu.memory_space<vmem>>
          %dma_start3A_59 = arith.constant 0 : i32
          %dma_start3A_60 = arith.constant 0 : i32
          %dma_start3A_61 = tpu.memref_slice %arg2[%dma_start3A_59, %dma_start3A_60] : memref<10112x128xf32, #tpu.memory_space<hbm>> -> memref<10112x128xf32, #tpu.memory_space<hbm>>
          tpu.enqueue_indirect_dma source(%dma_start3A_61 : memref<10112x128xf32, #tpu.memory_space<hbm>>) target(%arg9 : memref<128x128xf32, #tpu.memory_space<vmem>>) offsets(%dma_start3A_58 : memref<128xi32, #tpu.memory_space<vmem>>) semaphore(%arg12 : memref<!tpu.dma_semaphore, #tpu.memory_space<semaphore_mem>>)
        } else {
        }
        %dma_wait3A_48 = arith.constant 0 : i32
        %dma_wait3A_49 = tpu.memref_slice %arg7[%add3A_40, %dma_wait3A_48] : memref<20x128xi32, #tpu.memory_space<vmem>> -> memref<1x128xi32, #tpu.memory_space<vmem>>
        %dma_wait3A_50 = tpu.memref_squeeze %dma_wait3A_49 : memref<1x128xi32, #tpu.memory_space<vmem>> -> memref<128xi32, #tpu.memory_space<vmem>>
        %dma_wait3A_51 = arith.constant 0 : i32
        %dma_wait3A_52 = arith.constant 0 : i32
        %dma_wait3A_53 = tpu.memref_slice %arg2[%dma_wait3A_51, %dma_wait3A_52] : memref<10112x128xf32, #tpu.memory_space<hbm>> -> memref<10112x128xf32, #tpu.memory_space<hbm>>
        tpu.wait_indirect_dma semaphore(%arg13 : memref<!tpu.dma_semaphore, #tpu.memory_space<semaphore_mem>>) src(%dma_wait3A_53 : memref<10112x128xf32, #tpu.memory_space<hbm>>) dst(%arg10 : memref<128x128xf32, #tpu.memory_space<vmem>>)
        "tpu.region"() ({
          %run_scoped3A = tpu.sem_alloc : memref<!tpu.dma_semaphore, #tpu.memory_space<semaphore_mem>>
          %dma_start3A_54 = arith.constant 0 : i32
          %dma_start3A_55 = tpu.memref_slice %arg8[%add3A_40, %dma_start3A_54] : memref<20x128xi32, #tpu.memory_space<vmem>> -> memref<1x128xi32, #tpu.memory_space<vmem>>
          %dma_start3A_56 = tpu.memref_squeeze %dma_start3A_55 : memref<1x128xi32, #tpu.memory_space<vmem>> -> memref<128xi32, #tpu.memory_space<vmem>>
          %dma_start3A_57 = arith.constant 0 : i32
          %dma_start3A_58 = arith.constant 0 : i32
          %dma_start3A_59 = tpu.memref_slice %arg11[%dma_start3A_57, %dma_start3A_58] : memref<10112x128xf32, #tpu.memory_space<vmem_shared>> -> memref<10112x128xf32, #tpu.memory_space<vmem_shared>>
          tpu.enqueue_indirect_dma source(%arg10 : memref<128x128xf32, #tpu.memory_space<vmem>>) target(%dma_start3A_59 : memref<10112x128xf32, #tpu.memory_space<vmem_shared>>) offsets(%dma_start3A_56 : memref<128xi32, #tpu.memory_space<vmem>>) semaphore(%run_scoped3A : memref<!tpu.dma_semaphore, #tpu.memory_space<semaphore_mem>>) {add = true}
          %dma_wait3A_60 = arith.constant 0 : i32
          %dma_wait3A_61 = tpu.memref_slice %arg8[%add3A_40, %dma_wait3A_60] : memref<20x128xi32, #tpu.memory_space<vmem>> -> memref<1x128xi32, #tpu.memory_space<vmem>>
          %dma_wait3A_62 = tpu.memref_squeeze %dma_wait3A_61 : memref<1x128xi32, #tpu.memory_space<vmem>> -> memref<128xi32, #tpu.memory_space<vmem>>
          %dma_wait3A_63 = arith.constant 0 : i32
          %dma_wait3A_64 = arith.constant 0 : i32
          %dma_wait3A_65 = tpu.memref_slice %arg11[%dma_wait3A_63, %dma_wait3A_64] : memref<10112x128xf32, #tpu.memory_space<vmem_shared>> -> memref<10112x128xf32, #tpu.memory_space<vmem_shared>>
          tpu.wait_indirect_dma semaphore(%run_scoped3A : memref<!tpu.dma_semaphore, #tpu.memory_space<semaphore_mem>>) src(%arg10 : memref<128x128xf32, #tpu.memory_space<vmem>>) dst(%dma_wait3A_65 : memref<10112x128xf32, #tpu.memory_space<vmem_shared>>)
          tpu.yield
        }) : () -> ()
      }
      %scan3A_20 = arith.constant 10 : i32
    } else {
    }
    %barrier3A_8 = arith.constant 0 : index
    tpu.barrier barrier_id(%barrier3A_8)
    "tpu.region"() ({
      %run_scoped3A = tpu.sem_alloc : memref<!tpu.dma_semaphore, #tpu.memory_space<semaphore_mem>>
      %dma_start3A = arith.constant 0 : i32
      %dma_start3A_9 = tpu.memref_slice %arg6[%arg0, %mul3A_0, %dma_start3A] : memref<2x10112x128xf32, #tpu.memory_space<hbm>> -> memref<1x632x128xf32, #tpu.memory_space<hbm>>
      %dma_start3A_10 = tpu.memref_squeeze %dma_start3A_9 : memref<1x632x128xf32, #tpu.memory_space<hbm>> -> memref<632x128xf32, #tpu.memory_space<hbm>>
      %dma_start3A_11 = arith.constant 0 : i32
      %dma_start3A_12 = tpu.memref_slice %arg11[%mul3A_0, %dma_start3A_11] : memref<10112x128xf32, #tpu.memory_space<vmem_shared>> -> memref<632x128xf32, #tpu.memory_space<vmem_shared>>
      tpu.enqueue_dma source(%dma_start3A_12 : memref<632x128xf32, #tpu.memory_space<vmem_shared>>) target(%dma_start3A_10 : memref<632x128xf32, #tpu.memory_space<hbm>>) target_semaphore(%run_scoped3A : memref<!tpu.dma_semaphore, #tpu.memory_space<semaphore_mem>>)
      %dma_wait3A = arith.constant 0 : i32
      %dma_wait3A_13 = tpu.memref_slice %arg6[%arg0, %mul3A_0, %dma_wait3A] : memref<2x10112x128xf32, #tpu.memory_space<hbm>> -> memref<1x632x128xf32, #tpu.memory_space<hbm>>
      %dma_wait3A_14 = tpu.memref_squeeze %dma_wait3A_13 : memref<1x632x128xf32, #tpu.memory_space<hbm>> -> memref<632x128xf32, #tpu.memory_space<hbm>>
      %dma_wait3A_15 = arith.constant 0 : i32
      %dma_wait3A_16 = tpu.memref_slice %arg11[%mul3A_0, %dma_wait3A_15] : memref<10112x128xf32, #tpu.memory_space<vmem_shared>> -> memref<632x128xf32, #tpu.memory_space<vmem_shared>>
      tpu.wait_dma2 semaphore(%run_scoped3A : memref<!tpu.dma_semaphore, #tpu.memory_space<semaphore_mem>>) src(%dma_wait3A_16 : memref<632x128xf32, #tpu.memory_space<vmem_shared>>) dst(%dma_wait3A_14 : memref<632x128xf32, #tpu.memory_space<hbm>>)
      tpu.yield
    }) : () -> ()
    return
  }
}

module attributes {stable_mosaic.version = 14 : i64} {
  func.func @_matmul1_body(%arg0: memref<10112x128xf32, #tpu.memory_space<vmem>>, %arg1: memref<128x128xf32, #tpu.memory_space<vmem>>, %arg2: memref<10112x128xf32, #tpu.memory_space<vmem>>) attributes {dimension_semantics = [], scalar_prefetch = 0 : i64, scratch_operands = 0 : i64, tpu.core_type = #tpu.core_type<tc>} {
    %get3A = arith.constant 0 : index
    %get3A_0 = arith.constant 0 : index
    %get3A_1 = vector.load %arg0[%get3A, %get3A_0] : memref<10112x128xf32, #tpu.memory_space<vmem>>, vector<10112x128xf32>
    %get3A_2 = arith.constant 0 : index
    %get3A_3 = arith.constant 0 : index
    %get3A_4 = vector.load %arg1[%get3A_2, %get3A_3] : memref<128x128xf32, #tpu.memory_space<vmem>>, vector<128x128xf32>
    %dot_general3A = arith.constant dense<0.000000e+00> : vector<10112x128xf32>
    %dot_general3A_5 = tpu.matmul %get3A_1, %get3A_4, %dot_general3A {dimension_numbers = #tpu.dot_dimension_numbers<[1], [0], [0], [1], [0, 0, 1, 1], [], []>, precision = #tpu.contract_precision<fp32>, transpose_lhs_hint = false} : vector<10112x128xf32>, vector<128x128xf32>, vector<10112x128xf32> -> vector<10112x128xf32>
    %swap3A = arith.constant 0 : index
    %swap3A_6 = arith.constant 0 : index
    %swap3A_7 = vector.load %arg2[%swap3A, %swap3A_6] : memref<10112x128xf32, #tpu.memory_space<vmem>>, vector<10112x128xf32>
    tpu.vector_store %arg2[%swap3A, %swap3A_6], %dot_general3A_5 {strides = array<i32>} : memref<10112x128xf32, #tpu.memory_space<vmem>>, vector<10112x128xf32>,
    return
  }
}

module attributes {stable_mosaic.version = 14 : i64} {
  func.func @_norm_scale_body(%arg0: memref<2x10112x128xf32, #tpu.memory_space<vmem>>, %arg1: memref<10112x128xf32, #tpu.memory_space<vmem>>, %arg2: memref<10112x128xf32, #tpu.memory_space<vmem>>, %arg3: memref<10112x2xf32, #tpu.memory_space<vmem>>) attributes {dimension_semantics = [], scalar_prefetch = 0 : i64, scratch_operands = 0 : i64, tpu.core_type = #tpu.core_type<tc>} {
    %get3A = arith.constant 0 : index
    %get3A_0 = arith.constant 0 : index
    %get3A_1 = arith.constant 0 : index
    %get3A_2 = vector.load %arg0[%get3A, %get3A_0, %get3A_1] : memref<2x10112x128xf32, #tpu.memory_space<vmem>>, vector<1x10112x1xf32>
    %get3A_3 = vector.shape_cast %get3A_2 : vector<1x10112x1xf32> to vector<10112x1xf32>
    %get3A_4 = arith.constant 1 : index
    %get3A_5 = arith.constant 0 : index
    %get3A_6 = arith.constant 0 : index
    %get3A_7 = vector.load %arg0[%get3A_4, %get3A_5, %get3A_6] : memref<2x10112x128xf32, #tpu.memory_space<vmem>>, vector<1x10112x1xf32>
    %get3A_8 = vector.shape_cast %get3A_7 : vector<1x10112x1xf32> to vector<10112x1xf32>
    %add3A = arith.addf %get3A_3, %get3A_8 : vector<10112x1xf32>
    %get3A_9 = arith.constant 0 : index
    %get3A_10 = arith.constant 0 : index
    %get3A_11 = arith.constant 64 : index
    %get3A_12 = vector.load %arg0[%get3A_9, %get3A_10, %get3A_11] : memref<2x10112x128xf32, #tpu.memory_space<vmem>>, vector<1x10112x1xf32>
    %get3A_13 = vector.shape_cast %get3A_12 : vector<1x10112x1xf32> to vector<10112x1xf32>
    %get3A_14 = arith.constant 1 : index
    %get3A_15 = arith.constant 0 : index
    %get3A_16 = arith.constant 64 : index
    %get3A_17 = vector.load %arg0[%get3A_14, %get3A_15, %get3A_16] : memref<2x10112x128xf32, #tpu.memory_space<vmem>>, vector<1x10112x1xf32>
    %get3A_18 = vector.shape_cast %get3A_17 : vector<1x10112x1xf32> to vector<10112x1xf32>
    %add3A_19 = arith.addf %get3A_13, %get3A_18 : vector<10112x1xf32>
    %max3A = arith.constant 1.000000e+00 : f32
    %max3A_20 = vector.broadcast %max3A : f32 to vector<10112x1xf32>
    %max3A_21 = arith.maximumf %add3A_19, %max3A_20 : vector<10112x1xf32>
    %rsqrt3A = math.rsqrt %max3A_21 : vector<10112x1xf32>
    %max3A_22 = arith.constant 1.000000e+00 : f32
    %max3A_23 = vector.broadcast %max3A_22 : f32 to vector<10112x1xf32>
    %max3A_24 = arith.maximumf %add3A, %max3A_23 : vector<10112x1xf32>
    %rsqrt3A_25 = math.rsqrt %max3A_24 : vector<10112x1xf32>
    %concatenate3A = tpu.concatenate %rsqrt3A, %rsqrt3A_25 in 1 : vector<10112x1xf32>, vector<10112x1xf32> -> vector<10112x2xf32>
    %swap3A = arith.constant 0 : index
    %swap3A_26 = arith.constant 0 : index
    %swap3A_27 = vector.load %arg3[%swap3A, %swap3A_26] : memref<10112x2xf32, #tpu.memory_space<vmem>>, vector<10112x2xf32>
    tpu.vector_store %arg3[%swap3A, %swap3A_26], %concatenate3A {strides = array<i32>} : memref<10112x2xf32, #tpu.memory_space<vmem>>, vector<10112x2xf32>,
    %get3A_28 = arith.constant 0 : index
    %get3A_29 = arith.constant 0 : index
    %get3A_30 = vector.load %arg1[%get3A_28, %get3A_29] : memref<10112x128xf32, #tpu.memory_space<vmem>>, vector<10112x128xf32>
    %mul3A = vector.broadcast %rsqrt3A : vector<10112x1xf32> to vector<10112x128xf32>
    %mul3A_31 = arith.mulf %get3A_30, %mul3A : vector<10112x128xf32>
    %swap3A_32 = arith.constant 0 : index
    %swap3A_33 = arith.constant 0 : index
    %swap3A_34 = vector.load %arg2[%swap3A_32, %swap3A_33] : memref<10112x128xf32, #tpu.memory_space<vmem>>, vector<10112x128xf32>
    tpu.vector_store %arg2[%swap3A_32, %swap3A_33], %mul3A_31 {strides = array<i32>} : memref<10112x128xf32, #tpu.memory_space<vmem>>, vector<10112x128xf32>,
    return
  }
}

module attributes {stable_mosaic.version = 14 : i64} {
  func.func @_mid_layer_body(%arg0: memref<2x10112x128xf32, #tpu.memory_space<vmem>>, %arg1: memref<10112x2xf32, #tpu.memory_space<vmem>>, %arg2: memref<1x128xf32, #tpu.memory_space<vmem>>, %arg3: memref<128x128xf32, #tpu.memory_space<vmem>>, %arg4: memref<10112x128xf32, #tpu.memory_space<vmem>>, %arg5: memref<10112x128xf32, #tpu.memory_space<vmem>>) attributes {dimension_semantics = [], scalar_prefetch = 0 : i64, scratch_operands = 0 : i64, tpu.core_type = #tpu.core_type<tc>} {
    %get3A = arith.constant 0 : index
    %get3A_0 = arith.constant 0 : index
    %get3A_1 = arith.constant 0 : index
    %get3A_2 = vector.load %arg0[%get3A, %get3A_0, %get3A_1] : memref<2x10112x128xf32, #tpu.memory_space<vmem>>, vector<1x10112x128xf32>
    %get3A_3 = vector.shape_cast %get3A_2 : vector<1x10112x128xf32> to vector<10112x128xf32>
    %get3A_4 = arith.constant 1 : index
    %get3A_5 = arith.constant 0 : index
    %get3A_6 = arith.constant 0 : index
    %get3A_7 = vector.load %arg0[%get3A_4, %get3A_5, %get3A_6] : memref<2x10112x128xf32, #tpu.memory_space<vmem>>, vector<1x10112x128xf32>
    %get3A_8 = vector.shape_cast %get3A_7 : vector<1x10112x128xf32> to vector<10112x128xf32>
    %add3A = arith.addf %get3A_3, %get3A_8 : vector<10112x128xf32>
    %get3A_9 = arith.constant 0 : index
    %get3A_10 = arith.constant 0 : index
    %get3A_11 = vector.load %arg1[%get3A_9, %get3A_10] : memref<10112x2xf32, #tpu.memory_space<vmem>>, vector<10112x2xf32>
    %slice3A = vector.extract_strided_slice %get3A_11 {offsets = [0, 0], sizes = [10112, 1], strides = [1, 1]} : vector<10112x2xf32> to vector<10112x1xf32>
    %slice3A_12 = vector.extract_strided_slice %get3A_11 {offsets = [0, 1], sizes = [10112, 1], strides = [1, 1]} : vector<10112x2xf32> to vector<10112x1xf32>
    %mul3A = vector.broadcast %slice3A_12 : vector<10112x1xf32> to vector<10112x128xf32>
    %mul3A_13 = arith.mulf %add3A, %mul3A : vector<10112x128xf32>
    %get3A_14 = arith.constant 0 : index
    %get3A_15 = arith.constant 0 : index
    %get3A_16 = vector.load %arg2[%get3A_14, %get3A_15] : memref<1x128xf32, #tpu.memory_space<vmem>>, vector<1x128xf32>
    %add3A_17 = vector.broadcast %get3A_16 : vector<1x128xf32> to vector<10112x128xf32>
    %add3A_18 = arith.addf %mul3A_13, %add3A_17 : vector<10112x128xf32>
    %max3A = arith.constant 0.000000e+00 : f32
    %max3A_19 = vector.broadcast %max3A : f32 to vector<10112x128xf32>
    %max3A_20 = arith.maximumf %add3A_18, %max3A_19 : vector<10112x128xf32>
    %swap3A = arith.constant 0 : index
    %swap3A_21 = arith.constant 0 : index
    %swap3A_22 = vector.load %arg4[%swap3A, %swap3A_21] : memref<10112x128xf32, #tpu.memory_space<vmem>>, vector<10112x128xf32>
    tpu.vector_store %arg4[%swap3A, %swap3A_21], %max3A_20 {strides = array<i32>} : memref<10112x128xf32, #tpu.memory_space<vmem>>, vector<10112x128xf32>,
    %mul3A_23 = vector.broadcast %slice3A : vector<10112x1xf32> to vector<10112x128xf32>
    %mul3A_24 = arith.mulf %max3A_20, %mul3A_23 : vector<10112x128xf32>
    %get3A_25 = arith.constant 0 : index
    %get3A_26 = arith.constant 0 : index
    %get3A_27 = vector.load %arg3[%get3A_25, %get3A_26] : memref<128x128xf32, #tpu.memory_space<vmem>>, vector<128x128xf32>
    %dot_general3A = arith.constant dense<0.000000e+00> : vector<10112x128xf32>
    %dot_general3A_28 = tpu.matmul %mul3A_24, %get3A_27, %dot_general3A {dimension_numbers = #tpu.dot_dimension_numbers<[1], [0], [0], [1], [0, 0, 1, 1], [], []>, precision = #tpu.contract_precision<fp32>, transpose_lhs_hint = false} : vector<10112x128xf32>, vector<128x128xf32>, vector<10112x128xf32> -> vector<10112x128xf32>
    %swap3A_29 = arith.constant 0 : index
    %swap3A_30 = arith.constant 0 : index
    %swap3A_31 = vector.load %arg5[%swap3A_29, %swap3A_30] : memref<10112x128xf32, #tpu.memory_space<vmem>>, vector<10112x128xf32>
    tpu.vector_store %arg5[%swap3A_29, %swap3A_30], %dot_general3A_28 {strides = array<i32>} : memref<10112x128xf32, #tpu.memory_space<vmem>>, vector<10112x128xf32>,
    return
  }
}

module attributes {stable_mosaic.version = 14 : i64} {
  func.func @_final_body(%arg0: memref<2x10112x128xf32, #tpu.memory_space<vmem>>, %arg1: memref<10112x2xf32, #tpu.memory_space<vmem>>, %arg2: memref<1x128xf32, #tpu.memory_space<vmem>>, %arg3: memref<10112x128xf32, #tpu.memory_space<vmem>>) attributes {dimension_semantics = [], scalar_prefetch = 0 : i64, scratch_operands = 0 : i64, tpu.core_type = #tpu.core_type<tc>} {
    %get3A = arith.constant 0 : index
    %get3A_0 = arith.constant 0 : index
    %get3A_1 = arith.constant 0 : index
    %get3A_2 = vector.load %arg0[%get3A, %get3A_0, %get3A_1] : memref<2x10112x128xf32, #tpu.memory_space<vmem>>, vector<1x10112x128xf32>
    %get3A_3 = vector.shape_cast %get3A_2 : vector<1x10112x128xf32> to vector<10112x128xf32>
    %get3A_4 = arith.constant 1 : index
    %get3A_5 = arith.constant 0 : index
    %get3A_6 = arith.constant 0 : index
    %get3A_7 = vector.load %arg0[%get3A_4, %get3A_5, %get3A_6] : memref<2x10112x128xf32, #tpu.memory_space<vmem>>, vector<1x10112x128xf32>
    %get3A_8 = vector.shape_cast %get3A_7 : vector<1x10112x128xf32> to vector<10112x128xf32>
    %add3A = arith.addf %get3A_3, %get3A_8 : vector<10112x128xf32>
    %get3A_9 = arith.constant 0 : index
    %get3A_10 = arith.constant 0 : index
    %get3A_11 = vector.load %arg1[%get3A_9, %get3A_10] : memref<10112x2xf32, #tpu.memory_space<vmem>>, vector<10112x2xf32>
    %slice3A = vector.extract_strided_slice %get3A_11 {offsets = [0, 1], sizes = [10112, 1], strides = [1, 1]} : vector<10112x2xf32> to vector<10112x1xf32>
    %mul3A = vector.broadcast %slice3A : vector<10112x1xf32> to vector<10112x128xf32>
    %mul3A_12 = arith.mulf %add3A, %mul3A : vector<10112x128xf32>
    %get3A_13 = arith.constant 0 : index
    %get3A_14 = arith.constant 0 : index
    %get3A_15 = vector.load %arg2[%get3A_13, %get3A_14] : memref<1x128xf32, #tpu.memory_space<vmem>>, vector<1x128xf32>
    %add3A_16 = vector.broadcast %get3A_15 : vector<1x128xf32> to vector<10112x128xf32>
    %add3A_17 = arith.addf %mul3A_12, %add3A_16 : vector<10112x128xf32>
    %swap3A = arith.constant 0 : index
    %swap3A_18 = arith.constant 0 : index
    %swap3A_19 = vector.load %arg3[%swap3A, %swap3A_18] : memref<10112x128xf32, #tpu.memory_space<vmem>>, vector<10112x128xf32>
    tpu.vector_store %arg3[%swap3A, %swap3A_18], %add3A_17 {strides = array<i32>} : memref<10112x128xf32, #tpu.memory_space<vmem>>, vector<10112x128xf32>,
    return
  }
}

</mosaic_0001>

<sc_bundles>
// kernel: kernel.12.cloned.1.call-start
scs
__scs_entry_jumppad:
0x0: {  	(pc) =	sbr.rel $0x88, $3  }
0x1: {  	(tag) =	ssettag $0x0;
	lr =	simm.s32 $0x1  }
0x2: {  	[smem:$0x3F9B] =	sst lr;
	_ =	strace $0xD0000000  }
0x3: {  	_ = 	snop  }
0x4: {  	_ = 	snop  }
0x5: {  	_ = 	snop  }
0x6: {  	_ = 	snop  }
0x7: {  	_ = 	snop  }
__scs_overlays_trampoline_lowered:
0x8: {  	[smem:$0x3FAA] =	sst s0  }
0x9: {  	[smem:$0x3FAB] =	sst s1  }
0xa: {  	[smem:$0x3FAC] =	sst s2  }
0xb: {  	[smem:$0x3FAD] =	sst s3  }
0xc: {  	[smem:$0x3FAE] =	sst s4  }
0xd: {  	[smem:$0x3FAF] =	sst s5  }
0xe: {  	[smem:$0x3FB0] =	sst s6  }
0xf: {  	[smem:$0x3FB1] =	sst s7  }
0x10: {  	[smem:$0x3FB2] =	sst s8  }
0x11: {  	[smem:$0x3FB3] =	sst s9;
	s0 =	simm.s32 @!p0 $0x0  }
0x12: {  	s1 =	sld [smem:$0x3F99];
	s0 =	simm.s32 @p0 $0x1  }
0x13: {  	[smem:$0x3FB4] =	sst s0;
	s0 =	simm.s32 @!p1 $0x0  }
0x14: {  	s2 =	sld [smem:$0x3F98];
	s0 =	simm.s32 @p1 $0x1  }
0x15: {  	[smem:$0x3FB5] =	sst s0;
	s0 =	simm.s32 @!p2 $0x0  }
0x16: {  	s3 =	sld [smem:$0x3FDB];
	s0 =	simm.s32 @p2 $0x1  }
0x17: {  	s4 =	simm.s32 $0x1BF5;
	[smem:$0x3FB7] =	sst s0  }
0x18: {  	s0 =	sld [smem:$0x3F9A];
	_ =	swait.ge [sflag:s4], $0x0  }
0x19: {  	s7 =	sld [smem:$0x3F9B]  }
0x1a: {  	s8 =	sadd.s32 $0xFFFFE003, lr  }
0x1b: {  	s9 =	sadd.s32 $0xFFFFFEF7, lr;
	s5 =	simm.s32 $0xFFFFFFFF;
	p2 =	slt.u32 s8, $0xFFFFF086  }
0x1c: {  	p1 =	slt.u32 s9, $0xF7A;
	s5 =	simm.s32 @!p2 $0x0  }
0x1d: {  	s5 =	simm.s32 @p1 $0x1;
	p0 =	seq.s32 s7, s2  }
0x1e: {  	s7 =	smul.u32 @!p0 $0xF7A, s2;
	p2 =	seq.s32 @!p0 s5, $0x0  }
0x1f: {  	s9 =	smul.u32 $0xF7A, s1;
	s8 =	simm.s32 @!p0 $0x1BF5;
	p2 =	por !p2, p0  }
0x20: {  	[sflag:s8] =	ssyncset.s32 @!p0 $0xFFFFF086;
	s6 =	sadd.s32 @!p0 s3, s7;
	s7 =	simm.s32 @!p0 $0x108  }
0x21: {  	s3 =	sadd.s32 s3, s9;
	s6 =	sadd.s32 @!p0 $0x88, s6;
	s7 =	simm.s32 @p2 $0x1082  }
0x22: {  	[simem:s7], [sflag:s8] =	dma.local @!p0 [hbm:s6], $0xF7A  }
0x23: {  	s9 =	sor.u32 $0xD0000000, s2;
	s6 =	simm.s32 $0x108;
	_ =	swait.ge @!p0 [sflag:s8], $0x0  }
0x24: {  	s3 =	sadd.s32 $0x88, s3;
	s6 =	simm.s32 @!p1 $0x1082;
	[sflag:s4] =	ssyncset.s32 $0xFFFFF086  }
0x25: {  	[simem:s6], [sflag:s4] =	dma.local [hbm:s3], $0xF7A  }
0x26: {  	[smem:$0x3F9B] =	sst s1;
	(tag) =	ssettag s2;
	_ =	strace s9  }
0x27: {  	s1 =	sld [smem:$0x3FAB]  }
0x28: {  	s2 =	sld [smem:$0x3FAC]  }
0x29: {  	s4 =	sld [smem:$0x3FAE]  }
0x2a: {  	p0 =	seq.s32 s5, $0x0;
	s5 =	sld [smem:$0x3FAF]  }
0x2b: {  	s6 =	sld [smem:$0x3FB0]  }
0x2c: {  	s7 =	sld [smem:$0x3FB1]  }
0x2d: {  	s3 =	simm.s32 $0x108;
	s8 =	sld [smem:$0x3FB2]  }
0x2e: {  	s3 =	simm.s32 @!p0 $0x1082;
	s9 =	sld [smem:$0x3FB3]  }
0x2f: {  	lr =	sadd.s32 s0, s3;
	s0 =	sld [smem:$0x3FAA]  }
0x30: {  	s3 =	sld [smem:$0x3FAD]  }
0x31: {  	[smem:$0x3FB6] =	sst s10  }
0x32: {  	s10 =	sld [smem:$0x3FB4];
	_ =	sdelay $0x3  }
0x33: {  	p0 =	seq.s32 s10, $0x1;
	s10 =	sld [smem:$0x3FB6];
	_ =	sdelay $0x3  }
0x34: {  	[smem:$0x3FB6] =	sst s10  }
0x35: {  	s10 =	sld [smem:$0x3FB5];
	_ =	sdelay $0x3  }
0x36: {  	p1 =	seq.s32 s10, $0x1;
	s10 =	sld [smem:$0x3FB6];
	_ =	sdelay $0x3  }
0x37: {  	[smem:$0x3FB6] =	sst s10  }
0x38: {  	s10 =	sld [smem:$0x3FB7]  }
0x39: {  	_ = 	snop;
	(pc) =	sbr.ind lr, $3  }
0x3a: {  	_ = 	snop  }
0x3b: {  	_ = 	snop  }
0x3c: {  	p2 =	seq.s32 s10, $0x1;
	s10 =	sld [smem:$0x3FB6]  }
0x3d: {  	_ =	shalt  }
0x3e: {  	_ =	shalt  }
0x3f: {  	_ =	shalt  }
0x40: {  	_ =	shalt  }
0x41: {  	_ =	shalt  }
0x42: {  	_ =	shalt  }
0x43: {  	_ =	shalt  }
0x44: {  	_ =	shalt  }
0x45: {  	_ =	shalt  }
0x46: {  	_ =	shalt  }
0x47: {  	_ =	shalt  }
0x48: {  	_ =	shalt  }
0x49: {  	_ =	shalt  }
0x4a: {  	_ =	shalt  }
0x4b: {  	_ =	shalt  }
0x4c: {  	_ =	shalt  }
0x4d: {  	_ =	shalt  }
0x4e: {  	_ =	shalt  }
0x4f: {  	_ =	shalt  }
0x50: {  	_ =	shalt  }
0x51: {  	_ =	shalt  }
0x52: {  	_ =	shalt  }
0x53: {  	_ =	shalt  }
0x54: {  	_ =	shalt  }
0x55: {  	_ =	shalt  }
0x56: {  	_ =	shalt  }
0x57: {  	_ =	shalt  }
0x58: {  	_ =	shalt  }
0x59: {  	_ =	shalt  }
0x5a: {  	_ =	shalt  }
0x5b: {  	_ =	shalt  }
0x5c: {  	_ =	shalt  }
0x5d: {  	_ =	shalt  }
0x5e: {  	_ =	shalt  }
0x5f: {  	_ =	shalt  }
0x60: {  	_ =	shalt  }
0x61: {  	_ =	shalt  }
0x62: {  	_ =	shalt  }
0x63: {  	_ =	shalt  }
0x64: {  	_ =	shalt  }
0x65: {  	_ =	shalt  }
0x66: {  	_ =	shalt  }
0x67: {  	_ =	shalt  }
0x68: {  	_ =	shalt  }
0x69: {  	_ =	shalt  }
0x6a: {  	_ =	shalt  }
0x6b: {  	_ =	shalt  }
0x6c: {  	_ =	shalt  }
0x6d: {  	_ =	shalt  }
0x6e: {  	_ =	shalt  }
0x6f: {  	_ =	shalt  }
0x70: {  	_ =	shalt  }
0x71: {  	_ =	shalt  }
0x72: {  	_ =	shalt  }
0x73: {  	_ =	shalt  }
0x74: {  	_ =	shalt  }
0x75: {  	_ =	shalt  }
0x76: {  	_ =	shalt  }
0x77: {  	_ =	shalt  }
0x78: {  	_ =	shalt  }
0x79: {  	_ =	shalt  }
0x7a: {  	_ =	shalt  }
0x7b: {  	_ =	shalt  }
0x7c: {  	_ =	shalt  }
0x7d: {  	_ =	shalt  }
0x7e: {  	_ =	shalt  }
0x7f: {  	_ =	shalt  }
0x80: {  	_ =	shalt  }
0x81: {  	_ =	shalt  }
0x82: {  	_ =	shalt  }
0x83: {  	_ =	shalt  }
0x84: {  	_ =	shalt  }
0x85: {  	_ =	shalt  }
0x86: {  	_ =	shalt  }
0x87: {  	_ =	shalt  }
.Lfunc_end0:
.L_simem_size_0:
called_computation.1_lowered:
.L_overlay_start_0:
0x88: {  	s2 =	sld [smem:$0x3FD9]  }
0x89: {  	s3 =	sld [smem:$0x3FFE];
	_ =	sdelay $0x1  }
0x8a: {  	s1 =	srdreg.scid  }
0x8b: {  	s0 =	sand.u32 $0x1, s1  }
0x8c: {  	s14 =	sshll.u32 s0, $0xA;
	s2 =	sadd.s32 s3, s2  }
0x8d: {  	s2 =	sadd.s32 s2, s14  }
0x8e: {  	[smem:$0x3FC2] =	sst s2  }
0x8f: {  	_ = 	snop  }
0x90: {  	s2 =	sld [smem:$0x3FD0];
	_ =	sdelay $0x2  }
0x91: {  	s15 =	simm.s32 $0xA;
	s4 =	simm.s32 $0x10  }
0x92: {  	[smem:s4], [sflag:s15] =	dma.local [hbm:s2], $0x1  }
0x93: {  	_ =	swait.eq [sflag:s15], $0x1  }
0x94: {  	[sflag:s15] =	ssyncset.done $0x0  }
0x95: {  	s16 =	sld [smem:$0x11];
	[sflag:s15] =	ssyncadd.s32 $0xFFFFFFFF  }
0x96: {  	s17 =	sld [smem:$0x12];
	(tm) =	ssettm $0x1  }
0x97: {  	s18 =	sld [smem:$0x3FFB];
	_ =	sdelay $0x3  }
0x98: {  	_ =	strace s18  }
0x99: {  	s4 =	sld [smem:$0x3FFC];
	_ =	sdelay $0x3  }
0x9a: {  	_ =	strace s4  }
0x9b: {  	s4 =	sld [smem:$0x3FFD];
	_ =	sdelay $0x3  }
0x9c: {  	_ =	strace s4  }
0x9d: {  	_ =	strace $0x8FFFFFFF  }
0x9e: {  	s19 =	sld [smem:$0x3FDB];
	_ =	sdelay $0x1  }
0x9f: {  	s5 =	simm.s32 $_scs_section_size  }
0xa0: {  	s6 =	simm.s32 $_size__tile_overlayer_lowered;
	s7 =	simm.s32 $_tile_overlayer_lowered  }
0xa1: {  	s22 =	simm.s32 $0x1BFF;
	s21 =	sshll.u32 s7, $0x1;
	s4 =	sadd.s32 s5, s19  }
0xa2: {  	s8 =	simm.s32 $0x0;
	s20 =	sshll.u32 s6, $0x1;
	s6 =	sadd.s32 s21, s4  }
0xa3: {  	[timem:s8], [sflag:s22] =	dma.local [hbm:s6], s20  }
0xa4: {  	_ =	swait.ge [sflag:s22], s20  }
0xa5: {  	s5 =	ssub.s32 $0x0, s20;
	[sflag:s22] =	ssyncset.done $0x0  }
0xa6: {  	[sflag:s22] =	ssyncadd.s32 s5;
	_ =	sdelay $0x1  }
0xa7: {  	s23 =	simm.s32 $0x1B8B  }
0xa8: {  	_ =	swait.ge [sflag:s23], $0x1  }
0xa9: {  	[sflag:s23] =	ssyncset.done $0x0  }
0xaa: {  	s25 =	simm.s32 $0x1B8E;
	s24 =	sld [smem:$0x3FFE];
	[sflag:s23] =	ssyncadd.s32 $0xFFFFFFFF  }
0xab: {  	s26 =	simm.s32 $execute0_lowered;
	[smem:$0x3FD2] =	sst s25  }
0xac: {  	s6 =	sshll.u32 s26, $0x1;
	_ =	strace $0x80000049;
	[dreg:$0x1] =	wrdreg $0xFFFFFFFF  }
0xad: {  	s28 =	simm.s32 $_size_execute0_lowered;
	s4 =	sadd.s32 s4, s6;
	[dreg:$0x0] =	wrdreg $0x0  }
0xae: {  	s6 =	sshll.u32 s28, $0x1;
	[dreg:$0x2] =	wrdreg s4  }
0xaf: {  	[dreg:$0x3] =	wrdreg s6  }
0xb0: {  	[dreg:$0x4] =	wrdreg $0xC0  }
0xb1: {  	_ =	task [dreg:s8], $0x5FFFF  }
0xb2: {  	[dreg:$0x1] =	wrdreg $0xFFFFFFFF  }
0xb3: {  	[dreg:$0x0] =	wrdreg $0x60  }
0xb4: {  	[dreg:$0x2] =	wrdreg s24  }
0xb5: {  	[dreg:$0x3] =	wrdreg s17  }
0xb6: {  	[dreg:$0x4] =	wrdreg s16  }
0xb7: {  	[dreg:$0x5] =	wrdreg $0x98000  }
0xb8: {  	[dreg:$0x6] =	wrdreg $0x9  }
0xb9: {  	_ =	task.clear_ibuf [dreg:s8], $0x7FFFF;
	_ =	strace $0x90000049  }
0xba: {  	s29 =	simm.s32 $0x9;
	_ =	strace $0x8000004B  }
0xbb: {  	_ =	swait.ge [sflag:s29], $0x1  }
0xbc: {  	[sflag:s29] =	ssyncadd.s32 $0xFFFFFFFF  }
0xbd: {  	_ =	strace $0x9000004B  }
0xbe: {  	_ =	sfence  }
0xbf: {  	s30 =	sld [smem:$0x0];
	_ =	sdelay $0x2  }
0xc0: {  	s31 =	sshll.u32 s1, $0xD;
	s1 =	sshrl.u32 s1, $0x2  }
0xc1: {  	s3 =	sand.u32 $0x4000, s31;
	s1 =	sadd.s32 s1, s30  }
0xc2: {  	s0 =	sor.u32 s3, s0;
	s1 =	sshll.u32 s1, $0x11  }
0xc3: {  	s0 =	sor.u32 s1, s0  }
0xc4: {  	s0 =	sadd.s32 $0x8F2B, s0  }
0xc5: {  	[sflag:s0] =	ssyncadd.remote.s32 $0x1  }
0xc6: {  	_ =	sfence.sel $0xFFFF  }
0xc7: {  	[dreg:$0x0] =	wrdreg $0xFFFFFFFF;
	(pc) =	sbr.abs _section_cstart, $3  }
0xc8: {  	[dreg:$0x1] =	wrdreg $0xFFFFFFFF  }
0xc9: {  	_ =	task.clear_ibuf [dreg:s8], $0x2FFFF;
	_ =	strace $0x9FFFFFFF  }
0xca: {  	(tm) =	ssettm $0x7FFFFFFF  }
0xcb: {  	_ =	shalt  }
tec
execute0_lowered:
.L_overlay_start_1:
0x0: {  	(tag) =	ssettag $0x1  }
0x1: {  	s0 =	rddreg [dreg:$0x0]  }
0x2: {  	s1 =	rddreg [dreg:$0x1]  }
0x3: {  	s5 =	rddreg [dreg:$0x2];
	s12 =	stileid.u32  }
0x4: {  	s3 =	srdreg.scid;
	s2 =	rddreg [dreg:$0x3]  }
0x5: {  	s13 =	simm.s32 $0xC00;
	s14 =	simm.s32 $0x80;
	s15 =	simm.s32 $0x1800  }
0x6: {  	s16 =	simm.s32 $0x5800;
	s17 =	simm.s32 $0x1;
	s18 =	simm.s32 $0x1180  }
0x7: {  	s28 =	simm.s32 $0x1380;
	s29 =	simm.s32 $0x880;
	s6 =	smul.u32 $0x13C00, s12  }
0x8: {  	s30 =	simm.s32 $0x1400;
	s31 =	simm.s32 $0x900;
	s9 =	smul.u32 $0x4F000, s12  }
0x9: {  	s7 =	sand.u32 $0x1, s3;
	s3 =	simm.s32 $0x0;
	s11 =	smul.u32 $0xC00, s12  }
0xa: {  	s4 =	sadd.s32 $0x34C00, s0;
	s20 =	sshll.u32 s12, $0x6;
	s22 =	smul.u32 $0xA80, s12  }
0xb: {  	s12 =	simm.s32 $0x3;
	s8 =	smul.u32 $0x13C000, s7;
	[smem:$0x7FF] =	sst s3  }
0xc: {  	s19 =	ssub.s32 $0x2, s7;
	p0 =	seq.s32 s7, $0x1;
	s7 =	simm.s32 $0x1500  }
0xd: {  	_ =	strace $0x8000004A;
	s10 =	sshrl.u32 s19, $0x1;
	s9 =	sshrl.u32 s9, $0x2  }
0xe: {  	s21 =	sshrl.u32 s11, $0x3;
	s25 =	sadd.s32 s22, s5;
	s11 =	simm.s32 $0x600  }
0xf: {  	s8 =	sadd.s32 s6, s8;
	s6 =	sshrl.u32 s6, $0x3;
	s9 =	sadd.s32 s9, s2  }
0x10: {  	s23 =	sadd.s32 $0xA800, s21;
	[dreg:$0x6] =	wrdreg s25;
	s21 =	simm.s32 $0x1200  }
0x11: {  	s25 =	simm.s32 $0x1300;
	s8 =	sshrl.u32 s8, $0x3;
	s6 =	sadd.s32 s6, s0  }
0x12: {  	s24 =	sadd.s32 s1, s23;
	s1 =	sadd.s32 s22, s1;
	s22 =	simm.s32 $0x700  }
0x13: {  	s0 =	sadd.s32 s8, s0;
	s8 =	ssub.s32 s19, s10;
	[dreg:$0x9] =	wrdreg s24  }
0x14: {  	s6 =	sadd.s32 $0xD400, s6;
	[dreg:$0x5] =	wrdreg s1;
	s10 =	sshrl.u32 s9, $0x3  }
0x15: {  	s19 =	simm.s32 $0x2;
	s24 =	simm.s32 $0x780;
	s1 =	simm.s32 $0x1480  }
0x16: {  	s9 =	simm.s32 $0x0;
	[dreg:$0x7] =	wrdreg s6;
	s6 =	sor.u32 $0x1C03, s20  }
.Ltmp0:
0x17: {  	s0 =	sadd.s32 $0x5C400, s0;
	[dreg:$0xd] =	wrdreg s10;
	(pc) =	sbr.rel .LBB2_1-.Ltmp0, $4  }
0x18: {  	s26 =	smax.u32 s8, $0x1;
	s20 =	simm.s32 $0x680;
	[dreg:$0x8] =	wrdreg s6  }
0x19: {  	s8 =	simm.s32 $0x1580;
	s6 =	sadd.s32 s5, s23;
	[dreg:$0xb] =	wrdreg s0  }
0x1a: {  	[dreg:$0xc] =	wrdreg s26;
	s23 =	simm.s32 $0x1280;
	s26 =	simm.s32 $0x800  }
0x1b: {  	s0 =	simm.s32 $0x980;
	[dreg:$0xa] =	wrdreg s6;
	s6 =	simm.s32 $0x1100  }
.LBB2_5:
0x1c: {  	s5 =	rddreg [dreg:$0x9]  }
0x1d: {  	[tilespmem:s3], [sflag:$0x3] =	stream.linear.gather [hbm4b:s5+s3], $0xA00, $0x38;
	[tilespmem:$0x1D400] =	vst v63  }
0x1e: {  	_ =	swait.ge [sflag:s12], $0xA00  }
0x1f: {  	[sflag:s12] =	ssyncset.done $0x0  }
0x20: {  	s9 =	rddreg [dreg:$0xa];
	[sflag:s12] =	ssyncadd.s32 $0xFFFFF600  }
0x21: {  	[tilespmem:s13], [sflag:$0x3] =	stream.linear.gather [hbm4b:s9+s3], $0xA00, $0x38;
	[tilespmem:$0x1D400] =	vst v63  }
0x22: {  	_ =	swait.ge [sflag:s12], $0xA00  }
0x23: {  	[sflag:s12] =	ssyncset.done $0x0  }
0x24: {  	[sflag:s12] =	ssyncadd.s32 $0xFFFFF600  }
0x25: {  	[tilespmem:s15], [sflag:$0x1] =	stream.indirect.gather [hbm4b:s4+s14], $0x80, s3, s14, $0xb8;
	[tilespmem:$0x1D400] =	vst v63  }
0x26: {  	_ = 	snop  }
0x27: {  	[tilespmem:s16], [sflag:$0x2] =	stream.indirect.gather [hbm4b:s4+s14], $0x80, s14, s14, $0xb8;
	[tilespmem:$0x1D400] =	vst v63  }
0x28: {  	_ =	swait.ge [sflag:s17], $0x4000  }
0x29: {  	[sflag:s17] =	ssyncset.done $0x0  }
0x2a: {  	[sflag:s17] =	ssyncadd.s32 $0xFFFFC000  }
0x2b: {  	[spmem:s2] =	stream.indirect.scatter.add.f32 [tilespmem:s15], [sflag:$0x3], $0x80, s13, s14, $0xb8;
	[tilespmem:$0x1D400] =	vst v63  }
0x2c: {  	_ =	swait.ge [sflag:s12], $0x4000  }
0x2d: {  	[sflag:s12] =	ssyncset.done $0x0  }
0x2e: {  	s10 =	simm.s32 $0x100;
	[sflag:s12] =	ssyncadd.s32 $0xFFFFC000  }
0x2f: {  	[tilespmem:s15], [sflag:$0x1] =	stream.indirect.gather [hbm4b:s4+s14], $0x80, s10, s14, $0xb8;
	[tilespmem:$0x1D400] =	vst v63  }
0x30: {  	_ =	swait.ge [sflag:s19], $0x4000  }
0x31: {  	[sflag:s19] =	ssyncset.done $0x0  }
0x32: {  	s9 =	simm.s32 $0xC80;
	[sflag:s19] =	ssyncadd.s32 $0xFFFFC000  }
0x33: {  	[spmem:s2] =	stream.indirect.scatter.add.f32 [tilespmem:s16], [sflag:$0x3], $0x80, s9, s14, $0xb8;
	[tilespmem:$0x1D400] =	vst v63  }
0x34: {  	_ =	swait.ge [sflag:s12], $0x4000  }
0x35: {  	[sflag:s12] =	ssyncset.done $0x0  }
0x36: {  	s10 =	simm.s32 $0x180;
	[sflag:s12] =	ssyncadd.s32 $0xFFFFC000  }
0x37: {  	[tilespmem:s16], [sflag:$0x2] =	stream.indirect.gather [hbm4b:s4+s14], $0x80, s10, s14, $0xb8;
	[tilespmem:$0x1D400] =	vst v63  }
0x38: {  	_ =	swait.ge [sflag:s17], $0x4000  }
0x39: {  	[sflag:s17] =	ssyncset.done $0x0  }
0x3a: {  	s9 =	simm.s32 $0xD00;
	[sflag:s17] =	ssyncadd.s32 $0xFFFFC000  }
0x3b: {  	[spmem:s2] =	stream.indirect.scatter.add.f32 [tilespmem:s15], [sflag:$0x3], $0x80, s9, s14, $0xb8;
	[tilespmem:$0x1D400] =	vst v63  }
0x3c: {  	_ =	swait.ge [sflag:s12], $0x4000  }
0x3d: {  	[sflag:s12] =	ssyncset.done $0x0  }
0x3e: {  	s10 =	simm.s32 $0x200;
	[sflag:s12] =	ssyncadd.s32 $0xFFFFC000  }
0x3f: {  	[tilespmem:s15], [sflag:$0x1] =	stream.indirect.gather [hbm4b:s4+s14], $0x80, s10, s14, $0xb8;
	[tilespmem:$0x1D400] =	vst v63  }
0x40: {  	_ =	swait.ge [sflag:s19], $0x4000  }
0x41: {  	[sflag:s19] =	ssyncset.done $0x0  }
0x42: {  	s9 =	simm.s32 $0xD80;
	[sflag:s19] =	ssyncadd.s32 $0xFFFFC000  }
0x43: {  	[spmem:s2] =	stream.indirect.scatter.add.f32 [tilespmem:s16], [sflag:$0x3], $0x80, s9, s14, $0xb8;
	[tilespmem:$0x1D400] =	vst v63  }
0x44: {  	_ =	swait.ge [sflag:s12], $0x4000  }
0x45: {  	[sflag:s12] =	ssyncset.done $0x0  }
0x46: {  	s10 =	simm.s32 $0x280;
	[sflag:s12] =	ssyncadd.s32 $0xFFFFC000  }
0x47: {  	[tilespmem:s16], [sflag:$0x2] =	stream.indirect.gather [hbm4b:s4+s14], $0x80, s10, s14, $0xb8;
	[tilespmem:$0x1D400] =	vst v63  }
0x48: {  	_ =	swait.ge [sflag:s17], $0x4000  }
0x49: {  	[sflag:s17] =	ssyncset.done $0x0  }
0x4a: {  	s9 =	simm.s32 $0xE00;
	[sflag:s17] =	ssyncadd.s32 $0xFFFFC000  }
0x4b: {  	[spmem:s2] =	stream.indirect.scatter.add.f32 [tilespmem:s15], [sflag:$0x3], $0x80, s9, s14, $0xb8;
	[tilespmem:$0x1D400] =	vst v63  }
0x4c: {  	_ =	swait.ge [sflag:s12], $0x4000  }
0x4d: {  	[sflag:s12] =	ssyncset.done $0x0  }
0x4e: {  	s10 =	simm.s32 $0x300;
	[sflag:s12] =	ssyncadd.s32 $0xFFFFC000  }
0x4f: {  	[tilespmem:s15], [sflag:$0x1] =	stream.indirect.gather [hbm4b:s4+s14], $0x80, s10, s14, $0xb8;
	[tilespmem:$0x1D400] =	vst v63  }
0x50: {  	_ =	swait.ge [sflag:s19], $0x4000  }
0x51: {  	[sflag:s19] =	ssyncset.done $0x0  }
0x52: {  	s9 =	simm.s32 $0xE80;
	[sflag:s19] =	ssyncadd.s32 $0xFFFFC000  }
0x53: {  	[spmem:s2] =	stream.indirect.scatter.add.f32 [tilespmem:s16], [sflag:$0x3], $0x80, s9, s14, $0xb8;
	[tilespmem:$0x1D400] =	vst v63  }
0x54: {  	_ =	swait.ge [sflag:s12], $0x4000  }
0x55: {  	[sflag:s12] =	ssyncset.done $0x0  }
0x56: {  	s10 =	simm.s32 $0x380;
	[sflag:s12] =	ssyncadd.s32 $0xFFFFC000  }
0x57: {  	[tilespmem:s16], [sflag:$0x2] =	stream.indirect.gather [hbm4b:s4+s14], $0x80, s10, s14, $0xb8;
	[tilespmem:$0x1D400] =	vst v63  }
0x58: {  	_ =	swait.ge [sflag:s17], $0x4000  }
0x59: {  	[sflag:s17] =	ssyncset.done $0x0  }
0x5a: {  	s9 =	simm.s32 $0xF00;
	[sflag:s17] =	ssyncadd.s32 $0xFFFFC000  }
0x5b: {  	[spmem:s2] =	stream.indirect.scatter.add.f32 [tilespmem:s15], [sflag:$0x3], $0x80, s9, s14, $0xb8;
	[tilespmem:$0x1D400] =	vst v63  }
0x5c: {  	_ =	swait.ge [sflag:s12], $0x4000  }
0x5d: {  	[sflag:s12] =	ssyncset.done $0x0  }
0x5e: {  	s10 =	simm.s32 $0x400;
	[sflag:s12] =	ssyncadd.s32 $0xFFFFC000  }
0x5f: {  	[tilespmem:s15], [sflag:$0x1] =	stream.indirect.gather [hbm4b:s4+s14], $0x80, s10, s14, $0xb8;
	[tilespmem:$0x1D400] =	vst v63  }
0x60: {  	_ =	swait.ge [sflag:s19], $0x4000  }
0x61: {  	[sflag:s19] =	ssyncset.done $0x0  }
0x62: {  	s9 =	simm.s32 $0xF80;
	[sflag:s19] =	ssyncadd.s32 $0xFFFFC000  }
0x63: {  	[spmem:s2] =	stream.indirect.scatter.add.f32 [tilespmem:s16], [sflag:$0x3], $0x80, s9, s14, $0xb8;
	[tilespmem:$0x1D400] =	vst v63  }
0x64: {  	_ =	swait.ge [sflag:s12], $0x4000  }
0x65: {  	[sflag:s12] =	ssyncset.done $0x0  }
0x66: {  	s10 =	simm.s32 $0x480;
	[sflag:s12] =	ssyncadd.s32 $0xFFFFC000  }
0x67: {  	[tilespmem:s16], [sflag:$0x2] =	stream.indirect.gather [hbm4b:s4+s14], $0x80, s10, s14, $0xb8;
	[tilespmem:$0x1D400] =	vst v63  }
0x68: {  	_ =	swait.ge [sflag:s17], $0x4000  }
0x69: {  	[sflag:s17] =	ssyncset.done $0x0  }
0x6a: {  	s9 =	simm.s32 $0x1000;
	[sflag:s17] =	ssyncadd.s32 $0xFFFFC000  }
0x6b: {  	[spmem:s2] =	stream.indirect.scatter.add.f32 [tilespmem:s15], [sflag:$0x3], $0x80, s9, s14, $0xb8;
	[tilespmem:$0x1D400] =	vst v63  }
0x6c: {  	_ =	swait.ge [sflag:s12], $0x4000  }
0x6d: {  	[sflag:s12] =	ssyncset.done $0x0  }
0x6e: {  	s10 =	simm.s32 $0x500;
	[sflag:s12] =	ssyncadd.s32 $0xFFFFC000  }
0x6f: {  	[tilespmem:s15], [sflag:$0x1] =	stream.indirect.gather [hbm4b:s4+s14], $0x80, s10, s14, $0xb8;
	[tilespmem:$0x1D400] =	vst v63  }
0x70: {  	_ =	swait.ge [sflag:s19], $0x4000  }
0x71: {  	[sflag:s19] =	ssyncset.done $0x0  }
0x72: {  	s9 =	simm.s32 $0x1080;
	[sflag:s19] =	ssyncadd.s32 $0xFFFFC000  }
0x73: {  	[spmem:s2] =	stream.indirect.scatter.add.f32 [tilespmem:s16], [sflag:$0x3], $0x80, s9, s14, $0xb8;
	[tilespmem:$0x1D400] =	vst v63  }
0x74: {  	_ =	swait.ge [sflag:s12], $0x4000  }
0x75: {  	[sflag:s12] =	ssyncset.done $0x0  }
0x76: {  	s10 =	simm.s32 $0x580;
	[sflag:s12] =	ssyncadd.s32 $0xFFFFC000  }
0x77: {  	[tilespmem:s16], [sflag:$0x2] =	stream.indirect.gather [hbm4b:s4+s14], $0x80, s10, s14, $0xb8;
	[tilespmem:$0x1D400] =	vst v63  }
0x78: {  	_ =	swait.ge [sflag:s17], $0x4000  }
0x79: {  	[sflag:s17] =	ssyncset.done $0x0  }
0x7a: {  	[sflag:s17] =	ssyncadd.s32 $0xFFFFC000  }
0x7b: {  	[spmem:s2] =	stream.indirect.scatter.add.f32 [tilespmem:s15], [sflag:$0x3], $0x80, s6, s14, $0xb8;
	[tilespmem:$0x1D400] =	vst v63  }
0x7c: {  	_ =	swait.ge [sflag:s12], $0x4000  }
0x7d: {  	[sflag:s12] =	ssyncset.done $0x0  }
0x7e: {  	[sflag:s12] =	ssyncadd.s32 $0xFFFFC000  }
0x7f: {  	[tilespmem:s15], [sflag:$0x1] =	stream.indirect.gather [hbm4b:s4+s14], $0x80, s11, s14, $0xb8;
	[tilespmem:$0x1D400] =	vst v63  }
0x80: {  	_ =	swait.ge [sflag:s19], $0x4000  }
0x81: {  	[sflag:s19] =	ssyncset.done $0x0  }
0x82: {  	[sflag:s19] =	ssyncadd.s32 $0xFFFFC000  }
0x83: {  	[spmem:s2] =	stream.indirect.scatter.add.f32 [tilespmem:s16], [sflag:$0x3], $0x80, s18, s14, $0xb8;
	[tilespmem:$0x1D400] =	vst v63  }
0x84: {  	_ =	swait.ge [sflag:s12], $0x4000  }
0x85: {  	[sflag:s12] =	ssyncset.done $0x0  }
0x86: {  	[sflag:s12] =	ssyncadd.s32 $0xFFFFC000  }
0x87: {  	[tilespmem:s16], [sflag:$0x2] =	stream.indirect.gather [hbm4b:s4+s14], $0x80, s20, s14, $0xb8;
	[tilespmem:$0x1D400] =	vst v63  }
0x88: {  	_ =	swait.ge [sflag:s17], $0x4000  }
0x89: {  	[sflag:s17] =	ssyncset.done $0x0  }
0x8a: {  	[sflag:s17] =	ssyncadd.s32 $0xFFFFC000  }
0x8b: {  	[spmem:s2] =	stream.indirect.scatter.add.f32 [tilespmem:s15], [sflag:$0x3], $0x80, s21, s14, $0xb8;
	[tilespmem:$0x1D400] =	vst v63  }
0x8c: {  	_ =	swait.ge [sflag:s12], $0x4000  }
0x8d: {  	[sflag:s12] =	ssyncset.done $0x0  }
0x8e: {  	[sflag:s12] =	ssyncadd.s32 $0xFFFFC000  }
0x8f: {  	[tilespmem:s15], [sflag:$0x1] =	stream.indirect.gather [hbm4b:s4+s14], $0x80, s22, s14, $0xb8;
	[tilespmem:$0x1D400] =	vst v63  }
0x90: {  	_ =	swait.ge [sflag:s19], $0x4000  }
0x91: {  	[sflag:s19] =	ssyncset.done $0x0  }
0x92: {  	[sflag:s19] =	ssyncadd.s32 $0xFFFFC000  }
0x93: {  	[spmem:s2] =	stream.indirect.scatter.add.f32 [tilespmem:s16], [sflag:$0x3], $0x80, s23, s14, $0xb8;
	[tilespmem:$0x1D400] =	vst v63  }
0x94: {  	_ =	swait.ge [sflag:s12], $0x4000  }
0x95: {  	[sflag:s12] =	ssyncset.done $0x0  }
0x96: {  	[sflag:s12] =	ssyncadd.s32 $0xFFFFC000  }
0x97: {  	[tilespmem:s16], [sflag:$0x2] =	stream.indirect.gather [hbm4b:s4+s14], $0x80, s24, s14, $0xb8;
	[tilespmem:$0x1D400] =	vst v63  }
0x98: {  	_ =	swait.ge [sflag:s17], $0x4000  }
0x99: {  	[sflag:s17] =	ssyncset.done $0x0  }
0x9a: {  	[sflag:s17] =	ssyncadd.s32 $0xFFFFC000  }
0x9b: {  	[spmem:s2] =	stream.indirect.scatter.add.f32 [tilespmem:s15], [sflag:$0x3], $0x80, s25, s14, $0xb8;
	[tilespmem:$0x1D400] =	vst v63  }
0x9c: {  	_ =	swait.ge [sflag:s12], $0x4000  }
0x9d: {  	[sflag:s12] =	ssyncset.done $0x0  }
0x9e: {  	[sflag:s12] =	ssyncadd.s32 $0xFFFFC000  }
0x9f: {  	[tilespmem:s15], [sflag:$0x1] =	stream.indirect.gather [hbm4b:s4+s14], $0x80, s26, s14, $0xb8;
	[tilespmem:$0x1D400] =	vst v63  }
0xa0: {  	_ =	swait.ge [sflag:s19], $0x4000  }
0xa1: {  	[sflag:s19] =	ssyncset.done $0x0  }
0xa2: {  	[sflag:s19] =	ssyncadd.s32 $0xFFFFC000  }
0xa3: {  	[spmem:s2] =	stream.indirect.scatter.add.f32 [tilespmem:s16], [sflag:$0x3], $0x80, s28, s14, $0xb8;
	[tilespmem:$0x1D400] =	vst v63  }
0xa4: {  	_ =	swait.ge [sflag:s12], $0x4000  }
0xa5: {  	[sflag:s12] =	ssyncset.done $0x0  }
0xa6: {  	[sflag:s12] =	ssyncadd.s32 $0xFFFFC000  }
0xa7: {  	[tilespmem:s16], [sflag:$0x2] =	stream.indirect.gather [hbm4b:s4+s14], $0x80, s29, s14, $0xb8;
	[tilespmem:$0x1D400] =	vst v63  }
0xa8: {  	_ =	swait.ge [sflag:s17], $0x4000  }
0xa9: {  	[sflag:s17] =	ssyncset.done $0x0  }
0xaa: {  	[sflag:s17] =	ssyncadd.s32 $0xFFFFC000  }
0xab: {  	[spmem:s2] =	stream.indirect.scatter.add.f32 [tilespmem:s15], [sflag:$0x3], $0x80, s30, s14, $0xb8;
	[tilespmem:$0x1D400] =	vst v63  }
0xac: {  	_ =	swait.ge [sflag:s12], $0x4000  }
0xad: {  	[sflag:s12] =	ssyncset.done $0x0  }
0xae: {  	[sflag:s12] =	ssyncadd.s32 $0xFFFFC000  }
0xaf: {  	[tilespmem:s15], [sflag:$0x1] =	stream.indirect.gather [hbm4b:s4+s14], $0x80, s31, s14, $0xb8;
	[tilespmem:$0x1D400] =	vst v63  }
0xb0: {  	_ =	swait.ge [sflag:s19], $0x4000  }
0xb1: {  	[sflag:s19] =	ssyncset.done $0x0  }
0xb2: {  	[sflag:s19] =	ssyncadd.s32 $0xFFFFC000  }
0xb3: {  	[spmem:s2] =	stream.indirect.scatter.add.f32 [tilespmem:s16], [sflag:$0x3], $0x80, s1, s14, $0xb8;
	[tilespmem:$0x1D400] =	vst v63  }
0xb4: {  	_ =	swait.ge [sflag:s12], $0x4000  }
0xb5: {  	[sflag:s12] =	ssyncset.done $0x0  }
0xb6: {  	[sflag:s12] =	ssyncadd.s32 $0xFFFFC000  }
0xb7: {  	[tilespmem:s16], [sflag:$0x2] =	stream.indirect.gather [hbm4b:s4+s14], $0x80, s0, s14, $0xb8;
	[tilespmem:$0x1D400] =	vst v63  }
0xb8: {  	_ =	swait.ge [sflag:s17], $0x4000  }
0xb9: {  	[sflag:s17] =	ssyncset.done $0x0  }
0xba: {  	[sflag:s17] =	ssyncadd.s32 $0xFFFFC000  }
0xbb: {  	[spmem:s2] =	stream.indirect.scatter.add.f32 [tilespmem:s15], [sflag:$0x3], $0x80, s7, s14, $0xb8;
	[tilespmem:$0x1D400] =	vst v63  }
0xbc: {  	_ =	swait.ge [sflag:s12], $0x4000  }
0xbd: {  	[sflag:s12] =	ssyncset.done $0x0  }
0xbe: {  	[sflag:s12] =	ssyncadd.s32 $0xFFFFC000  }
0xbf: {  	_ =	swait.ge [sflag:s19], $0x4000  }
0xc0: {  	[sflag:s19] =	ssyncset.done $0x0  }
0xc1: {  	[sflag:s19] =	ssyncadd.s32 $0xFFFFC000  }
0xc2: {  	[spmem:s2] =	stream.indirect.scatter.add.f32 [tilespmem:s16], [sflag:$0x3], $0x80, s8, s14, $0xb8;
	[tilespmem:$0x1D400] =	vst v63  }
0xc3: {  	_ =	swait.ge [sflag:s12], $0x4000  }
0xc4: {  	[sflag:s12] =	ssyncset.done $0x0  }
0xc5: {  	[sflag:s12] =	ssyncadd.s32 $0xFFFFC000  }
.LBB2_6:
0xc6: {  	[bflag:$0x0] =	sbarrier.arrive $0xFFFF  }
0xc7: {  	s10 =	rddreg [dreg:$0x8]  }
0xc8: {  	s5 =	rddreg [dreg:$0xb]  }
0xc9: {  	s9 =	rddreg [dreg:$0xd]  }
0xca: {  	[hbm:s5], [sflag:s10] =	dma.local [spmem:s9], $0x2780  }
0xcb: {  	s10 =	rddreg [dreg:$0xd];
	_ =	swait.ge [sflag:s12], $0x2780  }
0xcc: {  	s5 =	rddreg [dreg:$0xe]  }
0xcd: {  	s9 =	sadd.s32 $0x1, s5;
	s5 =	rddreg [dreg:$0xc]  }
0xce: {  	p1 =	sne.s32 s9, s5  }
.Ltmp1:
0xcf: {  	_ = 	snop;
	(pc) =	sbr.rel @!p1 .LBB2_7-.Ltmp1, $3  }
0xd0: {  	_ =	sdelay $0x1  }
0xd1: {  	[sflag:s12] =	ssyncset.done $0x0  }
0xd2: {  	[sflag:s12] =	ssyncadd.s32 $0xFFFFD880  }
.LBB2_1:
0xd3: {  	[dreg:$0xe] =	wrdreg s9  }
0xd4: {  	s5 =	rddreg [dreg:$0x7]  }
0xd5: {  	s9 =	rddreg [dreg:$0x8]  }
0xd6: {  	[spmem:s10], [sflag:s9] =	dma.local [hbm:s5], $0x2780  }
.Ltmp2:
0xd7: {  	_ =	swait.ge [sflag:s12], $0x2780;
	(pc) =	sbr.rel @p0 .LBB2_5-.Ltmp2, $3  }
0xd8: {  	[sflag:s12] =	ssyncset.done $0x0  }
0xd9: {  	[sflag:s12] =	ssyncadd.s32 $0xFFFFD880  }
0xda: {  	[bflag:$0x0] =	sbarrier.arrive $0xFFFF;
	_ =	sdelay $0x1  }
0xdb: {  	s5 =	rddreg [dreg:$0x5]  }
0xdc: {  	s5 =	sadd.s32 $0x0, s5  }
0xdd: {  	[tilespmem:s3], [sflag:$0x3] =	stream.linear.gather [hbm4b:s5+s3], $0xA00, $0x38;
	[tilespmem:$0x1D400] =	vst v63  }
0xde: {  	_ =	swait.ge [sflag:s12], $0xA00  }
0xdf: {  	s9 =	rddreg [dreg:$0x6];
	[sflag:s12] =	ssyncset.done $0x0  }
0xe0: {  	[sflag:s12] =	ssyncadd.s32 $0xFFFFF600;
	s5 =	sadd.s32 $0x0, s9  }
0xe1: {  	[tilespmem:s13], [sflag:$0x3] =	stream.linear.gather [hbm4b:s5+s3], $0xA00, $0x38;
	[tilespmem:$0x1D400] =	vst v63  }
0xe2: {  	_ =	swait.ge [sflag:s12], $0xA00  }
0xe3: {  	[sflag:s12] =	ssyncset.done $0x0  }
0xe4: {  	[sflag:s12] =	ssyncadd.s32 $0xFFFFF600  }
0xe5: {  	[tilespmem:s15], [sflag:$0x1] =	stream.indirect.gather [hbm4b:s4+s14], $0x80, s3, s14, $0xb8;
	[tilespmem:$0x1D400] =	vst v63  }
0xe6: {  	_ = 	snop  }
0xe7: {  	[tilespmem:s16], [sflag:$0x2] =	stream.indirect.gather [hbm4b:s4+s14], $0x80, s14, s14, $0xb8;
	[tilespmem:$0x1D400] =	vst v63  }
0xe8: {  	_ =	swait.ge [sflag:s17], $0x4000  }
0xe9: {  	[sflag:s17] =	ssyncset.done $0x0  }
0xea: {  	[sflag:s17] =	ssyncadd.s32 $0xFFFFC000  }
0xeb: {  	[spmem:s2] =	stream.indirect.scatter.add.f32 [tilespmem:s15], [sflag:$0x3], $0x80, s13, s14, $0xb8;
	[tilespmem:$0x1D400] =	vst v63  }
0xec: {  	_ =	swait.ge [sflag:s12], $0x4000  }
0xed: {  	[sflag:s12] =	ssyncset.done $0x0  }
0xee: {  	s10 =	simm.s32 $0x100;
	[sflag:s12] =	ssyncadd.s32 $0xFFFFC000  }
0xef: {  	[tilespmem:s15], [sflag:$0x1] =	stream.indirect.gather [hbm4b:s4+s14], $0x80, s10, s14, $0xb8;
	[tilespmem:$0x1D400] =	vst v63  }
0xf0: {  	_ =	swait.ge [sflag:s19], $0x4000  }
0xf1: {  	[sflag:s19] =	ssyncset.done $0x0  }
0xf2: {  	s9 =	simm.s32 $0xC80;
	[sflag:s19] =	ssyncadd.s32 $0xFFFFC000  }
0xf3: {  	[spmem:s2] =	stream.indirect.scatter.add.f32 [tilespmem:s16], [sflag:$0x3], $0x80, s9, s14, $0xb8;
	[tilespmem:$0x1D400] =	vst v63  }
0xf4: {  	_ =	swait.ge [sflag:s12], $0x4000  }
0xf5: {  	[sflag:s12] =	ssyncset.done $0x0  }
0xf6: {  	s10 =	simm.s32 $0x180;
	[sflag:s12] =	ssyncadd.s32 $0xFFFFC000  }
0xf7: {  	[tilespmem:s16], [sflag:$0x2] =	stream.indirect.gather [hbm4b:s4+s14], $0x80, s10, s14, $0xb8;
	[tilespmem:$0x1D400] =	vst v63  }
0xf8: {  	_ =	swait.ge [sflag:s17], $0x4000  }
0xf9: {  	[sflag:s17] =	ssyncset.done $0x0  }
0xfa: {  	s9 =	simm.s32 $0xD00;
	[sflag:s17] =	ssyncadd.s32 $0xFFFFC000  }
0xfb: {  	[spmem:s2] =	stream.indirect.scatter.add.f32 [tilespmem:s15], [sflag:$0x3], $0x80, s9, s14, $0xb8;
	[tilespmem:$0x1D400] =	vst v63  }
0xfc: {  	_ =	swait.ge [sflag:s12], $0x4000  }
0xfd: {  	[sflag:s12] =	ssyncset.done $0x0  }
0xfe: {  	s10 =	simm.s32 $0x200;
	[sflag:s12] =	ssyncadd.s32 $0xFFFFC000  }
0xff: {  	[tilespmem:s15], [sflag:$0x1] =	stream.indirect.gather [hbm4b:s4+s14], $0x80, s10, s14, $0xb8;
	[tilespmem:$0x1D400] =	vst v63  }
0x100: {  	_ =	swait.ge [sflag:s19], $0x4000  }
0x101: {  	[sflag:s19] =	ssyncset.done $0x0  }
0x102: {  	s9 =	simm.s32 $0xD80;
	[sflag:s19] =	ssyncadd.s32 $0xFFFFC000  }
0x103: {  	[spmem:s2] =	stream.indirect.scatter.add.f32 [tilespmem:s16], [sflag:$0x3], $0x80, s9, s14, $0xb8;
	[tilespmem:$0x1D400] =	vst v63  }
0x104: {  	_ =	swait.ge [sflag:s12], $0x4000  }
0x105: {  	[sflag:s12] =	ssyncset.done $0x0  }
0x106: {  	s10 =	simm.s32 $0x280;
	[sflag:s12] =	ssyncadd.s32 $0xFFFFC000  }
0x107: {  	[tilespmem:s16], [sflag:$0x2] =	stream.indirect.gather [hbm4b:s4+s14], $0x80, s10, s14, $0xb8;
	[tilespmem:$0x1D400] =	vst v63  }
0x108: {  	_ =	swait.ge [sflag:s17], $0x4000  }
0x109: {  	[sflag:s17] =	ssyncset.done $0x0  }
0x10a: {  	s9 =	simm.s32 $0xE00;
	[sflag:s17] =	ssyncadd.s32 $0xFFFFC000  }
0x10b: {  	[spmem:s2] =	stream.indirect.scatter.add.f32 [tilespmem:s15], [sflag:$0x3], $0x80, s9, s14, $0xb8;
	[tilespmem:$0x1D400] =	vst v63  }
0x10c: {  	_ =	swait.ge [sflag:s12], $0x4000  }
0x10d: {  	[sflag:s12] =	ssyncset.done $0x0  }
0x10e: {  	s10 =	simm.s32 $0x300;
	[sflag:s12] =	ssyncadd.s32 $0xFFFFC000  }
0x10f: {  	[tilespmem:s15], [sflag:$0x1] =	stream.indirect.gather [hbm4b:s4+s14], $0x80, s10, s14, $0xb8;
	[tilespmem:$0x1D400] =	vst v63  }
0x110: {  	_ =	swait.ge [sflag:s19], $0x4000  }
0x111: {  	[sflag:s19] =	ssyncset.done $0x0  }
0x112: {  	s9 =	simm.s32 $0xE80;
	[sflag:s19] =	ssyncadd.s32 $0xFFFFC000  }
0x113: {  	[spmem:s2] =	stream.indirect.scatter.add.f32 [tilespmem:s16], [sflag:$0x3], $0x80, s9, s14, $0xb8;
	[tilespmem:$0x1D400] =	vst v63  }
0x114: {  	_ =	swait.ge [sflag:s12], $0x4000  }
0x115: {  	[sflag:s12] =	ssyncset.done $0x0  }
0x116: {  	s10 =	simm.s32 $0x380;
	[sflag:s12] =	ssyncadd.s32 $0xFFFFC000  }
0x117: {  	[tilespmem:s16], [sflag:$0x2] =	stream.indirect.gather [hbm4b:s4+s14], $0x80, s10, s14, $0xb8;
	[tilespmem:$0x1D400] =	vst v63  }
0x118: {  	_ =	swait.ge [sflag:s17], $0x4000  }
0x119: {  	[sflag:s17] =	ssyncset.done $0x0  }
0x11a: {  	s9 =	simm.s32 $0xF00;
	[sflag:s17] =	ssyncadd.s32 $0xFFFFC000  }
0x11b: {  	[spmem:s2] =	stream.indirect.scatter.add.f32 [tilespmem:s15], [sflag:$0x3], $0x80, s9, s14, $0xb8;
	[tilespmem:$0x1D400] =	vst v63  }
0x11c: {  	_ =	swait.ge [sflag:s12], $0x4000  }
0x11d: {  	[sflag:s12] =	ssyncset.done $0x0  }
0x11e: {  	s10 =	simm.s32 $0x400;
	[sflag:s12] =	ssyncadd.s32 $0xFFFFC000  }
0x11f: {  	[tilespmem:s15], [sflag:$0x1] =	stream.indirect.gather [hbm4b:s4+s14], $0x80, s10, s14, $0xb8;
	[tilespmem:$0x1D400] =	vst v63  }
0x120: {  	_ =	swait.ge [sflag:s19], $0x4000  }
0x121: {  	[sflag:s19] =	ssyncset.done $0x0  }
0x122: {  	s9 =	simm.s32 $0xF80;
	[sflag:s19] =	ssyncadd.s32 $0xFFFFC000  }
0x123: {  	[spmem:s2] =	stream.indirect.scatter.add.f32 [tilespmem:s16], [sflag:$0x3], $0x80, s9, s14, $0xb8;
	[tilespmem:$0x1D400] =	vst v63  }
0x124: {  	_ =	swait.ge [sflag:s12], $0x4000  }
0x125: {  	[sflag:s12] =	ssyncset.done $0x0  }
0x126: {  	s10 =	simm.s32 $0x480;
	[sflag:s12] =	ssyncadd.s32 $0xFFFFC000  }
0x127: {  	[tilespmem:s16], [sflag:$0x2] =	stream.indirect.gather [hbm4b:s4+s14], $0x80, s10, s14, $0xb8;
	[tilespmem:$0x1D400] =	vst v63  }
0x128: {  	_ =	swait.ge [sflag:s17], $0x4000  }
0x129: {  	[sflag:s17] =	ssyncset.done $0x0  }
0x12a: {  	s9 =	simm.s32 $0x1000;
	[sflag:s17] =	ssyncadd.s32 $0xFFFFC000  }
0x12b: {  	[spmem:s2] =	stream.indirect.scatter.add.f32 [tilespmem:s15], [sflag:$0x3], $0x80, s9, s14, $0xb8;
	[tilespmem:$0x1D400] =	vst v63  }
0x12c: {  	_ =	swait.ge [sflag:s12], $0x4000  }
0x12d: {  	[sflag:s12] =	ssyncset.done $0x0  }
0x12e: {  	s10 =	simm.s32 $0x500;
	[sflag:s12] =	ssyncadd.s32 $0xFFFFC000  }
0x12f: {  	[tilespmem:s15], [sflag:$0x1] =	stream.indirect.gather [hbm4b:s4+s14], $0x80, s10, s14, $0xb8;
	[tilespmem:$0x1D400] =	vst v63  }
0x130: {  	_ =	swait.ge [sflag:s19], $0x4000  }
0x131: {  	[sflag:s19] =	ssyncset.done $0x0  }
0x132: {  	s9 =	simm.s32 $0x1080;
	[sflag:s19] =	ssyncadd.s32 $0xFFFFC000  }
0x133: {  	[spmem:s2] =	stream.indirect.scatter.add.f32 [tilespmem:s16], [sflag:$0x3], $0x80, s9, s14, $0xb8;
	[tilespmem:$0x1D400] =	vst v63  }
0x134: {  	_ =	swait.ge [sflag:s12], $0x4000  }
0x135: {  	[sflag:s12] =	ssyncset.done $0x0  }
0x136: {  	s10 =	simm.s32 $0x580;
	[sflag:s12] =	ssyncadd.s32 $0xFFFFC000  }
0x137: {  	[tilespmem:s16], [sflag:$0x2] =	stream.indirect.gather [hbm4b:s4+s14], $0x80, s10, s14, $0xb8;
	[tilespmem:$0x1D400] =	vst v63  }
0x138: {  	_ =	swait.ge [sflag:s17], $0x4000  }
0x139: {  	[sflag:s17] =	ssyncset.done $0x0  }
0x13a: {  	[sflag:s17] =	ssyncadd.s32 $0xFFFFC000  }
0x13b: {  	[spmem:s2] =	stream.indirect.scatter.add.f32 [tilespmem:s15], [sflag:$0x3], $0x80, s6, s14, $0xb8;
	[tilespmem:$0x1D400] =	vst v63  }
0x13c: {  	_ =	swait.ge [sflag:s12], $0x4000  }
0x13d: {  	[sflag:s12] =	ssyncset.done $0x0  }
0x13e: {  	[sflag:s12] =	ssyncadd.s32 $0xFFFFC000  }
0x13f: {  	[tilespmem:s15], [sflag:$0x1] =	stream.indirect.gather [hbm4b:s4+s14], $0x80, s11, s14, $0xb8;
	[tilespmem:$0x1D400] =	vst v63  }
0x140: {  	_ =	swait.ge [sflag:s19], $0x4000  }
0x141: {  	[sflag:s19] =	ssyncset.done $0x0  }
0x142: {  	[sflag:s19] =	ssyncadd.s32 $0xFFFFC000  }
0x143: {  	[spmem:s2] =	stream.indirect.scatter.add.f32 [tilespmem:s16], [sflag:$0x3], $0x80, s18, s14, $0xb8;
	[tilespmem:$0x1D400] =	vst v63  }
0x144: {  	_ =	swait.ge [sflag:s12], $0x4000  }
0x145: {  	[sflag:s12] =	ssyncset.done $0x0  }
0x146: {  	[sflag:s12] =	ssyncadd.s32 $0xFFFFC000  }
0x147: {  	[tilespmem:s16], [sflag:$0x2] =	stream.indirect.gather [hbm4b:s4+s14], $0x80, s20, s14, $0xb8;
	[tilespmem:$0x1D400] =	vst v63  }
0x148: {  	_ =	swait.ge [sflag:s17], $0x4000  }
0x149: {  	[sflag:s17] =	ssyncset.done $0x0  }
0x14a: {  	[sflag:s17] =	ssyncadd.s32 $0xFFFFC000  }
0x14b: {  	[spmem:s2] =	stream.indirect.scatter.add.f32 [tilespmem:s15], [sflag:$0x3], $0x80, s21, s14, $0xb8;
	[tilespmem:$0x1D400] =	vst v63  }
0x14c: {  	_ =	swait.ge [sflag:s12], $0x4000  }
0x14d: {  	[sflag:s12] =	ssyncset.done $0x0  }
0x14e: {  	[sflag:s12] =	ssyncadd.s32 $0xFFFFC000  }
0x14f: {  	[tilespmem:s15], [sflag:$0x1] =	stream.indirect.gather [hbm4b:s4+s14], $0x80, s22, s14, $0xb8;
	[tilespmem:$0x1D400] =	vst v63  }
0x150: {  	_ =	swait.ge [sflag:s19], $0x4000  }
0x151: {  	[sflag:s19] =	ssyncset.done $0x0  }
0x152: {  	[sflag:s19] =	ssyncadd.s32 $0xFFFFC000  }
0x153: {  	[spmem:s2] =	stream.indirect.scatter.add.f32 [tilespmem:s16], [sflag:$0x3], $0x80, s23, s14, $0xb8;
	[tilespmem:$0x1D400] =	vst v63  }
0x154: {  	_ =	swait.ge [sflag:s12], $0x4000  }
0x155: {  	[sflag:s12] =	ssyncset.done $0x0  }
0x156: {  	[sflag:s12] =	ssyncadd.s32 $0xFFFFC000  }
0x157: {  	[tilespmem:s16], [sflag:$0x2] =	stream.indirect.gather [hbm4b:s4+s14], $0x80, s24, s14, $0xb8;
	[tilespmem:$0x1D400] =	vst v63  }
0x158: {  	_ =	swait.ge [sflag:s17], $0x4000  }
0x159: {  	[sflag:s17] =	ssyncset.done $0x0  }
0x15a: {  	[sflag:s17] =	ssyncadd.s32 $0xFFFFC000  }
0x15b: {  	[spmem:s2] =	stream.indirect.scatter.add.f32 [tilespmem:s15], [sflag:$0x3], $0x80, s25, s14, $0xb8;
	[tilespmem:$0x1D400] =	vst v63  }
0x15c: {  	_ =	swait.ge [sflag:s12], $0x4000  }
0x15d: {  	[sflag:s12] =	ssyncset.done $0x0  }
0x15e: {  	[sflag:s12] =	ssyncadd.s32 $0xFFFFC000  }
0x15f: {  	[tilespmem:s15], [sflag:$0x1] =	stream.indirect.gather [hbm4b:s4+s14], $0x80, s26, s14, $0xb8;
	[tilespmem:$0x1D400] =	vst v63  }
0x160: {  	_ =	swait.ge [sflag:s19], $0x4000  }
0x161: {  	[sflag:s19] =	ssyncset.done $0x0  }
0x162: {  	[sflag:s19] =	ssyncadd.s32 $0xFFFFC000  }
0x163: {  	[spmem:s2] =	stream.indirect.scatter.add.f32 [tilespmem:s16], [sflag:$0x3], $0x80, s28, s14, $0xb8;
	[tilespmem:$0x1D400] =	vst v63  }
0x164: {  	_ =	swait.ge [sflag:s12], $0x4000  }
0x165: {  	[sflag:s12] =	ssyncset.done $0x0  }
0x166: {  	[sflag:s12] =	ssyncadd.s32 $0xFFFFC000  }
0x167: {  	[tilespmem:s16], [sflag:$0x2] =	stream.indirect.gather [hbm4b:s4+s14], $0x80, s29, s14, $0xb8;
	[tilespmem:$0x1D400] =	vst v63  }
0x168: {  	_ =	swait.ge [sflag:s17], $0x4000  }
0x169: {  	[sflag:s17] =	ssyncset.done $0x0  }
0x16a: {  	[sflag:s17] =	ssyncadd.s32 $0xFFFFC000  }
0x16b: {  	[spmem:s2] =	stream.indirect.scatter.add.f32 [tilespmem:s15], [sflag:$0x3], $0x80, s30, s14, $0xb8;
	[tilespmem:$0x1D400] =	vst v63  }
0x16c: {  	_ =	swait.ge [sflag:s12], $0x4000  }
0x16d: {  	[sflag:s12] =	ssyncset.done $0x0  }
0x16e: {  	[sflag:s12] =	ssyncadd.s32 $0xFFFFC000  }
0x16f: {  	[tilespmem:s15], [sflag:$0x1] =	stream.indirect.gather [hbm4b:s4+s14], $0x80, s31, s14, $0xb8;
	[tilespmem:$0x1D400] =	vst v63  }
0x170: {  	_ =	swait.ge [sflag:s19], $0x4000  }
0x171: {  	[sflag:s19] =	ssyncset.done $0x0  }
0x172: {  	[sflag:s19] =	ssyncadd.s32 $0xFFFFC000  }
0x173: {  	[spmem:s2] =	stream.indirect.scatter.add.f32 [tilespmem:s16], [sflag:$0x3], $0x80, s1, s14, $0xb8;
	[tilespmem:$0x1D400] =	vst v63  }
0x174: {  	_ =	swait.ge [sflag:s12], $0x4000  }
0x175: {  	[sflag:s12] =	ssyncset.done $0x0  }
0x176: {  	[sflag:s12] =	ssyncadd.s32 $0xFFFFC000  }
0x177: {  	[tilespmem:s16], [sflag:$0x2] =	stream.indirect.gather [hbm4b:s4+s14], $0x80, s0, s14, $0xb8;
	[tilespmem:$0x1D400] =	vst v63  }
0x178: {  	_ =	swait.ge [sflag:s17], $0x4000  }
0x179: {  	[sflag:s17] =	ssyncset.done $0x0  }
0x17a: {  	[sflag:s17] =	ssyncadd.s32 $0xFFFFC000  }
0x17b: {  	[spmem:s2] =	stream.indirect.scatter.add.f32 [tilespmem:s15], [sflag:$0x3], $0x80, s7, s14, $0xb8;
	[tilespmem:$0x1D400] =	vst v63  }
0x17c: {  	_ =	swait.ge [sflag:s12], $0x4000  }
0x17d: {  	[sflag:s12] =	ssyncset.done $0x0  }
0x17e: {  	[sflag:s12] =	ssyncadd.s32 $0xFFFFC000  }
0x17f: {  	_ =	swait.ge [sflag:s19], $0x4000  }
0x180: {  	[sflag:s19] =	ssyncset.done $0x0  }
0x181: {  	[sflag:s19] =	ssyncadd.s32 $0xFFFFC000  }
0x182: {  	[spmem:s2] =	stream.indirect.scatter.add.f32 [tilespmem:s16], [sflag:$0x3], $0x80, s8, s14, $0xb8;
	[tilespmem:$0x1D400] =	vst v63  }
0x183: {  	s5 =	simm.s32 $0x180;
	_ =	swait.ge [sflag:s12], $0x4000  }
.LBB2_3:
0x184: {  	s9 =	rddreg [dreg:$0x5];
	s10 =	smov.u32 s5;
	[sflag:s12] =	ssyncset.done $0x0  }
0x185: {  	s9 =	sadd.s32 s10, s9;
	[sflag:s12] =	ssyncadd.s32 $0xFFFFC000  }
0x186: {  	[tilespmem:s3], [sflag:$0x3] =	stream.linear.gather [hbm4b:s9+s3], $0xA00, $0x38;
	[tilespmem:$0x1D400] =	vst v63  }
0x187: {  	_ =	swait.ge [sflag:s12], $0xA00  }
0x188: {  	s9 =	rddreg [dreg:$0x6];
	[sflag:s12] =	ssyncset.done $0x0  }
0x189: {  	[sflag:s12] =	ssyncadd.s32 $0xFFFFF600;
	s9 =	sadd.s32 s10, s9  }
0x18a: {  	[tilespmem:s13], [sflag:$0x3] =	stream.linear.gather [hbm4b:s9+s3], $0xA00, $0x38;
	[tilespmem:$0x1D400] =	vst v63  }
0x18b: {  	_ =	swait.ge [sflag:s12], $0xA00  }
0x18c: {  	[sflag:s12] =	ssyncset.done $0x0  }
0x18d: {  	[sflag:s12] =	ssyncadd.s32 $0xFFFFF600  }
0x18e: {  	[tilespmem:s15], [sflag:$0x1] =	stream.indirect.gather [hbm4b:s4+s14], $0x80, s3, s14, $0xb8;
	[tilespmem:$0x1D400] =	vst v63  }
0x18f: {  	_ = 	snop  }
0x190: {  	[tilespmem:s16], [sflag:$0x2] =	stream.indirect.gather [hbm4b:s4+s14], $0x80, s14, s14, $0xb8;
	[tilespmem:$0x1D400] =	vst v63  }
0x191: {  	_ =	swait.ge [sflag:s17], $0x4000  }
0x192: {  	[sflag:s17] =	ssyncset.done $0x0  }
0x193: {  	[sflag:s17] =	ssyncadd.s32 $0xFFFFC000  }
0x194: {  	[spmem:s2] =	stream.indirect.scatter.add.f32 [tilespmem:s15], [sflag:$0x3], $0x80, s13, s14, $0xb8;
	[tilespmem:$0x1D400] =	vst v63  }
0x195: {  	_ =	swait.ge [sflag:s12], $0x4000  }
0x196: {  	[sflag:s12] =	ssyncset.done $0x0  }
0x197: {  	s10 =	simm.s32 $0x100;
	[sflag:s12] =	ssyncadd.s32 $0xFFFFC000  }
0x198: {  	[tilespmem:s15], [sflag:$0x1] =	stream.indirect.gather [hbm4b:s4+s14], $0x80, s10, s14, $0xb8;
	[tilespmem:$0x1D400] =	vst v63  }
0x199: {  	_ =	swait.ge [sflag:s19], $0x4000  }
0x19a: {  	[sflag:s19] =	ssyncset.done $0x0  }
0x19b: {  	s9 =	simm.s32 $0xC80;
	[sflag:s19] =	ssyncadd.s32 $0xFFFFC000  }
0x19c: {  	[spmem:s2] =	stream.indirect.scatter.add.f32 [tilespmem:s16], [sflag:$0x3], $0x80, s9, s14, $0xb8;
	[tilespmem:$0x1D400] =	vst v63  }
0x19d: {  	_ =	swait.ge [sflag:s12], $0x4000  }
0x19e: {  	[sflag:s12] =	ssyncset.done $0x0  }
0x19f: {  	s10 =	simm.s32 $0x180;
	[sflag:s12] =	ssyncadd.s32 $0xFFFFC000  }
0x1a0: {  	[tilespmem:s16], [sflag:$0x2] =	stream.indirect.gather [hbm4b:s4+s14], $0x80, s10, s14, $0xb8;
	[tilespmem:$0x1D400] =	vst v63  }
0x1a1: {  	_ =	swait.ge [sflag:s17], $0x4000  }
0x1a2: {  	[sflag:s17] =	ssyncset.done $0x0  }
0x1a3: {  	s9 =	simm.s32 $0xD00;
	[sflag:s17] =	ssyncadd.s32 $0xFFFFC000  }
0x1a4: {  	[spmem:s2] =	stream.indirect.scatter.add.f32 [tilespmem:s15], [sflag:$0x3], $0x80, s9, s14, $0xb8;
	[tilespmem:$0x1D400] =	vst v63  }
0x1a5: {  	_ =	swait.ge [sflag:s12], $0x4000  }
0x1a6: {  	[sflag:s12] =	ssyncset.done $0x0  }
0x1a7: {  	s10 =	simm.s32 $0x200;
	[sflag:s12] =	ssyncadd.s32 $0xFFFFC000  }
0x1a8: {  	[tilespmem:s15], [sflag:$0x1] =	stream.indirect.gather [hbm4b:s4+s14], $0x80, s10, s14, $0xb8;
	[tilespmem:$0x1D400] =	vst v63  }
0x1a9: {  	_ =	swait.ge [sflag:s19], $0x4000  }
0x1aa: {  	[sflag:s19] =	ssyncset.done $0x0  }
0x1ab: {  	s9 =	simm.s32 $0xD80;
	[sflag:s19] =	ssyncadd.s32 $0xFFFFC000  }
0x1ac: {  	[spmem:s2] =	stream.indirect.scatter.add.f32 [tilespmem:s16], [sflag:$0x3], $0x80, s9, s14, $0xb8;
	[tilespmem:$0x1D400] =	vst v63  }
0x1ad: {  	_ =	swait.ge [sflag:s12], $0x4000  }
0x1ae: {  	[sflag:s12] =	ssyncset.done $0x0  }
0x1af: {  	s10 =	simm.s32 $0x280;
	[sflag:s12] =	ssyncadd.s32 $0xFFFFC000  }
0x1b0: {  	[tilespmem:s16], [sflag:$0x2] =	stream.indirect.gather [hbm4b:s4+s14], $0x80, s10, s14, $0xb8;
	[tilespmem:$0x1D400] =	vst v63  }
0x1b1: {  	_ =	swait.ge [sflag:s17], $0x4000  }
0x1b2: {  	[sflag:s17] =	ssyncset.done $0x0  }
0x1b3: {  	s9 =	simm.s32 $0xE00;
	[sflag:s17] =	ssyncadd.s32 $0xFFFFC000  }
0x1b4: {  	[spmem:s2] =	stream.indirect.scatter.add.f32 [tilespmem:s15], [sflag:$0x3], $0x80, s9, s14, $0xb8;
	[tilespmem:$0x1D400] =	vst v63  }
0x1b5: {  	_ =	swait.ge [sflag:s12], $0x4000  }
0x1b6: {  	[sflag:s12] =	ssyncset.done $0x0  }
0x1b7: {  	s10 =	simm.s32 $0x300;
	[sflag:s12] =	ssyncadd.s32 $0xFFFFC000  }
0x1b8: {  	[tilespmem:s15], [sflag:$0x1] =	stream.indirect.gather [hbm4b:s4+s14], $0x80, s10, s14, $0xb8;
	[tilespmem:$0x1D400] =	vst v63  }
0x1b9: {  	_ =	swait.ge [sflag:s19], $0x4000  }
0x1ba: {  	[sflag:s19] =	ssyncset.done $0x0  }
0x1bb: {  	s9 =	simm.s32 $0xE80;
	[sflag:s19] =	ssyncadd.s32 $0xFFFFC000  }
0x1bc: {  	[spmem:s2] =	stream.indirect.scatter.add.f32 [tilespmem:s16], [sflag:$0x3], $0x80, s9, s14, $0xb8;
	[tilespmem:$0x1D400] =	vst v63  }
0x1bd: {  	_ =	swait.ge [sflag:s12], $0x4000  }
0x1be: {  	[sflag:s12] =	ssyncset.done $0x0  }
0x1bf: {  	s10 =	simm.s32 $0x380;
	[sflag:s12] =	ssyncadd.s32 $0xFFFFC000  }
0x1c0: {  	[tilespmem:s16], [sflag:$0x2] =	stream.indirect.gather [hbm4b:s4+s14], $0x80, s10, s14, $0xb8;
	[tilespmem:$0x1D400] =	vst v63  }
0x1c1: {  	_ =	swait.ge [sflag:s17], $0x4000  }
0x1c2: {  	[sflag:s17] =	ssyncset.done $0x0  }
0x1c3: {  	s9 =	simm.s32 $0xF00;
	[sflag:s17] =	ssyncadd.s32 $0xFFFFC000  }
0x1c4: {  	[spmem:s2] =	stream.indirect.scatter.add.f32 [tilespmem:s15], [sflag:$0x3], $0x80, s9, s14, $0xb8;
	[tilespmem:$0x1D400] =	vst v63  }
0x1c5: {  	_ =	swait.ge [sflag:s12], $0x4000  }
0x1c6: {  	[sflag:s12] =	ssyncset.done $0x0  }
0x1c7: {  	s10 =	simm.s32 $0x400;
	[sflag:s12] =	ssyncadd.s32 $0xFFFFC000  }
0x1c8: {  	[tilespmem:s15], [sflag:$0x1] =	stream.indirect.gather [hbm4b:s4+s14], $0x80, s10, s14, $0xb8;
	[tilespmem:$0x1D400] =	vst v63  }
0x1c9: {  	_ =	swait.ge [sflag:s19], $0x4000  }
0x1ca: {  	[sflag:s19] =	ssyncset.done $0x0  }
0x1cb: {  	s9 =	simm.s32 $0xF80;
	[sflag:s19] =	ssyncadd.s32 $0xFFFFC000  }
0x1cc: {  	[spmem:s2] =	stream.indirect.scatter.add.f32 [tilespmem:s16], [sflag:$0x3], $0x80, s9, s14, $0xb8;
	[tilespmem:$0x1D400] =	vst v63  }
0x1cd: {  	_ =	swait.ge [sflag:s12], $0x4000  }
0x1ce: {  	[sflag:s12] =	ssyncset.done $0x0  }
0x1cf: {  	s10 =	simm.s32 $0x480;
	[sflag:s12] =	ssyncadd.s32 $0xFFFFC000  }
0x1d0: {  	[tilespmem:s16], [sflag:$0x2] =	stream.indirect.gather [hbm4b:s4+s14], $0x80, s10, s14, $0xb8;
	[tilespmem:$0x1D400] =	vst v63  }
0x1d1: {  	_ =	swait.ge [sflag:s17], $0x4000  }
0x1d2: {  	[sflag:s17] =	ssyncset.done $0x0  }
0x1d3: {  	s9 =	simm.s32 $0x1000;
	[sflag:s17] =	ssyncadd.s32 $0xFFFFC000  }
0x1d4: {  	[spmem:s2] =	stream.indirect.scatter.add.f32 [tilespmem:s15], [sflag:$0x3], $0x80, s9, s14, $0xb8;
	[tilespmem:$0x1D400] =	vst v63  }
0x1d5: {  	_ =	swait.ge [sflag:s12], $0x4000  }
0x1d6: {  	[sflag:s12] =	ssyncset.done $0x0  }
0x1d7: {  	s10 =	simm.s32 $0x500;
	[sflag:s12] =	ssyncadd.s32 $0xFFFFC000  }
0x1d8: {  	[tilespmem:s15], [sflag:$0x1] =	stream.indirect.gather [hbm4b:s4+s14], $0x80, s10, s14, $0xb8;
	[tilespmem:$0x1D400] =	vst v63  }
0x1d9: {  	_ =	swait.ge [sflag:s19], $0x4000  }
0x1da: {  	[sflag:s19] =	ssyncset.done $0x0  }
0x1db: {  	s9 =	simm.s32 $0x1080;
	[sflag:s19] =	ssyncadd.s32 $0xFFFFC000  }
0x1dc: {  	[spmem:s2] =	stream.indirect.scatter.add.f32 [tilespmem:s16], [sflag:$0x3], $0x80, s9, s14, $0xb8;
	[tilespmem:$0x1D400] =	vst v63  }
0x1dd: {  	_ =	swait.ge [sflag:s12], $0x4000  }
0x1de: {  	[sflag:s12] =	ssyncset.done $0x0  }
0x1df: {  	s10 =	simm.s32 $0x580;
	[sflag:s12] =	ssyncadd.s32 $0xFFFFC000  }
0x1e0: {  	[tilespmem:s16], [sflag:$0x2] =	stream.indirect.gather [hbm4b:s4+s14], $0x80, s10, s14, $0xb8;
	[tilespmem:$0x1D400] =	vst v63  }
0x1e1: {  	_ =	swait.ge [sflag:s17], $0x4000  }
0x1e2: {  	[sflag:s17] =	ssyncset.done $0x0  }
0x1e3: {  	[sflag:s17] =	ssyncadd.s32 $0xFFFFC000  }
0x1e4: {  	[spmem:s2] =	stream.indirect.scatter.add.f32 [tilespmem:s15], [sflag:$0x3], $0x80, s6, s14, $0xb8;
	[tilespmem:$0x1D400] =	vst v63  }
0x1e5: {  	_ =	swait.ge [sflag:s12], $0x4000  }
0x1e6: {  	[sflag:s12] =	ssyncset.done $0x0  }
0x1e7: {  	[sflag:s12] =	ssyncadd.s32 $0xFFFFC000  }
0x1e8: {  	[tilespmem:s15], [sflag:$0x1] =	stream.indirect.gather [hbm4b:s4+s14], $0x80, s11, s14, $0xb8;
	[tilespmem:$0x1D400] =	vst v63  }
0x1e9: {  	_ =	swait.ge [sflag:s19], $0x4000  }
0x1ea: {  	[sflag:s19] =	ssyncset.done $0x0  }
0x1eb: {  	[sflag:s19] =	ssyncadd.s32 $0xFFFFC000  }
0x1ec: {  	[spmem:s2] =	stream.indirect.scatter.add.f32 [tilespmem:s16], [sflag:$0x3], $0x80, s18, s14, $0xb8;
	[tilespmem:$0x1D400] =	vst v63  }
0x1ed: {  	_ =	swait.ge [sflag:s12], $0x4000  }
0x1ee: {  	[sflag:s12] =	ssyncset.done $0x0  }
0x1ef: {  	[sflag:s12] =	ssyncadd.s32 $0xFFFFC000  }
0x1f0: {  	[tilespmem:s16], [sflag:$0x2] =	stream.indirect.gather [hbm4b:s4+s14], $0x80, s20, s14, $0xb8;
	[tilespmem:$0x1D400] =	vst v63  }
0x1f1: {  	_ =	swait.ge [sflag:s17], $0x4000  }
0x1f2: {  	[sflag:s17] =	ssyncset.done $0x0  }
0x1f3: {  	[sflag:s17] =	ssyncadd.s32 $0xFFFFC000  }
0x1f4: {  	[spmem:s2] =	stream.indirect.scatter.add.f32 [tilespmem:s15], [sflag:$0x3], $0x80, s21, s14, $0xb8;
	[tilespmem:$0x1D400] =	vst v63  }
0x1f5: {  	_ =	swait.ge [sflag:s12], $0x4000  }
0x1f6: {  	[sflag:s12] =	ssyncset.done $0x0  }
0x1f7: {  	[sflag:s12] =	ssyncadd.s32 $0xFFFFC000  }
0x1f8: {  	[tilespmem:s15], [sflag:$0x1] =	stream.indirect.gather [hbm4b:s4+s14], $0x80, s22, s14, $0xb8;
	[tilespmem:$0x1D400] =	vst v63  }
0x1f9: {  	_ =	swait.ge [sflag:s19], $0x4000  }
0x1fa: {  	[sflag:s19] =	ssyncset.done $0x0  }
0x1fb: {  	[sflag:s19] =	ssyncadd.s32 $0xFFFFC000  }
0x1fc: {  	[spmem:s2] =	stream.indirect.scatter.add.f32 [tilespmem:s16], [sflag:$0x3], $0x80, s23, s14, $0xb8;
	[tilespmem:$0x1D400] =	vst v63  }
0x1fd: {  	_ =	swait.ge [sflag:s12], $0x4000  }
0x1fe: {  	[sflag:s12] =	ssyncset.done $0x0  }
0x1ff: {  	[sflag:s12] =	ssyncadd.s32 $0xFFFFC000  }
0x200: {  	[tilespmem:s16], [sflag:$0x2] =	stream.indirect.gather [hbm4b:s4+s14], $0x80, s24, s14, $0xb8;
	[tilespmem:$0x1D400] =	vst v63  }
0x201: {  	_ =	swait.ge [sflag:s17], $0x4000  }
0x202: {  	[sflag:s17] =	ssyncset.done $0x0  }
0x203: {  	[sflag:s17] =	ssyncadd.s32 $0xFFFFC000  }
0x204: {  	[spmem:s2] =	stream.indirect.scatter.add.f32 [tilespmem:s15], [sflag:$0x3], $0x80, s25, s14, $0xb8;
	[tilespmem:$0x1D400] =	vst v63  }
0x205: {  	_ =	swait.ge [sflag:s12], $0x4000  }
0x206: {  	[sflag:s12] =	ssyncset.done $0x0  }
0x207: {  	[sflag:s12] =	ssyncadd.s32 $0xFFFFC000  }
0x208: {  	[tilespmem:s15], [sflag:$0x1] =	stream.indirect.gather [hbm4b:s4+s14], $0x80, s26, s14, $0xb8;
	[tilespmem:$0x1D400] =	vst v63  }
0x209: {  	_ =	swait.ge [sflag:s19], $0x4000  }
0x20a: {  	[sflag:s19] =	ssyncset.done $0x0  }
0x20b: {  	[sflag:s19] =	ssyncadd.s32 $0xFFFFC000  }
0x20c: {  	[spmem:s2] =	stream.indirect.scatter.add.f32 [tilespmem:s16], [sflag:$0x3], $0x80, s28, s14, $0xb8;
	[tilespmem:$0x1D400] =	vst v63  }
0x20d: {  	_ =	swait.ge [sflag:s12], $0x4000  }
0x20e: {  	[sflag:s12] =	ssyncset.done $0x0  }
0x20f: {  	[sflag:s12] =	ssyncadd.s32 $0xFFFFC000  }
0x210: {  	[tilespmem:s16], [sflag:$0x2] =	stream.indirect.gather [hbm4b:s4+s14], $0x80, s29, s14, $0xb8;
	[tilespmem:$0x1D400] =	vst v63  }
0x211: {  	_ =	swait.ge [sflag:s17], $0x4000  }
0x212: {  	[sflag:s17] =	ssyncset.done $0x0  }
0x213: {  	[sflag:s17] =	ssyncadd.s32 $0xFFFFC000  }
0x214: {  	[spmem:s2] =	stream.indirect.scatter.add.f32 [tilespmem:s15], [sflag:$0x3], $0x80, s30, s14, $0xb8;
	[tilespmem:$0x1D400] =	vst v63  }
0x215: {  	_ =	swait.ge [sflag:s12], $0x4000  }
0x216: {  	[sflag:s12] =	ssyncset.done $0x0  }
0x217: {  	[sflag:s12] =	ssyncadd.s32 $0xFFFFC000  }
0x218: {  	[tilespmem:s15], [sflag:$0x1] =	stream.indirect.gather [hbm4b:s4+s14], $0x80, s31, s14, $0xb8;
	[tilespmem:$0x1D400] =	vst v63  }
0x219: {  	_ =	swait.ge [sflag:s19], $0x4000  }
0x21a: {  	[sflag:s19] =	ssyncset.done $0x0  }
0x21b: {  	[sflag:s19] =	ssyncadd.s32 $0xFFFFC000  }
0x21c: {  	[spmem:s2] =	stream.indirect.scatter.add.f32 [tilespmem:s16], [sflag:$0x3], $0x80, s1, s14, $0xb8;
	[tilespmem:$0x1D400] =	vst v63  }
0x21d: {  	_ =	swait.ge [sflag:s12], $0x4000  }
0x21e: {  	[sflag:s12] =	ssyncset.done $0x0  }
0x21f: {  	[sflag:s12] =	ssyncadd.s32 $0xFFFFC000  }
0x220: {  	[tilespmem:s16], [sflag:$0x2] =	stream.indirect.gather [hbm4b:s4+s14], $0x80, s0, s14, $0xb8;
	[tilespmem:$0x1D400] =	vst v63  }
0x221: {  	_ =	swait.ge [sflag:s17], $0x4000  }
0x222: {  	[sflag:s17] =	ssyncset.done $0x0  }
0x223: {  	[sflag:s17] =	ssyncadd.s32 $0xFFFFC000  }
0x224: {  	[spmem:s2] =	stream.indirect.scatter.add.f32 [tilespmem:s15], [sflag:$0x3], $0x80, s7, s14, $0xb8;
	[tilespmem:$0x1D400] =	vst v63  }
0x225: {  	_ =	swait.ge [sflag:s12], $0x4000  }
0x226: {  	[sflag:s12] =	ssyncset.done $0x0  }
0x227: {  	p1 =	seq.s32 s5, $0x900;
	[sflag:s12] =	ssyncadd.s32 $0xFFFFC000  }
.Ltmp3:
0x228: {  	_ =	swait.ge [sflag:s19], $0x4000;
	(pc) =	sbr.rel @!p1 .LBB2_3-.Ltmp3, $4  }
0x229: {  	[sflag:s19] =	ssyncset.done $0x0  }
0x22a: {  	[sflag:s19] =	ssyncadd.s32 $0xFFFFC000  }
0x22b: {  	[spmem:s2] =	stream.indirect.scatter.add.f32 [tilespmem:s16], [sflag:$0x3], $0x80, s8, s14, $0xb8;
	[tilespmem:$0x1D400] =	vst v63  }
0x22c: {  	s5 =	sadd.s32 $0x180, s5;
	_ =	swait.ge [sflag:s12], $0x4000  }
.Ltmp4:
0x22d: {  	(pc) =	sbr.rel .LBB2_6-.Ltmp4, $3  }
0x22e: {  	_ =	sdelay $0x1  }
0x22f: {  	[sflag:s12] =	ssyncset.done $0x0  }
0x230: {  	[sflag:s12] =	ssyncadd.s32 $0xFFFFC000  }
.LBB2_7:
0x231: {  	_ =	sfence.sel $0x180000  }
0x232: {  	[bflag:$0x0] =	sbarrier.arrive $0xFFFF  }
0x233: {  	_ =	strace $0x9000004A  }
0x234: {  	s0 =	stileid.u32;
	[bflag:$0x2] =	sbarrier.arrive $0xFFFF  }
0x235: {  	p0 =	sne.s32 s0, $0x0;
	s0 =	rddreg [dreg:$0x4]  }
0x236: {  	s0 =	sadd.s32 @!p0 $0x100000, s0  }
0x237: {  	[sflag:s0] =	ssyncadd.tile.s32 @!p0 $0x1;
	_ =	shalt  }
.Lfunc_end2:
_tile_overlayer_lowered:
.L_overlay_start_2:
0x238: {  	(tag) =	ssettag $0x2  }
0x239: {  	s0 =	rddreg [dreg:$0x0];
	s2 =	stileid.u32  }
0x23a: {  	s1 =	rddreg [dreg:$0x1];
	p0 =	sne.s32 s2, $0x0  }
0x23b: {  	s3 =	rddreg [dreg:$0x2];
	[bflag:$0x3] =	sbarrier.arrive $0xFFFF;
	s2 =	simm.s32 @!p0 $0x1C03  }
0x23c: {  	[timem:s3], [sflag:s2] =	dma.local @!p0 [hbm:s0], s1  }
0x23d: {  	s0 =	simm.s32 @!p0 $0x3  }
0x23e: {  	_ =	swait.ge @!p0 [sflag:s0], s1  }
0x23f: {  	s1 =	ssub.s32 @!p0 $0x0, s1;
	[sflag:s0] =	ssyncset.done @!p0 $0x0  }
0x240: {  	[sflag:s0] =	ssyncadd.s32 @!p0 s1  }
0x241: {  	[bflag:$0x3] =	sbarrier.arrive $0xFFFF  }
0x242: {  	_ =	shalt  }

// kernel: kernel.15.cloned.1.call-start
scs
__scs_entry_jumppad:
0x0: {  	(pc) =	sbr.rel $0x88, $3  }
0x1: {  	(tag) =	ssettag $0x0;
	lr =	simm.s32 $0x1  }
0x2: {  	[smem:$0x3F9B] =	sst lr;
	_ =	strace $0xD0000000  }
0x3: {  	_ = 	snop  }
0x4: {  	_ = 	snop  }
0x5: {  	_ = 	snop  }
0x6: {  	_ = 	snop  }
0x7: {  	_ = 	snop  }
__scs_overlays_trampoline_lowered:
0x8: {  	[smem:$0x3FAA] =	sst s0  }
0x9: {  	[smem:$0x3FAB] =	sst s1  }
0xa: {  	[smem:$0x3FAC] =	sst s2  }
0xb: {  	[smem:$0x3FAD] =	sst s3  }
0xc: {  	[smem:$0x3FAE] =	sst s4  }
0xd: {  	[smem:$0x3FAF] =	sst s5  }
0xe: {  	[smem:$0x3FB0] =	sst s6  }
0xf: {  	[smem:$0x3FB1] =	sst s7  }
0x10: {  	[smem:$0x3FB2] =	sst s8  }
0x11: {  	[smem:$0x3FB3] =	sst s9;
	s0 =	simm.s32 @!p0 $0x0  }
0x12: {  	s1 =	sld [smem:$0x3F99];
	s0 =	simm.s32 @p0 $0x1  }
0x13: {  	[smem:$0x3FB4] =	sst s0;
	s0 =	simm.s32 @!p1 $0x0  }
0x14: {  	s2 =	sld [smem:$0x3F98];
	s0 =	simm.s32 @p1 $0x1  }
0x15: {  	[smem:$0x3FB5] =	sst s0;
	s0 =	simm.s32 @!p2 $0x0  }
0x16: {  	s3 =	sld [smem:$0x3FDB];
	s0 =	simm.s32 @p2 $0x1  }
0x17: {  	s4 =	simm.s32 $0x1BF5;
	[smem:$0x3FB7] =	sst s0  }
0x18: {  	s0 =	sld [smem:$0x3F9A];
	_ =	swait.ge [sflag:s4], $0x0  }
0x19: {  	s7 =	sld [smem:$0x3F9B]  }
0x1a: {  	s8 =	sadd.s32 $0xFFFFE003, lr  }
0x1b: {  	s9 =	sadd.s32 $0xFFFFFEF7, lr;
	s5 =	simm.s32 $0xFFFFFFFF;
	p2 =	slt.u32 s8, $0xFFFFF086  }
0x1c: {  	p1 =	slt.u32 s9, $0xF7A;
	s5 =	simm.s32 @!p2 $0x0  }
0x1d: {  	s5 =	simm.s32 @p1 $0x1;
	p0 =	seq.s32 s7, s2  }
0x1e: {  	s7 =	smul.u32 @!p0 $0xF7A, s2;
	p2 =	seq.s32 @!p0 s5, $0x0  }
0x1f: {  	s9 =	smul.u32 $0xF7A, s1;
	s8 =	simm.s32 @!p0 $0x1BF5;
	p2 =	por !p2, p0  }
0x20: {  	[sflag:s8] =	ssyncset.s32 @!p0 $0xFFFFF086;
	s6 =	sadd.s32 @!p0 s3, s7;
	s7 =	simm.s32 @!p0 $0x108  }
0x21: {  	s3 =	sadd.s32 s3, s9;
	s6 =	sadd.s32 @!p0 $0x88, s6;
	s7 =	simm.s32 @p2 $0x1082  }
0x22: {  	[simem:s7], [sflag:s8] =	dma.local @!p0 [hbm:s6], $0xF7A  }
0x23: {  	s9 =	sor.u32 $0xD0000000, s2;
	s6 =	simm.s32 $0x108;
	_ =	swait.ge @!p0 [sflag:s8], $0x0  }
0x24: {  	s3 =	sadd.s32 $0x88, s3;
	s6 =	simm.s32 @!p1 $0x1082;
	[sflag:s4] =	ssyncset.s32 $0xFFFFF086  }
0x25: {  	[simem:s6], [sflag:s4] =	dma.local [hbm:s3], $0xF7A  }
0x26: {  	[smem:$0x3F9B] =	sst s1;
	(tag) =	ssettag s2;
	_ =	strace s9  }
0x27: {  	s1 =	sld [smem:$0x3FAB]  }
0x28: {  	s2 =	sld [smem:$0x3FAC]  }
0x29: {  	s4 =	sld [smem:$0x3FAE]  }
0x2a: {  	p0 =	seq.s32 s5, $0x0;
	s5 =	sld [smem:$0x3FAF]  }
0x2b: {  	s6 =	sld [smem:$0x3FB0]  }
0x2c: {  	s7 =	sld [smem:$0x3FB1]  }
0x2d: {  	s3 =	simm.s32 $0x108;
	s8 =	sld [smem:$0x3FB2]  }
0x2e: {  	s3 =	simm.s32 @!p0 $0x1082;
	s9 =	sld [smem:$0x3FB3]  }
0x2f: {  	lr =	sadd.s32 s0, s3;
	s0 =	sld [smem:$0x3FAA]  }
0x30: {  	s3 =	sld [smem:$0x3FAD]  }
0x31: {  	[smem:$0x3FB6] =	sst s10  }
0x32: {  	s10 =	sld [smem:$0x3FB4];
	_ =	sdelay $0x3  }
0x33: {  	p0 =	seq.s32 s10, $0x1;
	s10 =	sld [smem:$0x3FB6];
	_ =	sdelay $0x3  }
0x34: {  	[smem:$0x3FB6] =	sst s10  }
0x35: {  	s10 =	sld [smem:$0x3FB5];
	_ =	sdelay $0x3  }
0x36: {  	p1 =	seq.s32 s10, $0x1;
	s10 =	sld [smem:$0x3FB6];
	_ =	sdelay $0x3  }
0x37: {  	[smem:$0x3FB6] =	sst s10  }
0x38: {  	s10 =	sld [smem:$0x3FB7]  }
0x39: {  	_ = 	snop;
	(pc) =	sbr.ind lr, $3  }
0x3a: {  	_ = 	snop  }
0x3b: {  	_ = 	snop  }
0x3c: {  	p2 =	seq.s32 s10, $0x1;
	s10 =	sld [smem:$0x3FB6]  }
0x3d: {  	_ =	shalt  }
0x3e: {  	_ =	shalt  }
0x3f: {  	_ =	shalt  }
0x40: {  	_ =	shalt  }
0x41: {  	_ =	shalt  }
0x42: {  	_ =	shalt  }
0x43: {  	_ =	shalt  }
0x44: {  	_ =	shalt  }
0x45: {  	_ =	shalt  }
0x46: {  	_ =	shalt  }
0x47: {  	_ =	shalt  }
0x48: {  	_ =	shalt  }
0x49: {  	_ =	shalt  }
0x4a: {  	_ =	shalt  }
0x4b: {  	_ =	shalt  }
0x4c: {  	_ =	shalt  }
0x4d: {  	_ =	shalt  }
0x4e: {  	_ =	shalt  }
0x4f: {  	_ =	shalt  }
0x50: {  	_ =	shalt  }
0x51: {  	_ =	shalt  }
0x52: {  	_ =	shalt  }
0x53: {  	_ =	shalt  }
0x54: {  	_ =	shalt  }
0x55: {  	_ =	shalt  }
0x56: {  	_ =	shalt  }
0x57: {  	_ =	shalt  }
0x58: {  	_ =	shalt  }
0x59: {  	_ =	shalt  }
0x5a: {  	_ =	shalt  }
0x5b: {  	_ =	shalt  }
0x5c: {  	_ =	shalt  }
0x5d: {  	_ =	shalt  }
0x5e: {  	_ =	shalt  }
0x5f: {  	_ =	shalt  }
0x60: {  	_ =	shalt  }
0x61: {  	_ =	shalt  }
0x62: {  	_ =	shalt  }
0x63: {  	_ =	shalt  }
0x64: {  	_ =	shalt  }
0x65: {  	_ =	shalt  }
0x66: {  	_ =	shalt  }
0x67: {  	_ =	shalt  }
0x68: {  	_ =	shalt  }
0x69: {  	_ =	shalt  }
0x6a: {  	_ =	shalt  }
0x6b: {  	_ =	shalt  }
0x6c: {  	_ =	shalt  }
0x6d: {  	_ =	shalt  }
0x6e: {  	_ =	shalt  }
0x6f: {  	_ =	shalt  }
0x70: {  	_ =	shalt  }
0x71: {  	_ =	shalt  }
0x72: {  	_ =	shalt  }
0x73: {  	_ =	shalt  }
0x74: {  	_ =	shalt  }
0x75: {  	_ =	shalt  }
0x76: {  	_ =	shalt  }
0x77: {  	_ =	shalt  }
0x78: {  	_ =	shalt  }
0x79: {  	_ =	shalt  }
0x7a: {  	_ =	shalt  }
0x7b: {  	_ =	shalt  }
0x7c: {  	_ =	shalt  }
0x7d: {  	_ =	shalt  }
0x7e: {  	_ =	shalt  }
0x7f: {  	_ =	shalt  }
0x80: {  	_ =	shalt  }
0x81: {  	_ =	shalt  }
0x82: {  	_ =	shalt  }
0x83: {  	_ =	shalt  }
0x84: {  	_ =	shalt  }
0x85: {  	_ =	shalt  }
0x86: {  	_ =	shalt  }
0x87: {  	_ =	shalt  }
.Lfunc_end0:
.L_simem_size_0:
called_computation.2_lowered:
.L_overlay_start_0:
0x88: {  	s2 =	sld [smem:$0x3FD9]  }
0x89: {  	s3 =	sld [smem:$0x3FFE];
	_ =	sdelay $0x1  }
0x8a: {  	s1 =	srdreg.scid  }
0x8b: {  	s0 =	sand.u32 $0x1, s1  }
0x8c: {  	s14 =	sshll.u32 s0, $0xA;
	s2 =	sadd.s32 s3, s2  }
0x8d: {  	s2 =	sadd.s32 s2, s14  }
0x8e: {  	[smem:$0x3FC2] =	sst s2  }
0x8f: {  	_ = 	snop  }
0x90: {  	s2 =	sld [smem:$0x3FD0];
	_ =	sdelay $0x2  }
0x91: {  	s15 =	simm.s32 $0xA;
	s4 =	simm.s32 $0x10  }
0x92: {  	[smem:s4], [sflag:s15] =	dma.local [hbm:s2], $0x1  }
0x93: {  	_ =	swait.eq [sflag:s15], $0x1  }
0x94: {  	[sflag:s15] =	ssyncset.done $0x0  }
0x95: {  	s16 =	sld [smem:$0x11];
	[sflag:s15] =	ssyncadd.s32 $0xFFFFFFFF  }
0x96: {  	s17 =	sld [smem:$0x12];
	(tm) =	ssettm $0x1  }
0x97: {  	s18 =	sld [smem:$0x3FFB];
	_ =	sdelay $0x3  }
0x98: {  	_ =	strace s18  }
0x99: {  	s4 =	sld [smem:$0x3FFC];
	_ =	sdelay $0x3  }
0x9a: {  	_ =	strace s4  }
0x9b: {  	s4 =	sld [smem:$0x3FFD];
	_ =	sdelay $0x3  }
0x9c: {  	_ =	strace s4  }
0x9d: {  	_ =	strace $0x8FFFFFFF  }
0x9e: {  	s19 =	sld [smem:$0x3FDB];
	_ =	sdelay $0x1  }
0x9f: {  	s5 =	simm.s32 $_scs_section_size  }
0xa0: {  	s6 =	simm.s32 $_size__tile_overlayer_lowered;
	s7 =	simm.s32 $_tile_overlayer_lowered  }
0xa1: {  	s22 =	simm.s32 $0x1BFF;
	s21 =	sshll.u32 s7, $0x1;
	s4 =	sadd.s32 s5, s19  }
0xa2: {  	s8 =	simm.s32 $0x0;
	s20 =	sshll.u32 s6, $0x1;
	s6 =	sadd.s32 s21, s4  }
0xa3: {  	[timem:s8], [sflag:s22] =	dma.local [hbm:s6], s20  }
0xa4: {  	_ =	swait.ge [sflag:s22], s20  }
0xa5: {  	s5 =	ssub.s32 $0x0, s20;
	[sflag:s22] =	ssyncset.done $0x0  }
0xa6: {  	[sflag:s22] =	ssyncadd.s32 s5;
	_ =	sdelay $0x1  }
0xa7: {  	s23 =	simm.s32 $0x1B8B  }
0xa8: {  	_ =	swait.ge [sflag:s23], $0x1  }
0xa9: {  	[sflag:s23] =	ssyncset.done $0x0  }
0xaa: {  	s25 =	simm.s32 $0x1B8E;
	s24 =	sld [smem:$0x3FFE];
	[sflag:s23] =	ssyncadd.s32 $0xFFFFFFFF  }
0xab: {  	s26 =	simm.s32 $execute0_lowered;
	[smem:$0x3FD2] =	sst s25  }
0xac: {  	s6 =	sshll.u32 s26, $0x1;
	_ =	strace $0x8000004C;
	[dreg:$0x1] =	wrdreg $0xFFFFFFFF  }
0xad: {  	s28 =	simm.s32 $_size_execute0_lowered;
	s4 =	sadd.s32 s4, s6;
	[dreg:$0x0] =	wrdreg $0x0  }
0xae: {  	s6 =	sshll.u32 s28, $0x1;
	[dreg:$0x2] =	wrdreg s4  }
0xaf: {  	[dreg:$0x3] =	wrdreg s6  }
0xb0: {  	[dreg:$0x4] =	wrdreg $0xC0  }
0xb1: {  	_ =	task [dreg:s8], $0x5FFFF  }
0xb2: {  	[dreg:$0x1] =	wrdreg $0xFFFFFFFF  }
0xb3: {  	[dreg:$0x0] =	wrdreg $0x60  }
0xb4: {  	[dreg:$0x2] =	wrdreg s24  }
0xb5: {  	[dreg:$0x3] =	wrdreg s17  }
0xb6: {  	[dreg:$0x4] =	wrdreg s16  }
0xb7: {  	[dreg:$0x5] =	wrdreg $0x98000  }
0xb8: {  	[dreg:$0x6] =	wrdreg $0x9  }
0xb9: {  	_ =	task.clear_ibuf [dreg:s8], $0x7FFFF;
	_ =	strace $0x9000004C  }
0xba: {  	s29 =	simm.s32 $0x9;
	_ =	strace $0x8000004E  }
0xbb: {  	_ =	swait.ge [sflag:s29], $0x1  }
0xbc: {  	[sflag:s29] =	ssyncadd.s32 $0xFFFFFFFF  }
0xbd: {  	_ =	strace $0x9000004E  }
0xbe: {  	_ =	sfence  }
0xbf: {  	s30 =	sld [smem:$0x0];
	_ =	sdelay $0x2  }
0xc0: {  	s31 =	sshll.u32 s1, $0xD;
	s1 =	sshrl.u32 s1, $0x2  }
0xc1: {  	s3 =	sand.u32 $0x4000, s31;
	s1 =	sadd.s32 s1, s30  }
0xc2: {  	s0 =	sor.u32 s3, s0;
	s1 =	sshll.u32 s1, $0x11  }
0xc3: {  	s0 =	sor.u32 s1, s0  }
0xc4: {  	s0 =	sadd.s32 $0x8F2B, s0  }
0xc5: {  	[sflag:s0] =	ssyncadd.remote.s32 $0x1  }
0xc6: {  	_ =	sfence.sel $0xFFFF  }
0xc7: {  	[dreg:$0x0] =	wrdreg $0xFFFFFFFF;
	(pc) =	sbr.abs _section_cstart, $3  }
0xc8: {  	[dreg:$0x1] =	wrdreg $0xFFFFFFFF  }
0xc9: {  	_ =	task.clear_ibuf [dreg:s8], $0x2FFFF;
	_ =	strace $0x9FFFFFFF  }
0xca: {  	(tm) =	ssettm $0x7FFFFFFF  }
0xcb: {  	_ =	shalt  }
tec
execute0_lowered:
.L_overlay_start_1:
0x0: {  	(tag) =	ssettag $0x1  }
0x1: {  	s0 =	rddreg [dreg:$0x0]  }
0x2: {  	s1 =	rddreg [dreg:$0x1]  }
0x3: {  	s5 =	rddreg [dreg:$0x2];
	s12 =	stileid.u32  }
0x4: {  	s3 =	srdreg.scid;
	s2 =	rddreg [dreg:$0x3]  }
0x5: {  	s13 =	simm.s32 $0xC00;
	s14 =	simm.s32 $0x80;
	s15 =	simm.s32 $0x1800  }
0x6: {  	s16 =	simm.s32 $0x5800;
	s17 =	simm.s32 $0x1;
	s18 =	simm.s32 $0x1180  }
0x7: {  	s28 =	simm.s32 $0x1380;
	s29 =	simm.s32 $0x880;
	s6 =	smul.u32 $0x13C00, s12  }
0x8: {  	s30 =	simm.s32 $0x1400;
	s31 =	simm.s32 $0x900;
	s9 =	smul.u32 $0x4F000, s12  }
0x9: {  	s7 =	sand.u32 $0x1, s3;
	s3 =	simm.s32 $0x0;
	s11 =	smul.u32 $0xC00, s12  }
0xa: {  	s4 =	sadd.s32 $0x34C00, s0;
	s20 =	sshll.u32 s12, $0x6;
	s22 =	smul.u32 $0xA80, s12  }
0xb: {  	s12 =	simm.s32 $0x3;
	s8 =	smul.u32 $0x13C000, s7;
	[smem:$0x7FF] =	sst s3  }
0xc: {  	s19 =	ssub.s32 $0x2, s7;
	p0 =	seq.s32 s7, $0x1;
	s7 =	simm.s32 $0x1500  }
0xd: {  	_ =	strace $0x8000004D;
	s10 =	sshrl.u32 s19, $0x1;
	s9 =	sshrl.u32 s9, $0x2  }
0xe: {  	s21 =	sshrl.u32 s11, $0x3;
	s25 =	sadd.s32 s22, s5;
	s11 =	simm.s32 $0x600  }
0xf: {  	s8 =	sadd.s32 s6, s8;
	s6 =	sshrl.u32 s6, $0x3;
	s9 =	sadd.s32 s9, s2  }
0x10: {  	s23 =	sadd.s32 $0xA800, s21;
	[dreg:$0x6] =	wrdreg s25;
	s21 =	simm.s32 $0x1200  }
0x11: {  	s25 =	simm.s32 $0x1300;
	s8 =	sshrl.u32 s8, $0x3;
	s6 =	sadd.s32 s6, s0  }
0x12: {  	s24 =	sadd.s32 s1, s23;
	s1 =	sadd.s32 s22, s1;
	s22 =	simm.s32 $0x700  }
0x13: {  	s0 =	sadd.s32 s8, s0;
	s8 =	ssub.s32 s19, s10;
	[dreg:$0x9] =	wrdreg s24  }
0x14: {  	s6 =	sadd.s32 $0xD400, s6;
	[dreg:$0x5] =	wrdreg s1;
	s10 =	sshrl.u32 s9, $0x3  }
0x15: {  	s19 =	simm.s32 $0x2;
	s24 =	simm.s32 $0x780;
	s1 =	simm.s32 $0x1480  }
0x16: {  	s9 =	simm.s32 $0x0;
	[dreg:$0x7] =	wrdreg s6;
	s6 =	sor.u32 $0x1C03, s20  }
.Ltmp0:
0x17: {  	s0 =	sadd.s32 $0x5C400, s0;
	[dreg:$0xd] =	wrdreg s10;
	(pc) =	sbr.rel .LBB2_1-.Ltmp0, $4  }
0x18: {  	s26 =	smax.u32 s8, $0x1;
	s20 =	simm.s32 $0x680;
	[dreg:$0x8] =	wrdreg s6  }
0x19: {  	s8 =	simm.s32 $0x1580;
	s6 =	sadd.s32 s5, s23;
	[dreg:$0xb] =	wrdreg s0  }
0x1a: {  	[dreg:$0xc] =	wrdreg s26;
	s23 =	simm.s32 $0x1280;
	s26 =	simm.s32 $0x800  }
0x1b: {  	s0 =	simm.s32 $0x980;
	[dreg:$0xa] =	wrdreg s6;
	s6 =	simm.s32 $0x1100  }
.LBB2_5:
0x1c: {  	s5 =	rddreg [dreg:$0x9]  }
0x1d: {  	[tilespmem:s3], [sflag:$0x3] =	stream.linear.gather [hbm4b:s5+s3], $0xA00, $0x38;
	[tilespmem:$0x1D400] =	vst v63  }
0x1e: {  	_ =	swait.ge [sflag:s12], $0xA00  }
0x1f: {  	[sflag:s12] =	ssyncset.done $0x0  }
0x20: {  	s9 =	rddreg [dreg:$0xa];
	[sflag:s12] =	ssyncadd.s32 $0xFFFFF600  }
0x21: {  	[tilespmem:s13], [sflag:$0x3] =	stream.linear.gather [hbm4b:s9+s3], $0xA00, $0x38;
	[tilespmem:$0x1D400] =	vst v63  }
0x22: {  	_ =	swait.ge [sflag:s12], $0xA00  }
0x23: {  	[sflag:s12] =	ssyncset.done $0x0  }
0x24: {  	[sflag:s12] =	ssyncadd.s32 $0xFFFFF600  }
0x25: {  	[tilespmem:s15], [sflag:$0x1] =	stream.indirect.gather [hbm4b:s4+s14], $0x80, s3, s14, $0xb8;
	[tilespmem:$0x1D400] =	vst v63  }
0x26: {  	_ = 	snop  }
0x27: {  	[tilespmem:s16], [sflag:$0x2] =	stream.indirect.gather [hbm4b:s4+s14], $0x80, s14, s14, $0xb8;
	[tilespmem:$0x1D400] =	vst v63  }
0x28: {  	_ =	swait.ge [sflag:s17], $0x4000  }
0x29: {  	[sflag:s17] =	ssyncset.done $0x0  }
0x2a: {  	[sflag:s17] =	ssyncadd.s32 $0xFFFFC000  }
0x2b: {  	[spmem:s2] =	stream.indirect.scatter.add.f32 [tilespmem:s15], [sflag:$0x3], $0x80, s13, s14, $0xb8;
	[tilespmem:$0x1D400] =	vst v63  }
0x2c: {  	_ =	swait.ge [sflag:s12], $0x4000  }
0x2d: {  	[sflag:s12] =	ssyncset.done $0x0  }
0x2e: {  	s10 =	simm.s32 $0x100;
	[sflag:s12] =	ssyncadd.s32 $0xFFFFC000  }
0x2f: {  	[tilespmem:s15], [sflag:$0x1] =	stream.indirect.gather [hbm4b:s4+s14], $0x80, s10, s14, $0xb8;
	[tilespmem:$0x1D400] =	vst v63  }
0x30: {  	_ =	swait.ge [sflag:s19], $0x4000  }
0x31: {  	[sflag:s19] =	ssyncset.done $0x0  }
0x32: {  	s9 =	simm.s32 $0xC80;
	[sflag:s19] =	ssyncadd.s32 $0xFFFFC000  }
0x33: {  	[spmem:s2] =	stream.indirect.scatter.add.f32 [tilespmem:s16], [sflag:$0x3], $0x80, s9, s14, $0xb8;
	[tilespmem:$0x1D400] =	vst v63  }
0x34: {  	_ =	swait.ge [sflag:s12], $0x4000  }
0x35: {  	[sflag:s12] =	ssyncset.done $0x0  }
0x36: {  	s10 =	simm.s32 $0x180;
	[sflag:s12] =	ssyncadd.s32 $0xFFFFC000  }
0x37: {  	[tilespmem:s16], [sflag:$0x2] =	stream.indirect.gather [hbm4b:s4+s14], $0x80, s10, s14, $0xb8;
	[tilespmem:$0x1D400] =	vst v63  }
0x38: {  	_ =	swait.ge [sflag:s17], $0x4000  }
0x39: {  	[sflag:s17] =	ssyncset.done $0x0  }
0x3a: {  	s9 =	simm.s32 $0xD00;
	[sflag:s17] =	ssyncadd.s32 $0xFFFFC000  }
0x3b: {  	[spmem:s2] =	stream.indirect.scatter.add.f32 [tilespmem:s15], [sflag:$0x3], $0x80, s9, s14, $0xb8;
	[tilespmem:$0x1D400] =	vst v63  }
0x3c: {  	_ =	swait.ge [sflag:s12], $0x4000  }
0x3d: {  	[sflag:s12] =	ssyncset.done $0x0  }
0x3e: {  	s10 =	simm.s32 $0x200;
	[sflag:s12] =	ssyncadd.s32 $0xFFFFC000  }
0x3f: {  	[tilespmem:s15], [sflag:$0x1] =	stream.indirect.gather [hbm4b:s4+s14], $0x80, s10, s14, $0xb8;
	[tilespmem:$0x1D400] =	vst v63  }
0x40: {  	_ =	swait.ge [sflag:s19], $0x4000  }
0x41: {  	[sflag:s19] =	ssyncset.done $0x0  }
0x42: {  	s9 =	simm.s32 $0xD80;
	[sflag:s19] =	ssyncadd.s32 $0xFFFFC000  }
0x43: {  	[spmem:s2] =	stream.indirect.scatter.add.f32 [tilespmem:s16], [sflag:$0x3], $0x80, s9, s14, $0xb8;
	[tilespmem:$0x1D400] =	vst v63  }
0x44: {  	_ =	swait.ge [sflag:s12], $0x4000  }
0x45: {  	[sflag:s12] =	ssyncset.done $0x0  }
0x46: {  	s10 =	simm.s32 $0x280;
	[sflag:s12] =	ssyncadd.s32 $0xFFFFC000  }
0x47: {  	[tilespmem:s16], [sflag:$0x2] =	stream.indirect.gather [hbm4b:s4+s14], $0x80, s10, s14, $0xb8;
	[tilespmem:$0x1D400] =	vst v63  }
0x48: {  	_ =	swait.ge [sflag:s17], $0x4000  }
0x49: {  	[sflag:s17] =	ssyncset.done $0x0  }
0x4a: {  	s9 =	simm.s32 $0xE00;
	[sflag:s17] =	ssyncadd.s32 $0xFFFFC000  }
0x4b: {  	[spmem:s2] =	stream.indirect.scatter.add.f32 [tilespmem:s15], [sflag:$0x3], $0x80, s9, s14, $0xb8;
	[tilespmem:$0x1D400] =	vst v63  }
0x4c: {  	_ =	swait.ge [sflag:s12], $0x4000  }
0x4d: {  	[sflag:s12] =	ssyncset.done $0x0  }
0x4e: {  	s10 =	simm.s32 $0x300;
	[sflag:s12] =	ssyncadd.s32 $0xFFFFC000  }
0x4f: {  	[tilespmem:s15], [sflag:$0x1] =	stream.indirect.gather [hbm4b:s4+s14], $0x80, s10, s14, $0xb8;
	[tilespmem:$0x1D400] =	vst v63  }
0x50: {  	_ =	swait.ge [sflag:s19], $0x4000  }
0x51: {  	[sflag:s19] =	ssyncset.done $0x0  }
0x52: {  	s9 =	simm.s32 $0xE80;
	[sflag:s19] =	ssyncadd.s32 $0xFFFFC000  }
0x53: {  	[spmem:s2] =	stream.indirect.scatter.add.f32 [tilespmem:s16], [sflag:$0x3], $0x80, s9, s14, $0xb8;
	[tilespmem:$0x1D400] =	vst v63  }
0x54: {  	_ =	swait.ge [sflag:s12], $0x4000  }
0x55: {  	[sflag:s12] =	ssyncset.done $0x0  }
0x56: {  	s10 =	simm.s32 $0x380;
	[sflag:s12] =	ssyncadd.s32 $0xFFFFC000  }
0x57: {  	[tilespmem:s16], [sflag:$0x2] =	stream.indirect.gather [hbm4b:s4+s14], $0x80, s10, s14, $0xb8;
	[tilespmem:$0x1D400] =	vst v63  }
0x58: {  	_ =	swait.ge [sflag:s17], $0x4000  }
0x59: {  	[sflag:s17] =	ssyncset.done $0x0  }
0x5a: {  	s9 =	simm.s32 $0xF00;
	[sflag:s17] =	ssyncadd.s32 $0xFFFFC000  }
0x5b: {  	[spmem:s2] =	stream.indirect.scatter.add.f32 [tilespmem:s15], [sflag:$0x3], $0x80, s9, s14, $0xb8;
	[tilespmem:$0x1D400] =	vst v63  }
0x5c: {  	_ =	swait.ge [sflag:s12], $0x4000  }
0x5d: {  	[sflag:s12] =	ssyncset.done $0x0  }
0x5e: {  	s10 =	simm.s32 $0x400;
	[sflag:s12] =	ssyncadd.s32 $0xFFFFC000  }
0x5f: {  	[tilespmem:s15], [sflag:$0x1] =	stream.indirect.gather [hbm4b:s4+s14], $0x80, s10, s14, $0xb8;
	[tilespmem:$0x1D400] =	vst v63  }
0x60: {  	_ =	swait.ge [sflag:s19], $0x4000  }
0x61: {  	[sflag:s19] =	ssyncset.done $0x0  }
0x62: {  	s9 =	simm.s32 $0xF80;
	[sflag:s19] =	ssyncadd.s32 $0xFFFFC000  }
0x63: {  	[spmem:s2] =	stream.indirect.scatter.add.f32 [tilespmem:s16], [sflag:$0x3], $0x80, s9, s14, $0xb8;
	[tilespmem:$0x1D400] =	vst v63  }
0x64: {  	_ =	swait.ge [sflag:s12], $0x4000  }
0x65: {  	[sflag:s12] =	ssyncset.done $0x0  }
0x66: {  	s10 =	simm.s32 $0x480;
	[sflag:s12] =	ssyncadd.s32 $0xFFFFC000  }
0x67: {  	[tilespmem:s16], [sflag:$0x2] =	stream.indirect.gather [hbm4b:s4+s14], $0x80, s10, s14, $0xb8;
	[tilespmem:$0x1D400] =	vst v63  }
0x68: {  	_ =	swait.ge [sflag:s17], $0x4000  }
0x69: {  	[sflag:s17] =	ssyncset.done $0x0  }
0x6a: {  	s9 =	simm.s32 $0x1000;
	[sflag:s17] =	ssyncadd.s32 $0xFFFFC000  }
0x6b: {  	[spmem:s2] =	stream.indirect.scatter.add.f32 [tilespmem:s15], [sflag:$0x3], $0x80, s9, s14, $0xb8;
	[tilespmem:$0x1D400] =	vst v63  }
0x6c: {  	_ =	swait.ge [sflag:s12], $0x4000  }
0x6d: {  	[sflag:s12] =	ssyncset.done $0x0  }
0x6e: {  	s10 =	simm.s32 $0x500;
	[sflag:s12] =	ssyncadd.s32 $0xFFFFC000  }
0x6f: {  	[tilespmem:s15], [sflag:$0x1] =	stream.indirect.gather [hbm4b:s4+s14], $0x80, s10, s14, $0xb8;
	[tilespmem:$0x1D400] =	vst v63  }
0x70: {  	_ =	swait.ge [sflag:s19], $0x4000  }
0x71: {  	[sflag:s19] =	ssyncset.done $0x0  }
0x72: {  	s9 =	simm.s32 $0x1080;
	[sflag:s19] =	ssyncadd.s32 $0xFFFFC000  }
0x73: {  	[spmem:s2] =	stream.indirect.scatter.add.f32 [tilespmem:s16], [sflag:$0x3], $0x80, s9, s14, $0xb8;
	[tilespmem:$0x1D400] =	vst v63  }
0x74: {  	_ =	swait.ge [sflag:s12], $0x4000  }
0x75: {  	[sflag:s12] =	ssyncset.done $0x0  }
0x76: {  	s10 =	simm.s32 $0x580;
	[sflag:s12] =	ssyncadd.s32 $0xFFFFC000  }
0x77: {  	[tilespmem:s16], [sflag:$0x2] =	stream.indirect.gather [hbm4b:s4+s14], $0x80, s10, s14, $0xb8;
	[tilespmem:$0x1D400] =	vst v63  }
0x78: {  	_ =	swait.ge [sflag:s17], $0x4000  }
0x79: {  	[sflag:s17] =	ssyncset.done $0x0  }
0x7a: {  	[sflag:s17] =	ssyncadd.s32 $0xFFFFC000  }
0x7b: {  	[spmem:s2] =	stream.indirect.scatter.add.f32 [tilespmem:s15], [sflag:$0x3], $0x80, s6, s14, $0xb8;
	[tilespmem:$0x1D400] =	vst v63  }
0x7c: {  	_ =	swait.ge [sflag:s12], $0x4000  }
0x7d: {  	[sflag:s12] =	ssyncset.done $0x0  }
0x7e: {  	[sflag:s12] =	ssyncadd.s32 $0xFFFFC000  }
0x7f: {  	[tilespmem:s15], [sflag:$0x1] =	stream.indirect.gather [hbm4b:s4+s14], $0x80, s11, s14, $0xb8;
	[tilespmem:$0x1D400] =	vst v63  }
0x80: {  	_ =	swait.ge [sflag:s19], $0x4000  }
0x81: {  	[sflag:s19] =	ssyncset.done $0x0  }
0x82: {  	[sflag:s19] =	ssyncadd.s32 $0xFFFFC000  }
0x83: {  	[spmem:s2] =	stream.indirect.scatter.add.f32 [tilespmem:s16], [sflag:$0x3], $0x80, s18, s14, $0xb8;
	[tilespmem:$0x1D400] =	vst v63  }
0x84: {  	_ =	swait.ge [sflag:s12], $0x4000  }
0x85: {  	[sflag:s12] =	ssyncset.done $0x0  }
0x86: {  	[sflag:s12] =	ssyncadd.s32 $0xFFFFC000  }
0x87: {  	[tilespmem:s16], [sflag:$0x2] =	stream.indirect.gather [hbm4b:s4+s14], $0x80, s20, s14, $0xb8;
	[tilespmem:$0x1D400] =	vst v63  }
0x88: {  	_ =	swait.ge [sflag:s17], $0x4000  }
0x89: {  	[sflag:s17] =	ssyncset.done $0x0  }
0x8a: {  	[sflag:s17] =	ssyncadd.s32 $0xFFFFC000  }
0x8b: {  	[spmem:s2] =	stream.indirect.scatter.add.f32 [tilespmem:s15], [sflag:$0x3], $0x80, s21, s14, $0xb8;
	[tilespmem:$0x1D400] =	vst v63  }
0x8c: {  	_ =	swait.ge [sflag:s12], $0x4000  }
0x8d: {  	[sflag:s12] =	ssyncset.done $0x0  }
0x8e: {  	[sflag:s12] =	ssyncadd.s32 $0xFFFFC000  }
0x8f: {  	[tilespmem:s15], [sflag:$0x1] =	stream.indirect.gather [hbm4b:s4+s14], $0x80, s22, s14, $0xb8;
	[tilespmem:$0x1D400] =	vst v63  }
0x90: {  	_ =	swait.ge [sflag:s19], $0x4000  }
0x91: {  	[sflag:s19] =	ssyncset.done $0x0  }
0x92: {  	[sflag:s19] =	ssyncadd.s32 $0xFFFFC000  }
0x93: {  	[spmem:s2] =	stream.indirect.scatter.add.f32 [tilespmem:s16], [sflag:$0x3], $0x80, s23, s14, $0xb8;
	[tilespmem:$0x1D400] =	vst v63  }
0x94: {  	_ =	swait.ge [sflag:s12], $0x4000  }
0x95: {  	[sflag:s12] =	ssyncset.done $0x0  }
0x96: {  	[sflag:s12] =	ssyncadd.s32 $0xFFFFC000  }
0x97: {  	[tilespmem:s16], [sflag:$0x2] =	stream.indirect.gather [hbm4b:s4+s14], $0x80, s24, s14, $0xb8;
	[tilespmem:$0x1D400] =	vst v63  }
0x98: {  	_ =	swait.ge [sflag:s17], $0x4000  }
0x99: {  	[sflag:s17] =	ssyncset.done $0x0  }
0x9a: {  	[sflag:s17] =	ssyncadd.s32 $0xFFFFC000  }
0x9b: {  	[spmem:s2] =	stream.indirect.scatter.add.f32 [tilespmem:s15], [sflag:$0x3], $0x80, s25, s14, $0xb8;
	[tilespmem:$0x1D400] =	vst v63  }
0x9c: {  	_ =	swait.ge [sflag:s12], $0x4000  }
0x9d: {  	[sflag:s12] =	ssyncset.done $0x0  }
0x9e: {  	[sflag:s12] =	ssyncadd.s32 $0xFFFFC000  }
0x9f: {  	[tilespmem:s15], [sflag:$0x1] =	stream.indirect.gather [hbm4b:s4+s14], $0x80, s26, s14, $0xb8;
	[tilespmem:$0x1D400] =	vst v63  }
0xa0: {  	_ =	swait.ge [sflag:s19], $0x4000  }
0xa1: {  	[sflag:s19] =	ssyncset.done $0x0  }
0xa2: {  	[sflag:s19] =	ssyncadd.s32 $0xFFFFC000  }
0xa3: {  	[spmem:s2] =	stream.indirect.scatter.add.f32 [tilespmem:s16], [sflag:$0x3], $0x80, s28, s14, $0xb8;
	[tilespmem:$0x1D400] =	vst v63  }
0xa4: {  	_ =	swait.ge [sflag:s12], $0x4000  }
0xa5: {  	[sflag:s12] =	ssyncset.done $0x0  }
0xa6: {  	[sflag:s12] =	ssyncadd.s32 $0xFFFFC000  }
0xa7: {  	[tilespmem:s16], [sflag:$0x2] =	stream.indirect.gather [hbm4b:s4+s14], $0x80, s29, s14, $0xb8;
	[tilespmem:$0x1D400] =	vst v63  }
0xa8: {  	_ =	swait.ge [sflag:s17], $0x4000  }
0xa9: {  	[sflag:s17] =	ssyncset.done $0x0  }
0xaa: {  	[sflag:s17] =	ssyncadd.s32 $0xFFFFC000  }
0xab: {  	[spmem:s2] =	stream.indirect.scatter.add.f32 [tilespmem:s15], [sflag:$0x3], $0x80, s30, s14, $0xb8;
	[tilespmem:$0x1D400] =	vst v63  }
0xac: {  	_ =	swait.ge [sflag:s12], $0x4000  }
0xad: {  	[sflag:s12] =	ssyncset.done $0x0  }
0xae: {  	[sflag:s12] =	ssyncadd.s32 $0xFFFFC000  }
0xaf: {  	[tilespmem:s15], [sflag:$0x1] =	stream.indirect.gather [hbm4b:s4+s14], $0x80, s31, s14, $0xb8;
	[tilespmem:$0x1D400] =	vst v63  }
0xb0: {  	_ =	swait.ge [sflag:s19], $0x4000  }
0xb1: {  	[sflag:s19] =	ssyncset.done $0x0  }
0xb2: {  	[sflag:s19] =	ssyncadd.s32 $0xFFFFC000  }
0xb3: {  	[spmem:s2] =	stream.indirect.scatter.add.f32 [tilespmem:s16], [sflag:$0x3], $0x80, s1, s14, $0xb8;
	[tilespmem:$0x1D400] =	vst v63  }
0xb4: {  	_ =	swait.ge [sflag:s12], $0x4000  }
0xb5: {  	[sflag:s12] =	ssyncset.done $0x0  }
0xb6: {  	[sflag:s12] =	ssyncadd.s32 $0xFFFFC000  }
0xb7: {  	[tilespmem:s16], [sflag:$0x2] =	stream.indirect.gather [hbm4b:s4+s14], $0x80, s0, s14, $0xb8;
	[tilespmem:$0x1D400] =	vst v63  }
0xb8: {  	_ =	swait.ge [sflag:s17], $0x4000  }
0xb9: {  	[sflag:s17] =	ssyncset.done $0x0  }
0xba: {  	[sflag:s17] =	ssyncadd.s32 $0xFFFFC000  }
0xbb: {  	[spmem:s2] =	stream.indirect.scatter.add.f32 [tilespmem:s15], [sflag:$0x3], $0x80, s7, s14, $0xb8;
	[tilespmem:$0x1D400] =	vst v63  }
0xbc: {  	_ =	swait.ge [sflag:s12], $0x4000  }
0xbd: {  	[sflag:s12] =	ssyncset.done $0x0  }
0xbe: {  	[sflag:s12] =	ssyncadd.s32 $0xFFFFC000  }
0xbf: {  	_ =	swait.ge [sflag:s19], $0x4000  }
0xc0: {  	[sflag:s19] =	ssyncset.done $0x0  }
0xc1: {  	[sflag:s19] =	ssyncadd.s32 $0xFFFFC000  }
0xc2: {  	[spmem:s2] =	stream.indirect.scatter.add.f32 [tilespmem:s16], [sflag:$0x3], $0x80, s8, s14, $0xb8;
	[tilespmem:$0x1D400] =	vst v63  }
0xc3: {  	_ =	swait.ge [sflag:s12], $0x4000  }
0xc4: {  	[sflag:s12] =	ssyncset.done $0x0  }
0xc5: {  	[sflag:s12] =	ssyncadd.s32 $0xFFFFC000  }
.LBB2_6:
0xc6: {  	[bflag:$0x0] =	sbarrier.arrive $0xFFFF  }
0xc7: {  	s10 =	rddreg [dreg:$0x8]  }
0xc8: {  	s5 =	rddreg [dreg:$0xb]  }
0xc9: {  	s9 =	rddreg [dreg:$0xd]  }
0xca: {  	[hbm:s5], [sflag:s10] =	dma.local [spmem:s9], $0x2780  }
0xcb: {  	s10 =	rddreg [dreg:$0xd];
	_ =	swait.ge [sflag:s12], $0x2780  }
0xcc: {  	s5 =	rddreg [dreg:$0xe]  }
0xcd: {  	s9 =	sadd.s32 $0x1, s5;
	s5 =	rddreg [dreg:$0xc]  }
0xce: {  	p1 =	sne.s32 s9, s5  }
.Ltmp1:
0xcf: {  	_ = 	snop;
	(pc) =	sbr.rel @!p1 .LBB2_7-.Ltmp1, $3  }
0xd0: {  	_ =	sdelay $0x1  }
0xd1: {  	[sflag:s12] =	ssyncset.done $0x0  }
0xd2: {  	[sflag:s12] =	ssyncadd.s32 $0xFFFFD880  }
.LBB2_1:
0xd3: {  	[dreg:$0xe] =	wrdreg s9  }
0xd4: {  	s5 =	rddreg [dreg:$0x7]  }
0xd5: {  	s9 =	rddreg [dreg:$0x8]  }
0xd6: {  	[spmem:s10], [sflag:s9] =	dma.local [hbm:s5], $0x2780  }
.Ltmp2:
0xd7: {  	_ =	swait.ge [sflag:s12], $0x2780;
	(pc) =	sbr.rel @p0 .LBB2_5-.Ltmp2, $3  }
0xd8: {  	[sflag:s12] =	ssyncset.done $0x0  }
0xd9: {  	[sflag:s12] =	ssyncadd.s32 $0xFFFFD880  }
0xda: {  	[bflag:$0x0] =	sbarrier.arrive $0xFFFF;
	_ =	sdelay $0x1  }
0xdb: {  	s5 =	rddreg [dreg:$0x5]  }
0xdc: {  	s5 =	sadd.s32 $0x0, s5  }
0xdd: {  	[tilespmem:s3], [sflag:$0x3] =	stream.linear.gather [hbm4b:s5+s3], $0xA00, $0x38;
	[tilespmem:$0x1D400] =	vst v63  }
0xde: {  	_ =	swait.ge [sflag:s12], $0xA00  }
0xdf: {  	s9 =	rddreg [dreg:$0x6];
	[sflag:s12] =	ssyncset.done $0x0  }
0xe0: {  	[sflag:s12] =	ssyncadd.s32 $0xFFFFF600;
	s5 =	sadd.s32 $0x0, s9  }
0xe1: {  	[tilespmem:s13], [sflag:$0x3] =	stream.linear.gather [hbm4b:s5+s3], $0xA00, $0x38;
	[tilespmem:$0x1D400] =	vst v63  }
0xe2: {  	_ =	swait.ge [sflag:s12], $0xA00  }
0xe3: {  	[sflag:s12] =	ssyncset.done $0x0  }
0xe4: {  	[sflag:s12] =	ssyncadd.s32 $0xFFFFF600  }
0xe5: {  	[tilespmem:s15], [sflag:$0x1] =	stream.indirect.gather [hbm4b:s4+s14], $0x80, s3, s14, $0xb8;
	[tilespmem:$0x1D400] =	vst v63  }
0xe6: {  	_ = 	snop  }
0xe7: {  	[tilespmem:s16], [sflag:$0x2] =	stream.indirect.gather [hbm4b:s4+s14], $0x80, s14, s14, $0xb8;
	[tilespmem:$0x1D400] =	vst v63  }
0xe8: {  	_ =	swait.ge [sflag:s17], $0x4000  }
0xe9: {  	[sflag:s17] =	ssyncset.done $0x0  }
0xea: {  	[sflag:s17] =	ssyncadd.s32 $0xFFFFC000  }
0xeb: {  	[spmem:s2] =	stream.indirect.scatter.add.f32 [tilespmem:s15], [sflag:$0x3], $0x80, s13, s14, $0xb8;
	[tilespmem:$0x1D400] =	vst v63  }
0xec: {  	_ =	swait.ge [sflag:s12], $0x4000  }
0xed: {  	[sflag:s12] =	ssyncset.done $0x0  }
0xee: {  	s10 =	simm.s32 $0x100;
	[sflag:s12] =	ssyncadd.s32 $0xFFFFC000  }
0xef: {  	[tilespmem:s15], [sflag:$0x1] =	stream.indirect.gather [hbm4b:s4+s14], $0x80, s10, s14, $0xb8;
	[tilespmem:$0x1D400] =	vst v63  }
0xf0: {  	_ =	swait.ge [sflag:s19], $0x4000  }
0xf1: {  	[sflag:s19] =	ssyncset.done $0x0  }
0xf2: {  	s9 =	simm.s32 $0xC80;
	[sflag:s19] =	ssyncadd.s32 $0xFFFFC000  }
0xf3: {  	[spmem:s2] =	stream.indirect.scatter.add.f32 [tilespmem:s16], [sflag:$0x3], $0x80, s9, s14, $0xb8;
	[tilespmem:$0x1D400] =	vst v63  }
0xf4: {  	_ =	swait.ge [sflag:s12], $0x4000  }
0xf5: {  	[sflag:s12] =	ssyncset.done $0x0  }
0xf6: {  	s10 =	simm.s32 $0x180;
	[sflag:s12] =	ssyncadd.s32 $0xFFFFC000  }
0xf7: {  	[tilespmem:s16], [sflag:$0x2] =	stream.indirect.gather [hbm4b:s4+s14], $0x80, s10, s14, $0xb8;
	[tilespmem:$0x1D400] =	vst v63  }
0xf8: {  	_ =	swait.ge [sflag:s17], $0x4000  }
0xf9: {  	[sflag:s17] =	ssyncset.done $0x0  }
0xfa: {  	s9 =	simm.s32 $0xD00;
	[sflag:s17] =	ssyncadd.s32 $0xFFFFC000  }
0xfb: {  	[spmem:s2] =	stream.indirect.scatter.add.f32 [tilespmem:s15], [sflag:$0x3], $0x80, s9, s14, $0xb8;
	[tilespmem:$0x1D400] =	vst v63  }
0xfc: {  	_ =	swait.ge [sflag:s12], $0x4000  }
0xfd: {  	[sflag:s12] =	ssyncset.done $0x0  }
0xfe: {  	s10 =	simm.s32 $0x200;
	[sflag:s12] =	ssyncadd.s32 $0xFFFFC000  }
0xff: {  	[tilespmem:s15], [sflag:$0x1] =	stream.indirect.gather [hbm4b:s4+s14], $0x80, s10, s14, $0xb8;
	[tilespmem:$0x1D400] =	vst v63  }
0x100: {  	_ =	swait.ge [sflag:s19], $0x4000  }
0x101: {  	[sflag:s19] =	ssyncset.done $0x0  }
0x102: {  	s9 =	simm.s32 $0xD80;
	[sflag:s19] =	ssyncadd.s32 $0xFFFFC000  }
0x103: {  	[spmem:s2] =	stream.indirect.scatter.add.f32 [tilespmem:s16], [sflag:$0x3], $0x80, s9, s14, $0xb8;
	[tilespmem:$0x1D400] =	vst v63  }
0x104: {  	_ =	swait.ge [sflag:s12], $0x4000  }
0x105: {  	[sflag:s12] =	ssyncset.done $0x0  }
0x106: {  	s10 =	simm.s32 $0x280;
	[sflag:s12] =	ssyncadd.s32 $0xFFFFC000  }
0x107: {  	[tilespmem:s16], [sflag:$0x2] =	stream.indirect.gather [hbm4b:s4+s14], $0x80, s10, s14, $0xb8;
	[tilespmem:$0x1D400] =	vst v63  }
0x108: {  	_ =	swait.ge [sflag:s17], $0x4000  }
0x109: {  	[sflag:s17] =	ssyncset.done $0x0  }
0x10a: {  	s9 =	simm.s32 $0xE00;
	[sflag:s17] =	ssyncadd.s32 $0xFFFFC000  }
0x10b: {  	[spmem:s2] =	stream.indirect.scatter.add.f32 [tilespmem:s15], [sflag:$0x3], $0x80, s9, s14, $0xb8;
	[tilespmem:$0x1D400] =	vst v63  }
0x10c: {  	_ =	swait.ge [sflag:s12], $0x4000  }
0x10d: {  	[sflag:s12] =	ssyncset.done $0x0  }
0x10e: {  	s10 =	simm.s32 $0x300;
	[sflag:s12] =	ssyncadd.s32 $0xFFFFC000  }
0x10f: {  	[tilespmem:s15], [sflag:$0x1] =	stream.indirect.gather [hbm4b:s4+s14], $0x80, s10, s14, $0xb8;
	[tilespmem:$0x1D400] =	vst v63  }
0x110: {  	_ =	swait.ge [sflag:s19], $0x4000  }
0x111: {  	[sflag:s19] =	ssyncset.done $0x0  }
0x112: {  	s9 =	simm.s32 $0xE80;
	[sflag:s19] =	ssyncadd.s32 $0xFFFFC000  }
0x113: {  	[spmem:s2] =	stream.indirect.scatter.add.f32 [tilespmem:s16], [sflag:$0x3], $0x80, s9, s14, $0xb8;
	[tilespmem:$0x1D400] =	vst v63  }
0x114: {  	_ =	swait.ge [sflag:s12], $0x4000  }
0x115: {  	[sflag:s12] =	ssyncset.done $0x0  }
0x116: {  	s10 =	simm.s32 $0x380;
	[sflag:s12] =	ssyncadd.s32 $0xFFFFC000  }
0x117: {  	[tilespmem:s16], [sflag:$0x2] =	stream.indirect.gather [hbm4b:s4+s14], $0x80, s10, s14, $0xb8;
	[tilespmem:$0x1D400] =	vst v63  }
0x118: {  	_ =	swait.ge [sflag:s17], $0x4000  }
0x119: {  	[sflag:s17] =	ssyncset.done $0x0  }
0x11a: {  	s9 =	simm.s32 $0xF00;
	[sflag:s17] =	ssyncadd.s32 $0xFFFFC000  }
0x11b: {  	[spmem:s2] =	stream.indirect.scatter.add.f32 [tilespmem:s15], [sflag:$0x3], $0x80, s9, s14, $0xb8;
	[tilespmem:$0x1D400] =	vst v63  }
0x11c: {  	_ =	swait.ge [sflag:s12], $0x4000  }
0x11d: {  	[sflag:s12] =	ssyncset.done $0x0  }
0x11e: {  	s10 =	simm.s32 $0x400;
	[sflag:s12] =	ssyncadd.s32 $0xFFFFC000  }
0x11f: {  	[tilespmem:s15], [sflag:$0x1] =	stream.indirect.gather [hbm4b:s4+s14], $0x80, s10, s14, $0xb8;
	[tilespmem:$0x1D400] =	vst v63  }
0x120: {  	_ =	swait.ge [sflag:s19], $0x4000  }
0x121: {  	[sflag:s19] =	ssyncset.done $0x0  }
0x122: {  	s9 =	simm.s32 $0xF80;
	[sflag:s19] =	ssyncadd.s32 $0xFFFFC000  }
0x123: {  	[spmem:s2] =	stream.indirect.scatter.add.f32 [tilespmem:s16], [sflag:$0x3], $0x80, s9, s14, $0xb8;
	[tilespmem:$0x1D400] =	vst v63  }
0x124: {  	_ =	swait.ge [sflag:s12], $0x4000  }
0x125: {  	[sflag:s12] =	ssyncset.done $0x0  }
0x126: {  	s10 =	simm.s32 $0x480;
	[sflag:s12] =	ssyncadd.s32 $0xFFFFC000  }
0x127: {  	[tilespmem:s16], [sflag:$0x2] =	stream.indirect.gather [hbm4b:s4+s14], $0x80, s10, s14, $0xb8;
	[tilespmem:$0x1D400] =	vst v63  }
0x128: {  	_ =	swait.ge [sflag:s17], $0x4000  }
0x129: {  	[sflag:s17] =	ssyncset.done $0x0  }
0x12a: {  	s9 =	simm.s32 $0x1000;
	[sflag:s17] =	ssyncadd.s32 $0xFFFFC000  }
0x12b: {  	[spmem:s2] =	stream.indirect.scatter.add.f32 [tilespmem:s15], [sflag:$0x3], $0x80, s9, s14, $0xb8;
	[tilespmem:$0x1D400] =	vst v63  }
0x12c: {  	_ =	swait.ge [sflag:s12], $0x4000  }
0x12d: {  	[sflag:s12] =	ssyncset.done $0x0  }
0x12e: {  	s10 =	simm.s32 $0x500;
	[sflag:s12] =	ssyncadd.s32 $0xFFFFC000  }
0x12f: {  	[tilespmem:s15], [sflag:$0x1] =	stream.indirect.gather [hbm4b:s4+s14], $0x80, s10, s14, $0xb8;
	[tilespmem:$0x1D400] =	vst v63  }
0x130: {  	_ =	swait.ge [sflag:s19], $0x4000  }
0x131: {  	[sflag:s19] =	ssyncset.done $0x0  }
0x132: {  	s9 =	simm.s32 $0x1080;
	[sflag:s19] =	ssyncadd.s32 $0xFFFFC000  }
0x133: {  	[spmem:s2] =	stream.indirect.scatter.add.f32 [tilespmem:s16], [sflag:$0x3], $0x80, s9, s14, $0xb8;
	[tilespmem:$0x1D400] =	vst v63  }
0x134: {  	_ =	swait.ge [sflag:s12], $0x4000  }
0x135: {  	[sflag:s12] =	ssyncset.done $0x0  }
0x136: {  	s10 =	simm.s32 $0x580;
	[sflag:s12] =	ssyncadd.s32 $0xFFFFC000  }
0x137: {  	[tilespmem:s16], [sflag:$0x2] =	stream.indirect.gather [hbm4b:s4+s14], $0x80, s10, s14, $0xb8;
	[tilespmem:$0x1D400] =	vst v63  }
0x138: {  	_ =	swait.ge [sflag:s17], $0x4000  }
0x139: {  	[sflag:s17] =	ssyncset.done $0x0  }
0x13a: {  	[sflag:s17] =	ssyncadd.s32 $0xFFFFC000  }
0x13b: {  	[spmem:s2] =	stream.indirect.scatter.add.f32 [tilespmem:s15], [sflag:$0x3], $0x80, s6, s14, $0xb8;
	[tilespmem:$0x1D400] =	vst v63  }
0x13c: {  	_ =	swait.ge [sflag:s12], $0x4000  }
0x13d: {  	[sflag:s12] =	ssyncset.done $0x0  }
0x13e: {  	[sflag:s12] =	ssyncadd.s32 $0xFFFFC000  }
0x13f: {  	[tilespmem:s15], [sflag:$0x1] =	stream.indirect.gather [hbm4b:s4+s14], $0x80, s11, s14, $0xb8;
	[tilespmem:$0x1D400] =	vst v63  }
0x140: {  	_ =	swait.ge [sflag:s19], $0x4000  }
0x141: {  	[sflag:s19] =	ssyncset.done $0x0  }
0x142: {  	[sflag:s19] =	ssyncadd.s32 $0xFFFFC000  }
0x143: {  	[spmem:s2] =	stream.indirect.scatter.add.f32 [tilespmem:s16], [sflag:$0x3], $0x80, s18, s14, $0xb8;
	[tilespmem:$0x1D400] =	vst v63  }
0x144: {  	_ =	swait.ge [sflag:s12], $0x4000  }
0x145: {  	[sflag:s12] =	ssyncset.done $0x0  }
0x146: {  	[sflag:s12] =	ssyncadd.s32 $0xFFFFC000  }
0x147: {  	[tilespmem:s16], [sflag:$0x2] =	stream.indirect.gather [hbm4b:s4+s14], $0x80, s20, s14, $0xb8;
	[tilespmem:$0x1D400] =	vst v63  }
0x148: {  	_ =	swait.ge [sflag:s17], $0x4000  }
0x149: {  	[sflag:s17] =	ssyncset.done $0x0  }
0x14a: {  	[sflag:s17] =	ssyncadd.s32 $0xFFFFC000  }
0x14b: {  	[spmem:s2] =	stream.indirect.scatter.add.f32 [tilespmem:s15], [sflag:$0x3], $0x80, s21, s14, $0xb8;
	[tilespmem:$0x1D400] =	vst v63  }
0x14c: {  	_ =	swait.ge [sflag:s12], $0x4000  }
0x14d: {  	[sflag:s12] =	ssyncset.done $0x0  }
0x14e: {  	[sflag:s12] =	ssyncadd.s32 $0xFFFFC000  }
0x14f: {  	[tilespmem:s15], [sflag:$0x1] =	stream.indirect.gather [hbm4b:s4+s14], $0x80, s22, s14, $0xb8;
	[tilespmem:$0x1D400] =	vst v63  }
0x150: {  	_ =	swait.ge [sflag:s19], $0x4000  }
0x151: {  	[sflag:s19] =	ssyncset.done $0x0  }
0x152: {  	[sflag:s19] =	ssyncadd.s32 $0xFFFFC000  }
0x153: {  	[spmem:s2] =	stream.indirect.scatter.add.f32 [tilespmem:s16], [sflag:$0x3], $0x80, s23, s14, $0xb8;
	[tilespmem:$0x1D400] =	vst v63  }
0x154: {  	_ =	swait.ge [sflag:s12], $0x4000  }
0x155: {  	[sflag:s12] =	ssyncset.done $0x0  }
0x156: {  	[sflag:s12] =	ssyncadd.s32 $0xFFFFC000  }
0x157: {  	[tilespmem:s16], [sflag:$0x2] =	stream.indirect.gather [hbm4b:s4+s14], $0x80, s24, s14, $0xb8;
	[tilespmem:$0x1D400] =	vst v63  }
0x158: {  	_ =	swait.ge [sflag:s17], $0x4000  }
0x159: {  	[sflag:s17] =	ssyncset.done $0x0  }
0x15a: {  	[sflag:s17] =	ssyncadd.s32 $0xFFFFC000  }
0x15b: {  	[spmem:s2] =	stream.indirect.scatter.add.f32 [tilespmem:s15], [sflag:$0x3], $0x80, s25, s14, $0xb8;
	[tilespmem:$0x1D400] =	vst v63  }
0x15c: {  	_ =	swait.ge [sflag:s12], $0x4000  }
0x15d: {  	[sflag:s12] =	ssyncset.done $0x0  }
0x15e: {  	[sflag:s12] =	ssyncadd.s32 $0xFFFFC000  }
0x15f: {  	[tilespmem:s15], [sflag:$0x1] =	stream.indirect.gather [hbm4b:s4+s14], $0x80, s26, s14, $0xb8;
	[tilespmem:$0x1D400] =	vst v63  }
0x160: {  	_ =	swait.ge [sflag:s19], $0x4000  }
0x161: {  	[sflag:s19] =	ssyncset.done $0x0  }
0x162: {  	[sflag:s19] =	ssyncadd.s32 $0xFFFFC000  }
0x163: {  	[spmem:s2] =	stream.indirect.scatter.add.f32 [tilespmem:s16], [sflag:$0x3], $0x80, s28, s14, $0xb8;
	[tilespmem:$0x1D400] =	vst v63  }
0x164: {  	_ =	swait.ge [sflag:s12], $0x4000  }
0x165: {  	[sflag:s12] =	ssyncset.done $0x0  }
0x166: {  	[sflag:s12] =	ssyncadd.s32 $0xFFFFC000  }
0x167: {  	[tilespmem:s16], [sflag:$0x2] =	stream.indirect.gather [hbm4b:s4+s14], $0x80, s29, s14, $0xb8;
	[tilespmem:$0x1D400] =	vst v63  }
0x168: {  	_ =	swait.ge [sflag:s17], $0x4000  }
0x169: {  	[sflag:s17] =	ssyncset.done $0x0  }
0x16a: {  	[sflag:s17] =	ssyncadd.s32 $0xFFFFC000  }
0x16b: {  	[spmem:s2] =	stream.indirect.scatter.add.f32 [tilespmem:s15], [sflag:$0x3], $0x80, s30, s14, $0xb8;
	[tilespmem:$0x1D400] =	vst v63  }
0x16c: {  	_ =	swait.ge [sflag:s12], $0x4000  }
0x16d: {  	[sflag:s12] =	ssyncset.done $0x0  }
0x16e: {  	[sflag:s12] =	ssyncadd.s32 $0xFFFFC000  }
0x16f: {  	[tilespmem:s15], [sflag:$0x1] =	stream.indirect.gather [hbm4b:s4+s14], $0x80, s31, s14, $0xb8;
	[tilespmem:$0x1D400] =	vst v63  }
0x170: {  	_ =	swait.ge [sflag:s19], $0x4000  }
0x171: {  	[sflag:s19] =	ssyncset.done $0x0  }
0x172: {  	[sflag:s19] =	ssyncadd.s32 $0xFFFFC000  }
0x173: {  	[spmem:s2] =	stream.indirect.scatter.add.f32 [tilespmem:s16], [sflag:$0x3], $0x80, s1, s14, $0xb8;
	[tilespmem:$0x1D400] =	vst v63  }
0x174: {  	_ =	swait.ge [sflag:s12], $0x4000  }
0x175: {  	[sflag:s12] =	ssyncset.done $0x0  }
0x176: {  	[sflag:s12] =	ssyncadd.s32 $0xFFFFC000  }
0x177: {  	[tilespmem:s16], [sflag:$0x2] =	stream.indirect.gather [hbm4b:s4+s14], $0x80, s0, s14, $0xb8;
	[tilespmem:$0x1D400] =	vst v63  }
0x178: {  	_ =	swait.ge [sflag:s17], $0x4000  }
0x179: {  	[sflag:s17] =	ssyncset.done $0x0  }
0x17a: {  	[sflag:s17] =	ssyncadd.s32 $0xFFFFC000  }
0x17b: {  	[spmem:s2] =	stream.indirect.scatter.add.f32 [tilespmem:s15], [sflag:$0x3], $0x80, s7, s14, $0xb8;
	[tilespmem:$0x1D400] =	vst v63  }
0x17c: {  	_ =	swait.ge [sflag:s12], $0x4000  }
0x17d: {  	[sflag:s12] =	ssyncset.done $0x0  }
0x17e: {  	[sflag:s12] =	ssyncadd.s32 $0xFFFFC000  }
0x17f: {  	_ =	swait.ge [sflag:s19], $0x4000  }
0x180: {  	[sflag:s19] =	ssyncset.done $0x0  }
0x181: {  	[sflag:s19] =	ssyncadd.s32 $0xFFFFC000  }
0x182: {  	[spmem:s2] =	stream.indirect.scatter.add.f32 [tilespmem:s16], [sflag:$0x3], $0x80, s8, s14, $0xb8;
	[tilespmem:$0x1D400] =	vst v63  }
0x183: {  	s5 =	simm.s32 $0x180;
	_ =	swait.ge [sflag:s12], $0x4000  }
.LBB2_3:
0x184: {  	s9 =	rddreg [dreg:$0x5];
	s10 =	smov.u32 s5;
	[sflag:s12] =	ssyncset.done $0x0  }
0x185: {  	s9 =	sadd.s32 s10, s9;
	[sflag:s12] =	ssyncadd.s32 $0xFFFFC000  }
0x186: {  	[tilespmem:s3], [sflag:$0x3] =	stream.linear.gather [hbm4b:s9+s3], $0xA00, $0x38;
	[tilespmem:$0x1D400] =	vst v63  }
0x187: {  	_ =	swait.ge [sflag:s12], $0xA00  }
0x188: {  	s9 =	rddreg [dreg:$0x6];
	[sflag:s12] =	ssyncset.done $0x0  }
0x189: {  	[sflag:s12] =	ssyncadd.s32 $0xFFFFF600;
	s9 =	sadd.s32 s10, s9  }
0x18a: {  	[tilespmem:s13], [sflag:$0x3] =	stream.linear.gather [hbm4b:s9+s3], $0xA00, $0x38;
	[tilespmem:$0x1D400] =	vst v63  }
0x18b: {  	_ =	swait.ge [sflag:s12], $0xA00  }
0x18c: {  	[sflag:s12] =	ssyncset.done $0x0  }
0x18d: {  	[sflag:s12] =	ssyncadd.s32 $0xFFFFF600  }
0x18e: {  	[tilespmem:s15], [sflag:$0x1] =	stream.indirect.gather [hbm4b:s4+s14], $0x80, s3, s14, $0xb8;
	[tilespmem:$0x1D400] =	vst v63  }
0x18f: {  	_ = 	snop  }
0x190: {  	[tilespmem:s16], [sflag:$0x2] =	stream.indirect.gather [hbm4b:s4+s14], $0x80, s14, s14, $0xb8;
	[tilespmem:$0x1D400] =	vst v63  }
0x191: {  	_ =	swait.ge [sflag:s17], $0x4000  }
0x192: {  	[sflag:s17] =	ssyncset.done $0x0  }
0x193: {  	[sflag:s17] =	ssyncadd.s32 $0xFFFFC000  }
0x194: {  	[spmem:s2] =	stream.indirect.scatter.add.f32 [tilespmem:s15], [sflag:$0x3], $0x80, s13, s14, $0xb8;
	[tilespmem:$0x1D400] =	vst v63  }
0x195: {  	_ =	swait.ge [sflag:s12], $0x4000  }
0x196: {  	[sflag:s12] =	ssyncset.done $0x0  }
0x197: {  	s10 =	simm.s32 $0x100;
	[sflag:s12] =	ssyncadd.s32 $0xFFFFC000  }
0x198: {  	[tilespmem:s15], [sflag:$0x1] =	stream.indirect.gather [hbm4b:s4+s14], $0x80, s10, s14, $0xb8;
	[tilespmem:$0x1D400] =	vst v63  }
0x199: {  	_ =	swait.ge [sflag:s19], $0x4000  }
0x19a: {  	[sflag:s19] =	ssyncset.done $0x0  }
0x19b: {  	s9 =	simm.s32 $0xC80;
	[sflag:s19] =	ssyncadd.s32 $0xFFFFC000  }
0x19c: {  	[spmem:s2] =	stream.indirect.scatter.add.f32 [tilespmem:s16], [sflag:$0x3], $0x80, s9, s14, $0xb8;
	[tilespmem:$0x1D400] =	vst v63  }
0x19d: {  	_ =	swait.ge [sflag:s12], $0x4000  }
0x19e: {  	[sflag:s12] =	ssyncset.done $0x0  }
0x19f: {  	s10 =	simm.s32 $0x180;
	[sflag:s12] =	ssyncadd.s32 $0xFFFFC000  }
0x1a0: {  	[tilespmem:s16], [sflag:$0x2] =	stream.indirect.gather [hbm4b:s4+s14], $0x80, s10, s14, $0xb8;
	[tilespmem:$0x1D400] =	vst v63  }
0x1a1: {  	_ =	swait.ge [sflag:s17], $0x4000  }
0x1a2: {  	[sflag:s17] =	ssyncset.done $0x0  }
0x1a3: {  	s9 =	simm.s32 $0xD00;
	[sflag:s17] =	ssyncadd.s32 $0xFFFFC000  }
0x1a4: {  	[spmem:s2] =	stream.indirect.scatter.add.f32 [tilespmem:s15], [sflag:$0x3], $0x80, s9, s14, $0xb8;
	[tilespmem:$0x1D400] =	vst v63  }
0x1a5: {  	_ =	swait.ge [sflag:s12], $0x4000  }
0x1a6: {  	[sflag:s12] =	ssyncset.done $0x0  }
0x1a7: {  	s10 =	simm.s32 $0x200;
	[sflag:s12] =	ssyncadd.s32 $0xFFFFC000  }
0x1a8: {  	[tilespmem:s15], [sflag:$0x1] =	stream.indirect.gather [hbm4b:s4+s14], $0x80, s10, s14, $0xb8;
	[tilespmem:$0x1D400] =	vst v63  }
0x1a9: {  	_ =	swait.ge [sflag:s19], $0x4000  }
0x1aa: {  	[sflag:s19] =	ssyncset.done $0x0  }
0x1ab: {  	s9 =	simm.s32 $0xD80;
	[sflag:s19] =	ssyncadd.s32 $0xFFFFC000  }
0x1ac: {  	[spmem:s2] =	stream.indirect.scatter.add.f32 [tilespmem:s16], [sflag:$0x3], $0x80, s9, s14, $0xb8;
	[tilespmem:$0x1D400] =	vst v63  }
0x1ad: {  	_ =	swait.ge [sflag:s12], $0x4000  }
0x1ae: {  	[sflag:s12] =	ssyncset.done $0x0  }
0x1af: {  	s10 =	simm.s32 $0x280;
	[sflag:s12] =	ssyncadd.s32 $0xFFFFC000  }
0x1b0: {  	[tilespmem:s16], [sflag:$0x2] =	stream.indirect.gather [hbm4b:s4+s14], $0x80, s10, s14, $0xb8;
	[tilespmem:$0x1D400] =	vst v63  }
0x1b1: {  	_ =	swait.ge [sflag:s17], $0x4000  }
0x1b2: {  	[sflag:s17] =	ssyncset.done $0x0  }
0x1b3: {  	s9 =	simm.s32 $0xE00;
	[sflag:s17] =	ssyncadd.s32 $0xFFFFC000  }
0x1b4: {  	[spmem:s2] =	stream.indirect.scatter.add.f32 [tilespmem:s15], [sflag:$0x3], $0x80, s9, s14, $0xb8;
	[tilespmem:$0x1D400] =	vst v63  }
0x1b5: {  	_ =	swait.ge [sflag:s12], $0x4000  }
0x1b6: {  	[sflag:s12] =	ssyncset.done $0x0  }
0x1b7: {  	s10 =	simm.s32 $0x300;
	[sflag:s12] =	ssyncadd.s32 $0xFFFFC000  }
0x1b8: {  	[tilespmem:s15], [sflag:$0x1] =	stream.indirect.gather [hbm4b:s4+s14], $0x80, s10, s14, $0xb8;
	[tilespmem:$0x1D400] =	vst v63  }
0x1b9: {  	_ =	swait.ge [sflag:s19], $0x4000  }
0x1ba: {  	[sflag:s19] =	ssyncset.done $0x0  }
0x1bb: {  	s9 =	simm.s32 $0xE80;
	[sflag:s19] =	ssyncadd.s32 $0xFFFFC000  }
0x1bc: {  	[spmem:s2] =	stream.indirect.scatter.add.f32 [tilespmem:s16], [sflag:$0x3], $0x80, s9, s14, $0xb8;
	[tilespmem:$0x1D400] =	vst v63  }
0x1bd: {  	_ =	swait.ge [sflag:s12], $0x4000  }
0x1be: {  	[sflag:s12] =	ssyncset.done $0x0  }
0x1bf: {  	s10 =	simm.s32 $0x380;
	[sflag:s12] =	ssyncadd.s32 $0xFFFFC000  }
0x1c0: {  	[tilespmem:s16], [sflag:$0x2] =	stream.indirect.gather [hbm4b:s4+s14], $0x80, s10, s14, $0xb8;
	[tilespmem:$0x1D400] =	vst v63  }
0x1c1: {  	_ =	swait.ge [sflag:s17], $0x4000  }
0x1c2: {  	[sflag:s17] =	ssyncset.done $0x0  }
0x1c3: {  	s9 =	simm.s32 $0xF00;
	[sflag:s17] =	ssyncadd.s32 $0xFFFFC000  }
0x1c4: {  	[spmem:s2] =	stream.indirect.scatter.add.f32 [tilespmem:s15], [sflag:$0x3], $0x80, s9, s14, $0xb8;
	[tilespmem:$0x1D400] =	vst v63  }
0x1c5: {  	_ =	swait.ge [sflag:s12], $0x4000  }
0x1c6: {  	[sflag:s12] =	ssyncset.done $0x0  }
0x1c7: {  	s10 =	simm.s32 $0x400;
	[sflag:s12] =	ssyncadd.s32 $0xFFFFC000  }
0x1c8: {  	[tilespmem:s15], [sflag:$0x1] =	stream.indirect.gather [hbm4b:s4+s14], $0x80, s10, s14, $0xb8;
	[tilespmem:$0x1D400] =	vst v63  }
0x1c9: {  	_ =	swait.ge [sflag:s19], $0x4000  }
0x1ca: {  	[sflag:s19] =	ssyncset.done $0x0  }
0x1cb: {  	s9 =	simm.s32 $0xF80;
	[sflag:s19] =	ssyncadd.s32 $0xFFFFC000  }
0x1cc: {  	[spmem:s2] =	stream.indirect.scatter.add.f32 [tilespmem:s16], [sflag:$0x3], $0x80, s9, s14, $0xb8;
	[tilespmem:$0x1D400] =	vst v63  }
0x1cd: {  	_ =	swait.ge [sflag:s12], $0x4000  }
0x1ce: {  	[sflag:s12] =	ssyncset.done $0x0  }
0x1cf: {  	s10 =	simm.s32 $0x480;
	[sflag:s12] =	ssyncadd.s32 $0xFFFFC000  }
0x1d0: {  	[tilespmem:s16], [sflag:$0x2] =	stream.indirect.gather [hbm4b:s4+s14], $0x80, s10, s14, $0xb8;
	[tilespmem:$0x1D400] =	vst v63  }
0x1d1: {  	_ =	swait.ge [sflag:s17], $0x4000  }
0x1d2: {  	[sflag:s17] =	ssyncset.done $0x0  }
0x1d3: {  	s9 =	simm.s32 $0x1000;
	[sflag:s17] =	ssyncadd.s32 $0xFFFFC000  }
0x1d4: {  	[spmem:s2] =	stream.indirect.scatter.add.f32 [tilespmem:s15], [sflag:$0x3], $0x80, s9, s14, $0xb8;
	[tilespmem:$0x1D400] =	vst v63  }
0x1d5: {  	_ =	swait.ge [sflag:s12], $0x4000  }
0x1d6: {  	[sflag:s12] =	ssyncset.done $0x0  }
0x1d7: {  	s10 =	simm.s32 $0x500;
	[sflag:s12] =	ssyncadd.s32 $0xFFFFC000  }
0x1d8: {  	[tilespmem:s15], [sflag:$0x1] =	stream.indirect.gather [hbm4b:s4+s14], $0x80, s10, s14, $0xb8;
	[tilespmem:$0x1D400] =	vst v63  }
0x1d9: {  	_ =	swait.ge [sflag:s19], $0x4000  }
0x1da: {  	[sflag:s19] =	ssyncset.done $0x0  }
0x1db: {  	s9 =	simm.s32 $0x1080;
	[sflag:s19] =	ssyncadd.s32 $0xFFFFC000  }
0x1dc: {  	[spmem:s2] =	stream.indirect.scatter.add.f32 [tilespmem:s16], [sflag:$0x3], $0x80, s9, s14, $0xb8;
	[tilespmem:$0x1D400] =	vst v63  }
0x1dd: {  	_ =	swait.ge [sflag:s12], $0x4000  }
0x1de: {  	[sflag:s12] =	ssyncset.done $0x0  }
0x1df: {  	s10 =	simm.s32 $0x580;
	[sflag:s12] =	ssyncadd.s32 $0xFFFFC000  }
0x1e0: {  	[tilespmem:s16], [sflag:$0x2] =	stream.indirect.gather [hbm4b:s4+s14], $0x80, s10, s14, $0xb8;
	[tilespmem:$0x1D400] =	vst v63  }
0x1e1: {  	_ =	swait.ge [sflag:s17], $0x4000  }
0x1e2: {  	[sflag:s17] =	ssyncset.done $0x0  }
0x1e3: {  	[sflag:s17] =	ssyncadd.s32 $0xFFFFC000  }
0x1e4: {  	[spmem:s2] =	stream.indirect.scatter.add.f32 [tilespmem:s15], [sflag:$0x3], $0x80, s6, s14, $0xb8;
	[tilespmem:$0x1D400] =	vst v63  }
0x1e5: {  	_ =	swait.ge [sflag:s12], $0x4000  }
0x1e6: {  	[sflag:s12] =	ssyncset.done $0x0  }
0x1e7: {  	[sflag:s12] =	ssyncadd.s32 $0xFFFFC000  }
0x1e8: {  	[tilespmem:s15], [sflag:$0x1] =	stream.indirect.gather [hbm4b:s4+s14], $0x80, s11, s14, $0xb8;
	[tilespmem:$0x1D400] =	vst v63  }
0x1e9: {  	_ =	swait.ge [sflag:s19], $0x4000  }
0x1ea: {  	[sflag:s19] =	ssyncset.done $0x0  }
0x1eb: {  	[sflag:s19] =	ssyncadd.s32 $0xFFFFC000  }
0x1ec: {  	[spmem:s2] =	stream.indirect.scatter.add.f32 [tilespmem:s16], [sflag:$0x3], $0x80, s18, s14, $0xb8;
	[tilespmem:$0x1D400] =	vst v63  }
0x1ed: {  	_ =	swait.ge [sflag:s12], $0x4000  }
0x1ee: {  	[sflag:s12] =	ssyncset.done $0x0  }
0x1ef: {  	[sflag:s12] =	ssyncadd.s32 $0xFFFFC000  }
0x1f0: {  	[tilespmem:s16], [sflag:$0x2] =	stream.indirect.gather [hbm4b:s4+s14], $0x80, s20, s14, $0xb8;
	[tilespmem:$0x1D400] =	vst v63  }
0x1f1: {  	_ =	swait.ge [sflag:s17], $0x4000  }
0x1f2: {  	[sflag:s17] =	ssyncset.done $0x0  }
0x1f3: {  	[sflag:s17] =	ssyncadd.s32 $0xFFFFC000  }
0x1f4: {  	[spmem:s2] =	stream.indirect.scatter.add.f32 [tilespmem:s15], [sflag:$0x3], $0x80, s21, s14, $0xb8;
	[tilespmem:$0x1D400] =	vst v63  }
0x1f5: {  	_ =	swait.ge [sflag:s12], $0x4000  }
0x1f6: {  	[sflag:s12] =	ssyncset.done $0x0  }
0x1f7: {  	[sflag:s12] =	ssyncadd.s32 $0xFFFFC000  }
0x1f8: {  	[tilespmem:s15], [sflag:$0x1] =	stream.indirect.gather [hbm4b:s4+s14], $0x80, s22, s14, $0xb8;
	[tilespmem:$0x1D400] =	vst v63  }
0x1f9: {  	_ =	swait.ge [sflag:s19], $0x4000  }
0x1fa: {  	[sflag:s19] =	ssyncset.done $0x0  }
0x1fb: {  	[sflag:s19] =	ssyncadd.s32 $0xFFFFC000  }
0x1fc: {  	[spmem:s2] =	stream.indirect.scatter.add.f32 [tilespmem:s16], [sflag:$0x3], $0x80, s23, s14, $0xb8;
	[tilespmem:$0x1D400] =	vst v63  }
0x1fd: {  	_ =	swait.ge [sflag:s12], $0x4000  }
0x1fe: {  	[sflag:s12] =	ssyncset.done $0x0  }
0x1ff: {  	[sflag:s12] =	ssyncadd.s32 $0xFFFFC000  }
0x200: {  	[tilespmem:s16], [sflag:$0x2] =	stream.indirect.gather [hbm4b:s4+s14], $0x80, s24, s14, $0xb8;
	[tilespmem:$0x1D400] =	vst v63  }
0x201: {  	_ =	swait.ge [sflag:s17], $0x4000  }
0x202: {  	[sflag:s17] =	ssyncset.done $0x0  }
0x203: {  	[sflag:s17] =	ssyncadd.s32 $0xFFFFC000  }
0x204: {  	[spmem:s2] =	stream.indirect.scatter.add.f32 [tilespmem:s15], [sflag:$0x3], $0x80, s25, s14, $0xb8;
	[tilespmem:$0x1D400] =	vst v63  }
0x205: {  	_ =	swait.ge [sflag:s12], $0x4000  }
0x206: {  	[sflag:s12] =	ssyncset.done $0x0  }
0x207: {  	[sflag:s12] =	ssyncadd.s32 $0xFFFFC000  }
0x208: {  	[tilespmem:s15], [sflag:$0x1] =	stream.indirect.gather [hbm4b:s4+s14], $0x80, s26, s14, $0xb8;
	[tilespmem:$0x1D400] =	vst v63  }
0x209: {  	_ =	swait.ge [sflag:s19], $0x4000  }
0x20a: {  	[sflag:s19] =	ssyncset.done $0x0  }
0x20b: {  	[sflag:s19] =	ssyncadd.s32 $0xFFFFC000  }
0x20c: {  	[spmem:s2] =	stream.indirect.scatter.add.f32 [tilespmem:s16], [sflag:$0x3], $0x80, s28, s14, $0xb8;
	[tilespmem:$0x1D400] =	vst v63  }
0x20d: {  	_ =	swait.ge [sflag:s12], $0x4000  }
0x20e: {  	[sflag:s12] =	ssyncset.done $0x0  }
0x20f: {  	[sflag:s12] =	ssyncadd.s32 $0xFFFFC000  }
0x210: {  	[tilespmem:s16], [sflag:$0x2] =	stream.indirect.gather [hbm4b:s4+s14], $0x80, s29, s14, $0xb8;
	[tilespmem:$0x1D400] =	vst v63  }
0x211: {  	_ =	swait.ge [sflag:s17], $0x4000  }
0x212: {  	[sflag:s17] =	ssyncset.done $0x0  }
0x213: {  	[sflag:s17] =	ssyncadd.s32 $0xFFFFC000  }
0x214: {  	[spmem:s2] =	stream.indirect.scatter.add.f32 [tilespmem:s15], [sflag:$0x3], $0x80, s30, s14, $0xb8;
	[tilespmem:$0x1D400] =	vst v63  }
0x215: {  	_ =	swait.ge [sflag:s12], $0x4000  }
0x216: {  	[sflag:s12] =	ssyncset.done $0x0  }
0x217: {  	[sflag:s12] =	ssyncadd.s32 $0xFFFFC000  }
0x218: {  	[tilespmem:s15], [sflag:$0x1] =	stream.indirect.gather [hbm4b:s4+s14], $0x80, s31, s14, $0xb8;
	[tilespmem:$0x1D400] =	vst v63  }
0x219: {  	_ =	swait.ge [sflag:s19], $0x4000  }
0x21a: {  	[sflag:s19] =	ssyncset.done $0x0  }
0x21b: {  	[sflag:s19] =	ssyncadd.s32 $0xFFFFC000  }
0x21c: {  	[spmem:s2] =	stream.indirect.scatter.add.f32 [tilespmem:s16], [sflag:$0x3], $0x80, s1, s14, $0xb8;
	[tilespmem:$0x1D400] =	vst v63  }
0x21d: {  	_ =	swait.ge [sflag:s12], $0x4000  }
0x21e: {  	[sflag:s12] =	ssyncset.done $0x0  }
0x21f: {  	[sflag:s12] =	ssyncadd.s32 $0xFFFFC000  }
0x220: {  	[tilespmem:s16], [sflag:$0x2] =	stream.indirect.gather [hbm4b:s4+s14], $0x80, s0, s14, $0xb8;
	[tilespmem:$0x1D400] =	vst v63  }
0x221: {  	_ =	swait.ge [sflag:s17], $0x4000  }
0x222: {  	[sflag:s17] =	ssyncset.done $0x0  }
0x223: {  	[sflag:s17] =	ssyncadd.s32 $0xFFFFC000  }
0x224: {  	[spmem:s2] =	stream.indirect.scatter.add.f32 [tilespmem:s15], [sflag:$0x3], $0x80, s7, s14, $0xb8;
	[tilespmem:$0x1D400] =	vst v63  }
0x225: {  	_ =	swait.ge [sflag:s12], $0x4000  }
0x226: {  	[sflag:s12] =	ssyncset.done $0x0  }
0x227: {  	p1 =	seq.s32 s5, $0x900;
	[sflag:s12] =	ssyncadd.s32 $0xFFFFC000  }
.Ltmp3:
0x228: {  	_ =	swait.ge [sflag:s19], $0x4000;
	(pc) =	sbr.rel @!p1 .LBB2_3-.Ltmp3, $4  }
0x229: {  	[sflag:s19] =	ssyncset.done $0x0  }
0x22a: {  	[sflag:s19] =	ssyncadd.s32 $0xFFFFC000  }
0x22b: {  	[spmem:s2] =	stream.indirect.scatter.add.f32 [tilespmem:s16], [sflag:$0x3], $0x80, s8, s14, $0xb8;
	[tilespmem:$0x1D400] =	vst v63  }
0x22c: {  	s5 =	sadd.s32 $0x180, s5;
	_ =	swait.ge [sflag:s12], $0x4000  }
.Ltmp4:
0x22d: {  	(pc) =	sbr.rel .LBB2_6-.Ltmp4, $3  }
0x22e: {  	_ =	sdelay $0x1  }
0x22f: {  	[sflag:s12] =	ssyncset.done $0x0  }
0x230: {  	[sflag:s12] =	ssyncadd.s32 $0xFFFFC000  }
.LBB2_7:
0x231: {  	_ =	sfence.sel $0x180000  }
0x232: {  	[bflag:$0x0] =	sbarrier.arrive $0xFFFF  }
0x233: {  	_ =	strace $0x9000004D  }
0x234: {  	s0 =	stileid.u32;
	[bflag:$0x2] =	sbarrier.arrive $0xFFFF  }
0x235: {  	p0 =	sne.s32 s0, $0x0;
	s0 =	rddreg [dreg:$0x4]  }
0x236: {  	s0 =	sadd.s32 @!p0 $0x100000, s0  }
0x237: {  	[sflag:s0] =	ssyncadd.tile.s32 @!p0 $0x1;
	_ =	shalt  }
.Lfunc_end2:
_tile_overlayer_lowered:
.L_overlay_start_2:
0x238: {  	(tag) =	ssettag $0x2  }
0x239: {  	s0 =	rddreg [dreg:$0x0];
	s2 =	stileid.u32  }
0x23a: {  	s1 =	rddreg [dreg:$0x1];
	p0 =	sne.s32 s2, $0x0  }
0x23b: {  	s3 =	rddreg [dreg:$0x2];
	[bflag:$0x3] =	sbarrier.arrive $0xFFFF;
	s2 =	simm.s32 @!p0 $0x1C03  }
0x23c: {  	[timem:s3], [sflag:s2] =	dma.local @!p0 [hbm:s0], s1  }
0x23d: {  	s0 =	simm.s32 @!p0 $0x3  }
0x23e: {  	_ =	swait.ge @!p0 [sflag:s0], s1  }
0x23f: {  	s1 =	ssub.s32 @!p0 $0x0, s1;
	[sflag:s0] =	ssyncset.done @!p0 $0x0  }
0x240: {  	[sflag:s0] =	ssyncadd.s32 @!p0 s1  }
0x241: {  	[bflag:$0x3] =	sbarrier.arrive $0xFFFF  }
0x242: {  	_ =	shalt  }

// kernel: kernel.9.cloned.1.call-start
scs
__scs_entry_jumppad:
0x0: {  	(pc) =	sbr.rel $0x88, $3  }
0x1: {  	(tag) =	ssettag $0x0;
	lr =	simm.s32 $0x1  }
0x2: {  	[smem:$0x3F9B] =	sst lr;
	_ =	strace $0xD0000000  }
0x3: {  	_ = 	snop  }
0x4: {  	_ = 	snop  }
0x5: {  	_ = 	snop  }
0x6: {  	_ = 	snop  }
0x7: {  	_ = 	snop  }
__scs_overlays_trampoline_lowered:
0x8: {  	[smem:$0x3FAA] =	sst s0  }
0x9: {  	[smem:$0x3FAB] =	sst s1  }
0xa: {  	[smem:$0x3FAC] =	sst s2  }
0xb: {  	[smem:$0x3FAD] =	sst s3  }
0xc: {  	[smem:$0x3FAE] =	sst s4  }
0xd: {  	[smem:$0x3FAF] =	sst s5  }
0xe: {  	[smem:$0x3FB0] =	sst s6  }
0xf: {  	[smem:$0x3FB1] =	sst s7  }
0x10: {  	[smem:$0x3FB2] =	sst s8  }
0x11: {  	[smem:$0x3FB3] =	sst s9;
	s0 =	simm.s32 @!p0 $0x0  }
0x12: {  	s1 =	sld [smem:$0x3F99];
	s0 =	simm.s32 @p0 $0x1  }
0x13: {  	[smem:$0x3FB4] =	sst s0;
	s0 =	simm.s32 @!p1 $0x0  }
0x14: {  	s2 =	sld [smem:$0x3F98];
	s0 =	simm.s32 @p1 $0x1  }
0x15: {  	[smem:$0x3FB5] =	sst s0;
	s0 =	simm.s32 @!p2 $0x0  }
0x16: {  	s3 =	sld [smem:$0x3FDB];
	s0 =	simm.s32 @p2 $0x1  }
0x17: {  	s4 =	simm.s32 $0x1BF5;
	[smem:$0x3FB7] =	sst s0  }
0x18: {  	s0 =	sld [smem:$0x3F9A];
	_ =	swait.ge [sflag:s4], $0x0  }
0x19: {  	s7 =	sld [smem:$0x3F9B]  }
0x1a: {  	s8 =	sadd.s32 $0xFFFFE003, lr  }
0x1b: {  	s9 =	sadd.s32 $0xFFFFFEF7, lr;
	s5 =	simm.s32 $0xFFFFFFFF;
	p2 =	slt.u32 s8, $0xFFFFF086  }
0x1c: {  	p1 =	slt.u32 s9, $0xF7A;
	s5 =	simm.s32 @!p2 $0x0  }
0x1d: {  	s5 =	simm.s32 @p1 $0x1;
	p0 =	seq.s32 s7, s2  }
0x1e: {  	s7 =	smul.u32 @!p0 $0xF7A, s2;
	p2 =	seq.s32 @!p0 s5, $0x0  }
0x1f: {  	s9 =	smul.u32 $0xF7A, s1;
	s8 =	simm.s32 @!p0 $0x1BF5;
	p2 =	por !p2, p0  }
0x20: {  	[sflag:s8] =	ssyncset.s32 @!p0 $0xFFFFF086;
	s6 =	sadd.s32 @!p0 s3, s7;
	s7 =	simm.s32 @!p0 $0x108  }
0x21: {  	s3 =	sadd.s32 s3, s9;
	s6 =	sadd.s32 @!p0 $0x88, s6;
	s7 =	simm.s32 @p2 $0x1082  }
0x22: {  	[simem:s7], [sflag:s8] =	dma.local @!p0 [hbm:s6], $0xF7A  }
0x23: {  	s9 =	sor.u32 $0xD0000000, s2;
	s6 =	simm.s32 $0x108;
	_ =	swait.ge @!p0 [sflag:s8], $0x0  }
0x24: {  	s3 =	sadd.s32 $0x88, s3;
	s6 =	simm.s32 @!p1 $0x1082;
	[sflag:s4] =	ssyncset.s32 $0xFFFFF086  }
0x25: {  	[simem:s6], [sflag:s4] =	dma.local [hbm:s3], $0xF7A  }
0x26: {  	[smem:$0x3F9B] =	sst s1;
	(tag) =	ssettag s2;
	_ =	strace s9  }
0x27: {  	s1 =	sld [smem:$0x3FAB]  }
0x28: {  	s2 =	sld [smem:$0x3FAC]  }
0x29: {  	s4 =	sld [smem:$0x3FAE]  }
0x2a: {  	p0 =	seq.s32 s5, $0x0;
	s5 =	sld [smem:$0x3FAF]  }
0x2b: {  	s6 =	sld [smem:$0x3FB0]  }
0x2c: {  	s7 =	sld [smem:$0x3FB1]  }
0x2d: {  	s3 =	simm.s32 $0x108;
	s8 =	sld [smem:$0x3FB2]  }
0x2e: {  	s3 =	simm.s32 @!p0 $0x1082;
	s9 =	sld [smem:$0x3FB3]  }
0x2f: {  	lr =	sadd.s32 s0, s3;
	s0 =	sld [smem:$0x3FAA]  }
0x30: {  	s3 =	sld [smem:$0x3FAD]  }
0x31: {  	[smem:$0x3FB6] =	sst s10  }
0x32: {  	s10 =	sld [smem:$0x3FB4];
	_ =	sdelay $0x3  }
0x33: {  	p0 =	seq.s32 s10, $0x1;
	s10 =	sld [smem:$0x3FB6];
	_ =	sdelay $0x3  }
0x34: {  	[smem:$0x3FB6] =	sst s10  }
0x35: {  	s10 =	sld [smem:$0x3FB5];
	_ =	sdelay $0x3  }
0x36: {  	p1 =	seq.s32 s10, $0x1;
	s10 =	sld [smem:$0x3FB6];
	_ =	sdelay $0x3  }
0x37: {  	[smem:$0x3FB6] =	sst s10  }
0x38: {  	s10 =	sld [smem:$0x3FB7]  }
0x39: {  	_ = 	snop;
	(pc) =	sbr.ind lr, $3  }
0x3a: {  	_ = 	snop  }
0x3b: {  	_ = 	snop  }
0x3c: {  	p2 =	seq.s32 s10, $0x1;
	s10 =	sld [smem:$0x3FB6]  }
0x3d: {  	_ =	shalt  }
0x3e: {  	_ =	shalt  }
0x3f: {  	_ =	shalt  }
0x40: {  	_ =	shalt  }
0x41: {  	_ =	shalt  }
0x42: {  	_ =	shalt  }
0x43: {  	_ =	shalt  }
0x44: {  	_ =	shalt  }
0x45: {  	_ =	shalt  }
0x46: {  	_ =	shalt  }
0x47: {  	_ =	shalt  }
0x48: {  	_ =	shalt  }
0x49: {  	_ =	shalt  }
0x4a: {  	_ =	shalt  }
0x4b: {  	_ =	shalt  }
0x4c: {  	_ =	shalt  }
0x4d: {  	_ =	shalt  }
0x4e: {  	_ =	shalt  }
0x4f: {  	_ =	shalt  }
0x50: {  	_ =	shalt  }
0x51: {  	_ =	shalt  }
0x52: {  	_ =	shalt  }
0x53: {  	_ =	shalt  }
0x54: {  	_ =	shalt  }
0x55: {  	_ =	shalt  }
0x56: {  	_ =	shalt  }
0x57: {  	_ =	shalt  }
0x58: {  	_ =	shalt  }
0x59: {  	_ =	shalt  }
0x5a: {  	_ =	shalt  }
0x5b: {  	_ =	shalt  }
0x5c: {  	_ =	shalt  }
0x5d: {  	_ =	shalt  }
0x5e: {  	_ =	shalt  }
0x5f: {  	_ =	shalt  }
0x60: {  	_ =	shalt  }
0x61: {  	_ =	shalt  }
0x62: {  	_ =	shalt  }
0x63: {  	_ =	shalt  }
0x64: {  	_ =	shalt  }
0x65: {  	_ =	shalt  }
0x66: {  	_ =	shalt  }
0x67: {  	_ =	shalt  }
0x68: {  	_ =	shalt  }
0x69: {  	_ =	shalt  }
0x6a: {  	_ =	shalt  }
0x6b: {  	_ =	shalt  }
0x6c: {  	_ =	shalt  }
0x6d: {  	_ =	shalt  }
0x6e: {  	_ =	shalt  }
0x6f: {  	_ =	shalt  }
0x70: {  	_ =	shalt  }
0x71: {  	_ =	shalt  }
0x72: {  	_ =	shalt  }
0x73: {  	_ =	shalt  }
0x74: {  	_ =	shalt  }
0x75: {  	_ =	shalt  }
0x76: {  	_ =	shalt  }
0x77: {  	_ =	shalt  }
0x78: {  	_ =	shalt  }
0x79: {  	_ =	shalt  }
0x7a: {  	_ =	shalt  }
0x7b: {  	_ =	shalt  }
0x7c: {  	_ =	shalt  }
0x7d: {  	_ =	shalt  }
0x7e: {  	_ =	shalt  }
0x7f: {  	_ =	shalt  }
0x80: {  	_ =	shalt  }
0x81: {  	_ =	shalt  }
0x82: {  	_ =	shalt  }
0x83: {  	_ =	shalt  }
0x84: {  	_ =	shalt  }
0x85: {  	_ =	shalt  }
0x86: {  	_ =	shalt  }
0x87: {  	_ =	shalt  }
.Lfunc_end0:
.L_simem_size_0:
called_computation_lowered:
.L_overlay_start_0:
0x88: {  	s2 =	sld [smem:$0x3FD9]  }
0x89: {  	s3 =	sld [smem:$0x3FFE];
	_ =	sdelay $0x1  }
0x8a: {  	s1 =	srdreg.scid  }
0x8b: {  	s0 =	sand.u32 $0x1, s1  }
0x8c: {  	s14 =	sshll.u32 s0, $0xA;
	s2 =	sadd.s32 s3, s2  }
0x8d: {  	s2 =	sadd.s32 s2, s14  }
0x8e: {  	[smem:$0x3FC2] =	sst s2  }
0x8f: {  	_ = 	snop  }
0x90: {  	s2 =	sld [smem:$0x3FD0];
	_ =	sdelay $0x2  }
0x91: {  	s15 =	simm.s32 $0xA;
	s4 =	simm.s32 $0x10  }
0x92: {  	[smem:s4], [sflag:s15] =	dma.local [hbm:s2], $0x1  }
0x93: {  	_ =	swait.eq [sflag:s15], $0x1  }
0x94: {  	[sflag:s15] =	ssyncset.done $0x0  }
0x95: {  	[sflag:s15] =	ssyncadd.s32 $0xFFFFFFFF  }
0x96: {  	s16 =	sld [smem:$0x10];
	(tm) =	ssettm $0x1  }
0x97: {  	s17 =	sld [smem:$0x3FFB];
	_ =	sdelay $0x3  }
0x98: {  	_ =	strace s17  }
0x99: {  	s3 =	sld [smem:$0x3FFC];
	_ =	sdelay $0x3  }
0x9a: {  	_ =	strace s3  }
0x9b: {  	s3 =	sld [smem:$0x3FFD];
	_ =	sdelay $0x3  }
0x9c: {  	_ =	strace s3  }
0x9d: {  	_ =	strace $0x8FFFFFFF  }
0x9e: {  	s18 =	sld [smem:$0x3FDB];
	_ =	sdelay $0x1  }
0x9f: {  	s19 =	simm.s32 $_scs_section_size  }
0xa0: {  	s5 =	simm.s32 $_size__tile_overlayer_lowered;
	s6 =	simm.s32 $_tile_overlayer_lowered  }
0xa1: {  	s22 =	simm.s32 $0x1BFF;
	s21 =	sshll.u32 s6, $0x1;
	s3 =	sadd.s32 s19, s18  }
0xa2: {  	s7 =	simm.s32 $0x0;
	s20 =	sshll.u32 s5, $0x1;
	s5 =	sadd.s32 s21, s3  }
0xa3: {  	[timem:s7], [sflag:s22] =	dma.local [hbm:s5], s20  }
0xa4: {  	_ =	swait.ge [sflag:s22], s20  }
0xa5: {  	s4 =	ssub.s32 $0x0, s20;
	[sflag:s22] =	ssyncset.done $0x0  }
0xa6: {  	[sflag:s22] =	ssyncadd.s32 s4;
	_ =	sdelay $0x1  }
0xa7: {  	s23 =	simm.s32 $0x1B8B  }
0xa8: {  	_ =	swait.ge [sflag:s23], $0x1  }
0xa9: {  	[sflag:s23] =	ssyncset.done $0x0  }
0xaa: {  	s25 =	simm.s32 $0x1B8E;
	s24 =	sld [smem:$0x3FFE];
	[sflag:s23] =	ssyncadd.s32 $0xFFFFFFFF  }
0xab: {  	s26 =	simm.s32 $execute0_lowered;
	[smem:$0x3FD2] =	sst s25  }
0xac: {  	s5 =	sshll.u32 s26, $0x1;
	_ =	strace $0x80000046;
	[dreg:$0x1] =	wrdreg $0xFFFFFFFF  }
0xad: {  	s28 =	simm.s32 $_size_execute0_lowered;
	s3 =	sadd.s32 s3, s5;
	[dreg:$0x0] =	wrdreg $0x0  }
0xae: {  	s5 =	sshll.u32 s28, $0x1;
	[dreg:$0x2] =	wrdreg s3  }
0xaf: {  	[dreg:$0x3] =	wrdreg s5  }
0xb0: {  	[dreg:$0x4] =	wrdreg $0xC0  }
0xb1: {  	_ =	task [dreg:s7], $0x5FFFF  }
0xb2: {  	[dreg:$0x1] =	wrdreg $0xFFFFFFFF  }
0xb3: {  	[dreg:$0x0] =	wrdreg $0x60  }
0xb4: {  	[dreg:$0x2] =	wrdreg s16  }
0xb5: {  	[dreg:$0x3] =	wrdreg s24  }
0xb6: {  	[dreg:$0x4] =	wrdreg $0xA8000  }
0xb7: {  	[dreg:$0x5] =	wrdreg $0x9  }
0xb8: {  	_ =	task.clear_ibuf [dreg:s7], $0x6FFFF;
	_ =	strace $0x90000046  }
0xb9: {  	s29 =	simm.s32 $0x9;
	_ =	strace $0x80000048  }
0xba: {  	_ =	swait.ge [sflag:s29], $0x1  }
0xbb: {  	[sflag:s29] =	ssyncadd.s32 $0xFFFFFFFF  }
0xbc: {  	_ =	strace $0x90000048  }
0xbd: {  	_ =	sfence  }
0xbe: {  	s30 =	sld [smem:$0x0];
	_ =	sdelay $0x2  }
0xbf: {  	s31 =	sshll.u32 s1, $0xD;
	s1 =	sshrl.u32 s1, $0x2  }
0xc0: {  	s3 =	sand.u32 $0x4000, s31;
	s1 =	sadd.s32 s1, s30  }
0xc1: {  	s0 =	sor.u32 s3, s0;
	s1 =	sshll.u32 s1, $0x11  }
0xc2: {  	s0 =	sor.u32 s1, s0  }
0xc3: {  	s0 =	sadd.s32 $0x8F2B, s0  }
0xc4: {  	[sflag:s0] =	ssyncadd.remote.s32 $0x1  }
0xc5: {  	_ =	sfence.sel $0xFFFF  }
0xc6: {  	[dreg:$0x0] =	wrdreg $0xFFFFFFFF;
	(pc) =	sbr.abs _section_cstart, $3  }
0xc7: {  	[dreg:$0x1] =	wrdreg $0xFFFFFFFF  }
0xc8: {  	_ =	task.clear_ibuf [dreg:s7], $0x2FFFF;
	_ =	strace $0x9FFFFFFF  }
0xc9: {  	(tm) =	ssettm $0x7FFFFFFF  }
tec
execute0_lowered:
.L_overlay_start_1:
0x0: {  	(tag) =	ssettag $0x1  }
0x1: {  	s10 =	rddreg [dreg:$0x0]  }
0x2: {  	s6 =	rddreg [dreg:$0x1]  }
0x3: {  	s2 =	rddreg [dreg:$0x2]  }
0x4: {  	s0 =	rddreg [dreg:$0x3];
	s3 =	simm.s32 $0x0  }
0x5: {  	s1 =	stileid.u32;
	s4 =	srdreg.scid;
	s16 =	simm.s32 $0x2800  }
0x6: {  	s17 =	simm.s32 $0x6800;
	s18 =	simm.s32 $0x1400;
	s19 =	simm.s32 $0x80  }
0x7: {  	s20 =	simm.s32 $0x0;
	[smem:$0x7FF] =	sst s3;
	s7 =	smul.u32 $0x13C00, s1  }
0x8: {  	s8 =	sand.u32 $0x1, s4;
	s11 =	sadd.s32 $0x2400, s6;
	s4 =	sadd.s32 $0xCC00, s6  }
0x9: {  	s5 =	sadd.s32 $0xC400, s6;
	s25 =	smul.u32 $0x4F000, s1;
	s13 =	sshll.u32 s1, $0x1  }
0xa: {  	s29 =	sshll.u32 s1, $0x6;
	_ =	strace $0x80000047;
	s12 =	smul.u32 $0x13C000, s8  }
0xb: {  	s14 =	ssub.s32 $0x2, s8;
	s8 =	sor.u32 s8, s13;
	s9 =	sshrl.u32 s7, $0x3  }
0xc: {  	s26 =	sshrl.u32 s14, $0x1;
	s8 =	smul.u32 $0x2800, s8;
	s9 =	sadd.s32 s9, s6  }
0xd: {  	s7 =	sadd.s32 s7, s12;
	s12 =	sshrl.u32 s25, $0x2;
	s13 =	ssub.s32 s14, s26  }
0xe: {  	s7 =	sshrl.u32 s7, $0x3;
	s28 =	sadd.s32 s12, s2;
	s30 =	sshrl.u32 s8, $0x3  }
0xf: {  	s13 =	smax.u32 s13, $0x1;
	s15 =	sadd.s32 s7, s6;
	s6 =	sadd.s32 $0xD400, s9  }
0x10: {  	s7 =	sor.u32 $0x1C01, s29;
	s8 =	sadd.s32 s10, s30;
	s31 =	sadd.s32 $0x280, s30  }
0x11: {  	s9 =	sadd.s32 s11, s30;
	s14 =	sshrl.u32 s28, $0x3;
	s10 =	sadd.s32 s10, s31  }
0x12: {  	s11 =	sadd.s32 s11, s31;
	s12 =	sadd.s32 $0x34C00, s15;
	s15 =	simm.s32 $0x1  }
.LBB2_1:
0x13: {  	[spmem:s14], [sflag:s7] =	dma.local [hbm:s6], $0x2780  }
0x14: {  	_ =	swait.ge [sflag:s15], $0x2780  }
0x15: {  	[sflag:s15] =	ssyncset.done $0x0  }
0x16: {  	[sflag:s15] =	ssyncadd.s32 $0xFFFFD880  }
0x17: {  	[tilespmem:s16], [sflag:$0x1] =	stream.linear.gather [hbm4b:s4+s3], $0x4000, $0x38;
	[tilespmem:$0x1E400] =	vst v63  }
0x18: {  	_ =	swait.ge [sflag:s15], $0x4000  }
0x19: {  	[sflag:s15] =	ssyncset.done $0x0  }
0x1a: {  	[sflag:s15] =	ssyncadd.s32 $0xFFFFC000  }
0x1b: {  	[tilespmem:s17], [sflag:$0x1] =	stream.linear.gather [hbm4b:s5+s3], $0x4000, $0x38;
	[tilespmem:$0x1E400] =	vst v63  }
0x1c: {  	_ =	swait.ge [sflag:s15], $0x4000  }
0x1d: {  	[sflag:s15] =	ssyncset.done $0x0  }
0x1e: {  	[sflag:s15] =	ssyncadd.s32 $0xFFFFC000  }
0x1f: {  	[bflag:$0x0] =	sbarrier.arrive $0xFFFF  }
0x20: {  	[tilespmem:s3], [sflag:$0x1] =	stream.linear.gather [hbm4b:s8+s3], $0x1400, $0x38;
	[tilespmem:$0x1E400] =	vst v63  }
0x21: {  	_ =	swait.ge [sflag:s15], $0x1400  }
0x22: {  	[sflag:s15] =	ssyncset.done $0x0  }
0x23: {  	[sflag:s15] =	ssyncadd.s32 $0xFFFFEC00  }
0x24: {  	[tilespmem:s18], [sflag:$0x1] =	stream.linear.gather [hbm4b:s9+s3], $0x1400, $0x38;
	[tilespmem:$0x1E400] =	vst v63  }
0x25: {  	_ =	swait.ge [sflag:s15], $0x1400  }
0x26: {  	[sflag:s15] =	ssyncset.done $0x0  }
0x27: {  	s21 =	simm.s32 $0x0;
	[sflag:s15] =	ssyncadd.s32 $0xFFFFEC00  }
0x28: {  	[spmem:s2] =	stream.indirect.scatter.add.f32 [tilespmem:s16], [sflag:$0x1], $0x80, s21, s19, $0xb8;
	[tilespmem:$0x1E400] =	vst v63  }
0x29: {  	_ =	swait.ge [sflag:s15], $0x4000  }
0x2a: {  	[sflag:s15] =	ssyncset.done $0x0  }
0x2b: {  	s31 =	simm.s32 $0x1400;
	[sflag:s15] =	ssyncadd.s32 $0xFFFFC000  }
0x2c: {  	[spmem:s2] =	stream.indirect.scatter.add.f32 [tilespmem:s17], [sflag:$0x1], $0x80, s31, s19, $0xb8;
	[tilespmem:$0x1E400] =	vst v63  }
0x2d: {  	_ =	swait.ge [sflag:s15], $0x4000  }
0x2e: {  	s22 =	simm.s32 $0x400;
	s21 =	simm.s32 $0x200;
	[sflag:s15] =	ssyncset.done $0x0  }
.LBB2_2:
0x2f: {  	s23 =	sshra.s32 s21, $0x2  }
0x30: {  	[sflag:s15] =	ssyncadd.s32 $0xFFFFC000;
	s21 =	smov.u32 s22;
	s24 =	sadd.s32 $0x200, s22  }
0x31: {  	[spmem:s2] =	stream.indirect.scatter.add.f32 [tilespmem:s16], [sflag:$0x1], $0x80, s23, s19, $0xb8;
	[tilespmem:$0x1E400] =	vst v63  }
0x32: {  	p0 =	sne.s32 s22, $0x4E00;
	_ =	swait.ge [sflag:s15], $0x4000  }
.Ltmp0:
0x33: {  	[sflag:s15] =	ssyncset.done $0x0;
	(pc) =	sbr.rel @p0 .LBB2_2-.Ltmp0, $4  }
0x34: {  	s22 =	sadd.s32 $0x1400, s23;
	[sflag:s15] =	ssyncadd.s32 $0xFFFFC000  }
0x35: {  	[spmem:s2] =	stream.indirect.scatter.add.f32 [tilespmem:s17], [sflag:$0x1], $0x80, s22, s19, $0xb8;
	[tilespmem:$0x1E400] =	vst v63  }
0x36: {  	_ =	swait.ge [sflag:s15], $0x4000  }
0x37: {  	s22 =	smov.u32 s24;
	[sflag:s15] =	ssyncset.done $0x0  }
0x38: {  	s21 =	sshra.s32 s21, $0x2;
	[sflag:s15] =	ssyncadd.s32 $0xFFFFC000  }
0x39: {  	[spmem:s2] =	stream.indirect.scatter.add.f32 [tilespmem:s16], [sflag:$0x1], $0x80, s21, s19, $0xb8;
	[tilespmem:$0x1E400] =	vst v63  }
0x3a: {  	_ =	swait.ge [sflag:s15], $0x4000  }
0x3b: {  	[sflag:s15] =	ssyncset.done $0x0  }
0x3c: {  	s21 =	sadd.s32 $0x1400, s21;
	[sflag:s15] =	ssyncadd.s32 $0xFFFFC000  }
0x3d: {  	[spmem:s2] =	stream.indirect.scatter.add.f32 [tilespmem:s17], [sflag:$0x1], $0x80, s21, s19, $0xb8;
	[tilespmem:$0x1E400] =	vst v63  }
0x3e: {  	_ =	swait.ge [sflag:s15], $0x4000  }
0x3f: {  	[sflag:s15] =	ssyncset.done $0x0  }
0x40: {  	s29 =	simm.s32 $0x0;
	[sflag:s15] =	ssyncadd.s32 $0xFFFFC000  }
0x41: {  	[tilespmem:s29], [sflag:$0x1] =	stream.linear.gather [hbm4b:s10+s29], $0x1400, $0x38;
	[tilespmem:$0x1E400] =	vst v63  }
0x42: {  	_ =	swait.ge [sflag:s15], $0x1400  }
0x43: {  	[sflag:s15] =	ssyncset.done $0x0  }
0x44: {  	[sflag:s15] =	ssyncadd.s32 $0xFFFFEC00  }
0x45: {  	[tilespmem:s18], [sflag:$0x1] =	stream.linear.gather [hbm4b:s11+s29], $0x1400, $0x38;
	[tilespmem:$0x1E400] =	vst v63  }
0x46: {  	_ =	swait.ge [sflag:s15], $0x1400  }
0x47: {  	[sflag:s15] =	ssyncset.done $0x0  }
0x48: {  	s30 =	simm.s32 $0x0;
	[sflag:s15] =	ssyncadd.s32 $0xFFFFEC00  }
0x49: {  	[spmem:s2] =	stream.indirect.scatter.add.f32 [tilespmem:s16], [sflag:$0x1], $0x80, s30, s19, $0xb8;
	[tilespmem:$0x1E400] =	vst v63  }
0x4a: {  	_ =	swait.ge [sflag:s15], $0x4000  }
0x4b: {  	[sflag:s15] =	ssyncset.done $0x0  }
0x4c: {  	s31 =	simm.s32 $0x1400;
	[sflag:s15] =	ssyncadd.s32 $0xFFFFC000  }
0x4d: {  	[spmem:s2] =	stream.indirect.scatter.add.f32 [tilespmem:s17], [sflag:$0x1], $0x80, s31, s19, $0xb8;
	[tilespmem:$0x1E400] =	vst v63  }
0x4e: {  	_ =	swait.ge [sflag:s15], $0x4000  }
0x4f: {  	s22 =	simm.s32 $0x400;
	s21 =	simm.s32 $0x200;
	[sflag:s15] =	ssyncset.done $0x0  }
.LBB2_4:
0x50: {  	s23 =	sshra.s32 s21, $0x2  }
0x51: {  	[sflag:s15] =	ssyncadd.s32 $0xFFFFC000;
	s21 =	smov.u32 s22;
	s24 =	sadd.s32 $0x200, s22  }
0x52: {  	[spmem:s2] =	stream.indirect.scatter.add.f32 [tilespmem:s16], [sflag:$0x1], $0x80, s23, s19, $0xb8;
	[tilespmem:$0x1E400] =	vst v63  }
0x53: {  	p0 =	sne.s32 s22, $0x4E00;
	_ =	swait.ge [sflag:s15], $0x4000  }
.Ltmp1:
0x54: {  	[sflag:s15] =	ssyncset.done $0x0;
	(pc) =	sbr.rel @p0 .LBB2_4-.Ltmp1, $4  }
0x55: {  	s22 =	sadd.s32 $0x1400, s23;
	[sflag:s15] =	ssyncadd.s32 $0xFFFFC000  }
0x56: {  	[spmem:s2] =	stream.indirect.scatter.add.f32 [tilespmem:s17], [sflag:$0x1], $0x80, s22, s19, $0xb8;
	[tilespmem:$0x1E400] =	vst v63  }
0x57: {  	_ =	swait.ge [sflag:s15], $0x4000  }
0x58: {  	s22 =	smov.u32 s24;
	[sflag:s15] =	ssyncset.done $0x0  }
0x59: {  	s21 =	sshra.s32 s21, $0x2;
	[sflag:s15] =	ssyncadd.s32 $0xFFFFC000  }
0x5a: {  	[spmem:s2] =	stream.indirect.scatter.add.f32 [tilespmem:s16], [sflag:$0x1], $0x80, s21, s19, $0xb8;
	[tilespmem:$0x1E400] =	vst v63  }
0x5b: {  	_ =	swait.ge [sflag:s15], $0x4000  }
0x5c: {  	[sflag:s15] =	ssyncset.done $0x0  }
0x5d: {  	s21 =	sadd.s32 $0x1400, s21;
	[sflag:s15] =	ssyncadd.s32 $0xFFFFC000  }
0x5e: {  	[spmem:s2] =	stream.indirect.scatter.add.f32 [tilespmem:s17], [sflag:$0x1], $0x80, s21, s19, $0xb8;
	[tilespmem:$0x1E400] =	vst v63  }
0x5f: {  	_ =	swait.ge [sflag:s15], $0x4000  }
0x60: {  	s20 =	sadd.s32 $0x1, s20;
	[sflag:s15] =	ssyncset.done $0x0  }
0x61: {  	p0 =	sne.s32 s20, s13;
	[sflag:s15] =	ssyncadd.s32 $0xFFFFC000  }
.Ltmp2:
0x62: {  	[bflag:$0x0] =	sbarrier.arrive $0xFFFF;
	(pc) =	sbr.rel @p0 .LBB2_1-.Ltmp2, $4  }
0x63: {  	[hbm:s12], [sflag:s7] =	dma.local [spmem:s14], $0x2780  }
0x64: {  	_ =	swait.ge [sflag:s15], $0x2780  }
0x65: {  	[sflag:s15] =	ssyncset.done $0x0  }
0x66: {  	[sflag:s15] =	ssyncadd.s32 $0xFFFFD880  }
0x67: {  	_ =	sfence.sel $0x180000  }
0x68: {  	[bflag:$0x0] =	sbarrier.arrive $0xFFFF  }
0x69: {  	p0 =	sne.s32 s1, $0x0;
	_ =	strace $0x90000047  }
0x6a: {  	s0 =	sadd.s32 @!p0 $0x100000, s0;
	[bflag:$0x2] =	sbarrier.arrive $0xFFFF  }
0x6b: {  	[sflag:s0] =	ssyncadd.tile.s32 @!p0 $0x1;
	_ =	shalt  }
.Lfunc_end2:
_tile_overlayer_lowered:
.L_overlay_start_2:
0x6c: {  	(tag) =	ssettag $0x2  }
0x6d: {  	s0 =	rddreg [dreg:$0x0];
	s2 =	stileid.u32  }
0x6e: {  	s1 =	rddreg [dreg:$0x1];
	p0 =	sne.s32 s2, $0x0  }
0x6f: {  	s3 =	rddreg [dreg:$0x2];
	[bflag:$0x3] =	sbarrier.arrive $0xFFFF;
	s2 =	simm.s32 @!p0 $0x1C01  }
0x70: {  	[timem:s3], [sflag:s2] =	dma.local @!p0 [hbm:s0], s1  }
0x71: {  	s0 =	simm.s32 @!p0 $0x1  }
0x72: {  	_ =	swait.ge @!p0 [sflag:s0], s1  }
0x73: {  	s1 =	ssub.s32 @!p0 $0x0, s1;
	[sflag:s0] =	ssyncset.done @!p0 $0x0  }
0x74: {  	[sflag:s0] =	ssyncadd.s32 @!p0 s1  }
0x75: {  	[bflag:$0x3] =	sbarrier.arrive $0xFFFF  }
0x76: {  	_ =	shalt  }

</sc_bundles>
